<compile_context>
chip_gen: v7x
topology: tpu7x:2x2x1
jax: 0.10.2.dev20260603
libtpu: 0.0.44.dev20260713+nightly
codegen_flags: <defaults>
</compile_context>

<pallas_src>
import functools

import jax
import jax.numpy as jnp
from jax import lax
from jax.experimental import pallas as pl
from jax.experimental.pallas import tpu as pltpu
from jax.experimental.pallas import tpu_sc as plsc

N = 10000
E = 320000
D = 128
G = 256

NC = 2
NS = 16
LANES = 16
NW = NC * NS

NPAD = 10240
ROWS_PER_TILE = NPAD // NS
EPAD = 327680
EW = EPAD // NW
BATCH = 128
SUPER = 8
NSUPER = EW // (SUPER * BATCH)

NROWS = EPAD // BATCH
AGG_R0 = 2304
AGG_R1 = NROWS - AGG_R0
NSUP0 = AGG_R0 // (NS * SUPER)
NSUP1 = AGG_R1 // (NS * SUPER)
DEG_R0 = 1280
DEG_R1 = NROWS - DEG_R0
DSUP0 = DEG_R0 // (NS * SUPER)
DSUP1 = DEG_R1 // (NS * SUPER)

RB = 512
DW = 16


def _zero_vmem(ref, rows, cols):
  z = jnp.zeros((LANES,), jnp.float32)
  def body(r, carry):
    for c in range(cols // LANES):
      ref[r, pl.ds(c * LANES, LANES)] = z
    return carry
  lax.fori_loop(0, rows, body, 0)


def _fill_ones_vmem(ref, rows, cols):
  o = jnp.ones((LANES,), jnp.float32)
  def body(r, carry):
    for c in range(cols // LANES):
      ref[r, pl.ds(c * LANES, LANES)] = o
    return carry
  lax.fori_loop(0, rows, body, 0)


def _make_edge_kernel(with_deg):
  mesh = plsc.VectorSubcoreMesh(core_axis_name="c", subcore_axis_name="s")
  out_type = [jax.ShapeDtypeStruct((NC, NPAD, D), jnp.float32)]
  if with_deg:
    out_type.append(jax.ShapeDtypeStruct((NC, NPAD, D), jnp.float32))
  scratch = [
      pltpu.VMEM((2 * SUPER, BATCH), jnp.int32),
      pltpu.VMEM((BATCH, D), jnp.float32),
      pltpu.VMEM((BATCH, D), jnp.float32),
      pltpu.VMEM_SHARED((NPAD, D), jnp.float32),
      pltpu.SemaphoreType.DMA,
      pltpu.SemaphoreType.DMA,
      pltpu.SemaphoreType.DMA,
  ]

  def body(table, sd2d, dst2d, agg_out, *rest):
    if with_deg:
      deg_out = rest[0]
      rest = rest[1:]
    (sdslab, rows0, rows1, agg_sh, sg0, sg1, ss) = rest
    rows = (rows0, rows1)
    sg = (sg0, sg1)
    cid = lax.axis_index("c")
    sid = lax.axis_index("s")
    wid = sid * NC + cid
    row0 = wid * (EW // BATCH)

    def zero_table():
      for k in range(ROWS_PER_TILE // BATCH):
        pltpu.sync_copy(rows0, agg_sh.at[pl.ds(sid * ROWS_PER_TILE + k * BATCH, BATCH)])

    def dump_table(out):
      for k in range(ROWS_PER_TILE // BATCH):
        r = sid * ROWS_PER_TILE + k * BATCH
        pltpu.sync_copy(agg_sh.at[pl.ds(r, BATCH)], out.at[cid, pl.ds(r, BATCH)])

    if with_deg:
      _zero_vmem(rows0, BATCH, D)
      zero_table()
      _fill_ones_vmem(rows0, BATCH, D)
      plsc.subcore_barrier()

      deg_row0 = jnp.where(cid == 0, sid * (DEG_R0 // NS),
                           DEG_R0 + sid * (DEG_R1 // NS))
      deg_nsup = jnp.where(cid == 0, DSUP0, DSUP1)

      def deg_block(b, carry):
        @pl.when(b < deg_nsup)
        def _():
          pltpu.sync_copy(dst2d.at[pl.ds(deg_row0 + b * SUPER, SUPER)],
                          sdslab.at[pl.ds(0, SUPER)])
          descs = [pltpu.async_copy(rows0, agg_sh.at[sdslab.at[j]], ss, add=True)
                   for j in range(SUPER)]
          for de in descs:
            de.wait()
        return carry

      lax.fori_loop(0, max(DSUP0, DSUP1), deg_block, 0)
      plsc.subcore_barrier()
      dump_table(deg_out)

    _zero_vmem(rows0, BATCH, D)
    zero_table()
    plsc.subcore_barrier()

    agg_row0 = jnp.where(cid == 0, sid * (AGG_R0 // NS),
                         AGG_R0 + sid * (AGG_R1 // NS))
    agg_nsup = jnp.where(cid == 0, NSUP0, NSUP1)

    def block(b, carry):
      @pl.when(b < agg_nsup)
      def _():
        r = agg_row0 + b * SUPER
        pltpu.sync_copy(sd2d.at[pl.ds(2 * r, 2 * SUPER)], sdslab)
        g = {0: pltpu.async_copy(table.at[sdslab.at[0]], rows[0], sg[0])}
        for j in range(SUPER - 1):
          g[j].wait()
          g[j + 1] = pltpu.async_copy(table.at[sdslab.at[2 * (j + 1)]],
                                      rows[(j + 1) % 2], sg[(j + 1) % 2])
          pltpu.sync_copy(rows[j % 2], agg_sh.at[sdslab.at[2 * j + 1]], add=True)
        g[SUPER - 1].wait()
        pltpu.sync_copy(rows[(SUPER - 1) % 2], agg_sh.at[sdslab.at[2 * SUPER - 1]], add=True)
      return carry

    lax.fori_loop(0, max(NSUP0, NSUP1), block, 0)
    plsc.subcore_barrier()
    dump_table(agg_out)

  return pl.kernel(body, out_type=out_type, mesh=mesh, scratch_types=scratch)


_edge_deg = _make_edge_kernel(True)
_edge = _make_edge_kernel(False)


def _tc1_body(x_ref, wl_ref, wr_ref, bl_ref, u_ref, v_ref):
  xb = x_ref[...]
  u_ref[...] = jnp.dot(xb, wl_ref[...], preferred_element_type=jnp.float32)
  v_ref[...] = jnp.dot(xb, wr_ref[...], preferred_element_type=jnp.float32) + bl_ref[...]


def _tc2_body(s0, s1, d0, d1, v1, pcol, wl, wr, bl, u2, v2):
  deg = d0[...][:, :1] + d1[...][:, :1]
  rdeg = 1.0 / jnp.maximum(deg, 1.0)
  h1 = jnp.maximum((s0[...] + s1[...]) * rdeg + v1[...], 0.0)
  xs = h1 * pcol[...]
  u2[...] = jnp.dot(xs, wl[...], preferred_element_type=jnp.float32)
  v2[...] = jnp.dot(xs, wr[...], preferred_element_type=jnp.float32) + bl[...]


def _tc3_body(s0, s1, d0, d1, v2, pcol, batch_ref, root_ref, wla, wlb, blin_ref,
              out_ref, acc_r, acc_p, cnt):
  i = pl.program_id(0)

  @pl.when(i == 0)
  def _():
    acc_r[...] = jnp.zeros_like(acc_r)
    acc_p[...] = jnp.zeros_like(acc_p)
    cnt[...] = jnp.zeros_like(cnt)

  deg = d0[...][:, :1] + d1[...][:, :1]
  rdeg = 1.0 / jnp.maximum(deg, 1.0)
  h2 = jnp.maximum((s0[...] + s1[...]) * rdeg + v2[...], 0.0)
  hp = h2 * pcol[...]

  ids = i * RB + lax.broadcasted_iota(jnp.int32, (1, RB), 1)
  onehot_r = (root_ref[...] == ids).astype(jnp.float32)
  acc_r[...] += jnp.dot(onehot_r, h2, preferred_element_type=jnp.float32)

  gids = lax.broadcasted_iota(jnp.int32, (G, 1), 0)
  onehot_b = (batch_ref[...].reshape(1, RB) == gids).astype(jnp.float32)
  acc_p[...] += jnp.dot(onehot_b, hp, preferred_element_type=jnp.float32)
  cnt[...] += jnp.sum(onehot_b, axis=1, keepdims=True)

  @pl.when(i == pl.num_programs(0) - 1)
  def _():
    pooled = acc_p[...] / jnp.maximum(cnt[...], 1.0)
    out_ref[...] = (jnp.dot(acc_r[...], wla[...], preferred_element_type=jnp.float32)
                    + jnp.dot(pooled, wlb[...], preferred_element_type=jnp.float32)
                    + blin_ref[...])


def _row_spec(i):
  return (i, 0)


def _fixed_spec(i):
  return (0, 0)


_tc1 = pl.pallas_call(
    _tc1_body,
    grid=(NPAD // RB,),
    in_specs=[
        pl.BlockSpec((RB, D), _row_spec),
        pl.BlockSpec((D, D), _fixed_spec),
        pl.BlockSpec((D, D), _fixed_spec),
        pl.BlockSpec((1, D), _fixed_spec),
    ],
    out_specs=[pl.BlockSpec((RB, D), _row_spec), pl.BlockSpec((RB, D), _row_spec)],
    out_shape=[jax.ShapeDtypeStruct((NPAD, D), jnp.float32),
               jax.ShapeDtypeStruct((NPAD, D), jnp.float32)],
)

_tc2 = pl.pallas_call(
    _tc2_body,
    grid=(NPAD // RB,),
    in_specs=[
        pl.BlockSpec((RB, D), _row_spec),
        pl.BlockSpec((RB, D), _row_spec),
        pl.BlockSpec((RB, D), _row_spec),
        pl.BlockSpec((RB, D), _row_spec),
        pl.BlockSpec((RB, D), _row_spec),
        pl.BlockSpec((RB, 1), _row_spec),
        pl.BlockSpec((D, D), _fixed_spec),
        pl.BlockSpec((D, D), _fixed_spec),
        pl.BlockSpec((1, D), _fixed_spec),
    ],
    out_specs=[pl.BlockSpec((RB, D), _row_spec), pl.BlockSpec((RB, D), _row_spec)],
    out_shape=[jax.ShapeDtypeStruct((NPAD, D), jnp.float32),
               jax.ShapeDtypeStruct((NPAD, D), jnp.float32)],
)

_tc3 = pl.pallas_call(
    _tc3_body,
    grid=(NPAD // RB,),
    in_specs=[
        pl.BlockSpec((RB, D), _row_spec),
        pl.BlockSpec((RB, D), _row_spec),
        pl.BlockSpec((RB, D), _row_spec),
        pl.BlockSpec((RB, D), _row_spec),
        pl.BlockSpec((RB, D), _row_spec),
        pl.BlockSpec((RB, 1), _row_spec),
        pl.BlockSpec((1, 1, RB), lambda i: (i, 0, 0)),
        pl.BlockSpec((G, 1), _fixed_spec),
        pl.BlockSpec((D, D), _fixed_spec),
        pl.BlockSpec((D, D), _fixed_spec),
        pl.BlockSpec((1, D), _fixed_spec),
    ],
    out_specs=pl.BlockSpec((G, D), _fixed_spec),
    out_shape=jax.ShapeDtypeStruct((G, D), jnp.float32),
    scratch_shapes=[
        pltpu.VMEM((G, D), jnp.float32),
        pltpu.VMEM((G, D), jnp.float32),
        pltpu.VMEM((G, 1), jnp.float32),
    ],
)


def kernel(x, adj_t, root_ptr, p, batch, group_ptr,
           Wl1, bl1, Wr1, Wl2, bl2, Wr2, Wlin, blin):
  del group_ptr
  i32 = jnp.int32
  src = adj_t[0].astype(i32)
  dst = adj_t[1].astype(i32)
  npad = NPAD - N
  epad = EPAD - E

  x_pad = jnp.pad(x, ((0, npad), (0, 0)))
  p_col = jnp.pad(p, (0, npad)).reshape(NPAD, 1)
  batch3d = jnp.pad(batch.astype(i32), (0, npad), constant_values=G).reshape(
      NPAD // RB, 1, RB)
  root_col = root_ptr.astype(i32).reshape(G, 1)

  pad_idx = jnp.full((epad,), N, i32)
  src2d = jnp.concatenate([src, pad_idx]).reshape(EPAD // BATCH, BATCH)
  dst2d = jnp.concatenate([dst, pad_idx]).reshape(EPAD // BATCH, BATCH)
  sd2d = jnp.stack([src2d, dst2d], axis=1).reshape(2 * (EPAD // BATCH), BATCH)

  u1, v1 = _tc1(x_pad, Wl1.T, Wr1.T, bl1.reshape(1, D))
  s1, dg = _edge_deg(u1, sd2d, dst2d)
  u2, v2 = _tc2(s1[0], s1[1], dg[0], dg[1], v1, p_col,
                Wl2.T, Wr2.T, bl2.reshape(1, D))
  (s2,) = _edge(u2, sd2d, dst2d)
  out = _tc3(s2[0], s2[1], dg[0], dg[1], v2, p_col, batch3d, root_col,
             Wlin[:, :D].T, Wlin[:, D:].T, blin.reshape(1, D))
  return out

# --- scband reference (transcript-rebuilt; emitter-appended) ---
"""Pipeline reference for scband-gnn-24807731101722 (READ-ONLY COPY).

The authoritative reference and input builder live on the scoring server;
editing this copy changes nothing except your own understanding.
"""

import jax, jax.numpy as jnp
import numpy as np

N = 10000
E = 320000
D = 128
H = 128
O = 128
G = 256


def setup_inputs(seed: int = 0) -> dict:
    key = jax.random.key(seed)
    ks = jax.random.split(key, 14)
    x = jax.random.normal(ks[0], (N, D), dtype=jnp.float32)
    adj_t = jax.random.randint(ks[1], (2, E), 0, N)
    root_ptr = jax.random.randint(ks[2], (G,), 0, N)
    batch = jnp.sort(jax.random.randint(ks[3], (N,), 0, G))
    p = jax.random.uniform(ks[4], (N,), dtype=jnp.float32)
    group_ptr = jnp.sort(jax.random.randint(ks[5], (N,), 0, N))
    # SAGEConv 1 params (lin_l has bias, lin_r has no bias)
    Wl1 = jax.random.normal(ks[6], (H, D), dtype=jnp.float32) * 0.05
    bl1 = jnp.zeros((H,), dtype=jnp.float32)
    Wr1 = jax.random.normal(ks[7], (H, D), dtype=jnp.float32) * 0.05
    # SAGEConv 2 params
    Wl2 = jax.random.normal(ks[8], (H, H), dtype=jnp.float32) * 0.05
    bl2 = jnp.zeros((H,), dtype=jnp.float32)
    Wr2 = jax.random.normal(ks[9], (H, H), dtype=jnp.float32) * 0.05
    # final linear: in = 2 * node_groups * hidden = 256, out = 128
    Wlin = jax.random.normal(ks[10], (O, 2 * H), dtype=jnp.float32) * 0.05
    blin = jnp.zeros((O,), dtype=jnp.float32)
    return {
        "x": x, "adj_t": adj_t, "root_ptr": root_ptr, "p": p,
        "batch": batch, "group_ptr": group_ptr,
        "Wl1": Wl1, "bl1": bl1, "Wr1": Wr1,
        "Wl2": Wl2, "bl2": bl2, "Wr2": Wr2,
        "Wlin": Wlin, "blin": blin,
    }


def _sage(x, src, dst, Wl, bl, Wr, num_nodes):
    # SAGEConv with mean aggregation: lin_l(mean_{j->i} x_j) + lin_r(x_i)
    msg = x[src]
    agg = jax.ops.segment_sum(msg, dst, num_segments=num_nodes)
    deg = jax.ops.segment_sum(jnp.ones((src.shape[0],), x.dtype), dst, num_segments=num_nodes)
    agg = agg / jnp.clip(deg, 1.0)[:, None]
    return agg @ Wl.T + bl + x @ Wr.T


def reference(x, adj_t, root_ptr, p, batch, group_ptr,
              Wl1, bl1, Wr1, Wl2, bl2, Wr2, Wlin, blin):
    src = adj_t[0]
    dst = adj_t[1]
    n = x.shape[0]
    # conv 1: num_groups == 1, p is None on first layer
    h = jax.nn.relu(_sage(x, src, dst, Wl1, bl1, Wr1, n))
    # dropout is identity in eval mode
    # conv 2: x scaled by p before SAGE
    h = jax.nn.relu(_sage(h * p[:, None], src, dst, Wl2, bl2, Wr2, n))
    # global mean pool of h * p over graphs
    pooled_sum = jax.ops.segment_sum(h * p[:, None], batch, num_segments=G)
    counts = jax.ops.segment_sum(jnp.ones((n,), h.dtype), batch, num_segments=G)
    pooled = pooled_sum / jnp.clip(counts, 1.0)[:, None]
    feat = jnp.concatenate([h[root_ptr], pooled], axis=-1)
    return feat @ Wlin.T + blin

if __name__ == "__main__":
    import jax
    _d = setup_inputs()
    print(jax.jit(kernel)(*tuple(_d.values())))

</pallas_src>

<mosaic_0001>
#map = affine_map<(d0, d1) -> (0, 0)>
#map1 = affine_map<(d0, d1) -> (0, 0, 0)>
module attributes {stable_mosaic.version = 14 : i64} {
  func.func @body(%arg0: i32, %arg1: i32, %arg2: memref<10240x128xf32, #tpu.memory_space<hbm>>, %arg3: memref<5120x128xi32, #tpu.memory_space<hbm>>, %arg4: memref<2560x128xi32, #tpu.memory_space<hbm>>, %arg5: memref<2x10240x128xf32, #tpu.memory_space<hbm>>, %arg6: memref<16x128xi32, #tpu.memory_space<vmem>>, %arg7: memref<128x128xf32, #tpu.memory_space<vmem>>, %arg8: memref<128x128xf32, #tpu.memory_space<vmem>>, %arg9: memref<10240x128xf32, #tpu.memory_space<vmem_shared>>, %arg10: memref<!tpu.dma_semaphore, #tpu.memory_space<semaphore_mem>>, %arg11: memref<!tpu.dma_semaphore, #tpu.memory_space<semaphore_mem>>, %arg12: memref<!tpu.dma_semaphore, #tpu.memory_space<semaphore_mem>>) attributes {dimension_semantics = [#tpu.dimension_semantics<core_parallel>, #tpu.dimension_semantics<subcore_parallel>], iteration_bounds = array<i64: 2, 16>, scalar_prefetch = 0 : i64, scratch_operands = 7 : i64, tpu.core_type = #tpu.core_type<sc_vector_subcore>, window_params = [{transform_indices = #map}, {transform_indices = #map}, {transform_indices = #map}, {transform_indices = #map1}]} {
    %mul3A = arith.constant 2 : i32
    %mul3A_0 = arith.muli %arg1, %mul3A : i32
    %add3A = arith.addi %mul3A_0, %arg0 : i32
    %mul3A_1 = arith.constant 80 : i32
    %mul3A_2 = arith.muli %add3A, %mul3A_1 : i32
    %broadcast_in_dim3A = arith.constant 0.000000e+00 : f32
    %broadcast_in_dim3A_3 = vector.broadcast %broadcast_in_dim3A : f32 to vector<16xf32>
    %scan3A = arith.constant 0 : i32
    %scan3A_4 = arith.constant 0 : i32
    %scan3A_5 = arith.constant 128 : i32
    %scan3A_6 = arith.addi %scan3A_4, %scan3A_5 : i32
    %scan3A_7 = arith.constant 1 : i32
    scf.for %scan3A_67 = %scan3A_4 to %scan3A_6 step %scan3A_7  : i32 {
      %swap3A = arith.index_cast %scan3A_67 : i32 to index
      %swap3A_68 = arith.constant 0 : index
      %swap3A_69 = tpu.vector_load %arg7[%swap3A, %swap3A_68] {strides = array<i32>} : memref<128x128xf32, #tpu.memory_space<vmem>>, vector<1x16xf32>,
      %swap3A_70 = vector.shape_cast %swap3A_69 : vector<1x16xf32> to vector<16xf32>
      %swap3A_71 = vector.shape_cast %broadcast_in_dim3A_3 : vector<16xf32> to vector<1x16xf32>
      tpu.vector_store %arg7[%swap3A, %swap3A_68], %swap3A_71 {strides = array<i32>} : memref<128x128xf32, #tpu.memory_space<vmem>>, vector<1x16xf32>,
      %swap3A_72 = arith.index_cast %scan3A_67 : i32 to index
      %swap3A_73 = arith.constant 16 : index
      %swap3A_74 = tpu.vector_load %arg7[%swap3A_72, %swap3A_73] {strides = array<i32>} : memref<128x128xf32, #tpu.memory_space<vmem>>, vector<1x16xf32>,
      %swap3A_75 = vector.shape_cast %swap3A_74 : vector<1x16xf32> to vector<16xf32>
      %swap3A_76 = vector.shape_cast %broadcast_in_dim3A_3 : vector<16xf32> to vector<1x16xf32>
      tpu.vector_store %arg7[%swap3A_72, %swap3A_73], %swap3A_76 {strides = array<i32>} : memref<128x128xf32, #tpu.memory_space<vmem>>, vector<1x16xf32>,
      %swap3A_77 = arith.index_cast %scan3A_67 : i32 to index
      %swap3A_78 = arith.constant 32 : index
      %swap3A_79 = tpu.vector_load %arg7[%swap3A_77, %swap3A_78] {strides = array<i32>} : memref<128x128xf32, #tpu.memory_space<vmem>>, vector<1x16xf32>,
      %swap3A_80 = vector.shape_cast %swap3A_79 : vector<1x16xf32> to vector<16xf32>
      %swap3A_81 = vector.shape_cast %broadcast_in_dim3A_3 : vector<16xf32> to vector<1x16xf32>
      tpu.vector_store %arg7[%swap3A_77, %swap3A_78], %swap3A_81 {strides = array<i32>} : memref<128x128xf32, #tpu.memory_space<vmem>>, vector<1x16xf32>,
      %swap3A_82 = arith.index_cast %scan3A_67 : i32 to index
      %swap3A_83 = arith.constant 48 : index
      %swap3A_84 = tpu.vector_load %arg7[%swap3A_82, %swap3A_83] {strides = array<i32>} : memref<128x128xf32, #tpu.memory_space<vmem>>, vector<1x16xf32>,
      %swap3A_85 = vector.shape_cast %swap3A_84 : vector<1x16xf32> to vector<16xf32>
      %swap3A_86 = vector.shape_cast %broadcast_in_dim3A_3 : vector<16xf32> to vector<1x16xf32>
      tpu.vector_store %arg7[%swap3A_82, %swap3A_83], %swap3A_86 {strides = array<i32>} : memref<128x128xf32, #tpu.memory_space<vmem>>, vector<1x16xf32>,
      %swap3A_87 = arith.index_cast %scan3A_67 : i32 to index
      %swap3A_88 = arith.constant 64 : index
      %swap3A_89 = tpu.vector_load %arg7[%swap3A_87, %swap3A_88] {strides = array<i32>} : memref<128x128xf32, #tpu.memory_space<vmem>>, vector<1x16xf32>,
      %swap3A_90 = vector.shape_cast %swap3A_89 : vector<1x16xf32> to vector<16xf32>
      %swap3A_91 = vector.shape_cast %broadcast_in_dim3A_3 : vector<16xf32> to vector<1x16xf32>
      tpu.vector_store %arg7[%swap3A_87, %swap3A_88], %swap3A_91 {strides = array<i32>} : memref<128x128xf32, #tpu.memory_space<vmem>>, vector<1x16xf32>,
      %swap3A_92 = arith.index_cast %scan3A_67 : i32 to index
      %swap3A_93 = arith.constant 80 : index
      %swap3A_94 = tpu.vector_load %arg7[%swap3A_92, %swap3A_93] {strides = array<i32>} : memref<128x128xf32, #tpu.memory_space<vmem>>, vector<1x16xf32>,
      %swap3A_95 = vector.shape_cast %swap3A_94 : vector<1x16xf32> to vector<16xf32>
      %swap3A_96 = vector.shape_cast %broadcast_in_dim3A_3 : vector<16xf32> to vector<1x16xf32>
      tpu.vector_store %arg7[%swap3A_92, %swap3A_93], %swap3A_96 {strides = array<i32>} : memref<128x128xf32, #tpu.memory_space<vmem>>, vector<1x16xf32>,
      %swap3A_97 = arith.index_cast %scan3A_67 : i32 to index
      %swap3A_98 = arith.constant 96 : index
      %swap3A_99 = tpu.vector_load %arg7[%swap3A_97, %swap3A_98] {strides = array<i32>} : memref<128x128xf32, #tpu.memory_space<vmem>>, vector<1x16xf32>,
      %swap3A_100 = vector.shape_cast %swap3A_99 : vector<1x16xf32> to vector<16xf32>
      %swap3A_101 = vector.shape_cast %broadcast_in_dim3A_3 : vector<16xf32> to vector<1x16xf32>
      tpu.vector_store %arg7[%swap3A_97, %swap3A_98], %swap3A_101 {strides = array<i32>} : memref<128x128xf32, #tpu.memory_space<vmem>>, vector<1x16xf32>,
      %swap3A_102 = arith.index_cast %scan3A_67 : i32 to index
      %swap3A_103 = arith.constant 112 : index
      %swap3A_104 = tpu.vector_load %arg7[%swap3A_102, %swap3A_103] {strides = array<i32>} : memref<128x128xf32, #tpu.memory_space<vmem>>, vector<1x16xf32>,
      %swap3A_105 = vector.shape_cast %swap3A_104 : vector<1x16xf32> to vector<16xf32>
      %swap3A_106 = vector.shape_cast %broadcast_in_dim3A_3 : vector<16xf32> to vector<1x16xf32>
      tpu.vector_store %arg7[%swap3A_102, %swap3A_103], %swap3A_106 {strides = array<i32>} : memref<128x128xf32, #tpu.memory_space<vmem>>, vector<1x16xf32>,
    }
    %scan3A_8 = arith.constant 128 : i32
    %mul3A_9 = arith.constant 640 : i32
    %mul3A_10 = arith.muli %arg1, %mul3A_9 : i32
    %add3A_11 = arith.constant 0 : i32
    %add3A_12 = arith.addi %mul3A_10, %add3A_11 : i32
    "tpu.region"() ({
      %run_scoped3A = tpu.sem_alloc : memref<!tpu.dma_semaphore, #tpu.memory_space<semaphore_mem>>
      %dma_start3A = arith.constant 0 : i32
      %dma_start3A_67 = tpu.memref_slice %arg9[%add3A_12, %dma_start3A] : memref<10240x128xf32, #tpu.memory_space<vmem_shared>> -> memref<128x128xf32, #tpu.memory_space<vmem_shared>>
      %dma_start3A_68 = arith.constant 0 : i32
      %dma_start3A_69 = tpu.memref_slice %arg9[%add3A_12, %dma_start3A_68] : memref<10240x128xf32, #tpu.memory_space<vmem_shared>> -> memref<128x128xf32, #tpu.memory_space<vmem_shared>>
      tpu.enqueue_dma source(%arg7 : memref<128x128xf32, #tpu.memory_space<vmem>>) target(%dma_start3A_69 : memref<128x128xf32, #tpu.memory_space<vmem_shared>>) target_semaphore(%run_scoped3A : memref<!tpu.dma_semaphore, #tpu.memory_space<semaphore_mem>>)
      %dma_wait3A = arith.constant 0 : i32
      %dma_wait3A_70 = tpu.memref_slice %arg9[%add3A_12, %dma_wait3A] : memref<10240x128xf32, #tpu.memory_space<vmem_shared>> -> memref<128x128xf32, #tpu.memory_space<vmem_shared>>
      %dma_wait3A_71 = arith.constant 0 : i32
      %dma_wait3A_72 = tpu.memref_slice %arg9[%add3A_12, %dma_wait3A_71] : memref<10240x128xf32, #tpu.memory_space<vmem_shared>> -> memref<128x128xf32, #tpu.memory_space<vmem_shared>>
      tpu.wait_dma2 semaphore(%run_scoped3A : memref<!tpu.dma_semaphore, #tpu.memory_space<semaphore_mem>>) src(%arg7 : memref<128x128xf32, #tpu.memory_space<vmem>>) dst(%dma_wait3A_72 : memref<128x128xf32, #tpu.memory_space<vmem_shared>>)
      tpu.yield
    }) : () -> ()
    %mul3A_13 = arith.constant 640 : i32
    %mul3A_14 = arith.muli %arg1, %mul3A_13 : i32
    %add3A_15 = arith.constant 128 : i32
    %add3A_16 = arith.addi %mul3A_14, %add3A_15 : i32
    "tpu.region"() ({
      %run_scoped3A = tpu.sem_alloc : memref<!tpu.dma_semaphore, #tpu.memory_space<semaphore_mem>>
      %dma_start3A = arith.constant 0 : i32
      %dma_start3A_67 = tpu.memref_slice %arg9[%add3A_16, %dma_start3A] : memref<10240x128xf32, #tpu.memory_space<vmem_shared>> -> memref<128x128xf32, #tpu.memory_space<vmem_shared>>
      %dma_start3A_68 = arith.constant 0 : i32
      %dma_start3A_69 = tpu.memref_slice %arg9[%add3A_16, %dma_start3A_68] : memref<10240x128xf32, #tpu.memory_space<vmem_shared>> -> memref<128x128xf32, #tpu.memory_space<vmem_shared>>
      tpu.enqueue_dma source(%arg7 : memref<128x128xf32, #tpu.memory_space<vmem>>) target(%dma_start3A_69 : memref<128x128xf32, #tpu.memory_space<vmem_shared>>) target_semaphore(%run_scoped3A : memref<!tpu.dma_semaphore, #tpu.memory_space<semaphore_mem>>)
      %dma_wait3A = arith.constant 0 : i32
      %dma_wait3A_70 = tpu.memref_slice %arg9[%add3A_16, %dma_wait3A] : memref<10240x128xf32, #tpu.memory_space<vmem_shared>> -> memref<128x128xf32, #tpu.memory_space<vmem_shared>>
      %dma_wait3A_71 = arith.constant 0 : i32
      %dma_wait3A_72 = tpu.memref_slice %arg9[%add3A_16, %dma_wait3A_71] : memref<10240x128xf32, #tpu.memory_space<vmem_shared>> -> memref<128x128xf32, #tpu.memory_space<vmem_shared>>
      tpu.wait_dma2 semaphore(%run_scoped3A : memref<!tpu.dma_semaphore, #tpu.memory_space<semaphore_mem>>) src(%arg7 : memref<128x128xf32, #tpu.memory_space<vmem>>) dst(%dma_wait3A_72 : memref<128x128xf32, #tpu.memory_space<vmem_shared>>)
      tpu.yield
    }) : () -> ()
    %mul3A_17 = arith.constant 640 : i32
    %mul3A_18 = arith.muli %arg1, %mul3A_17 : i32
    %add3A_19 = arith.constant 256 : i32
    %add3A_20 = arith.addi %mul3A_18, %add3A_19 : i32
    "tpu.region"() ({
      %run_scoped3A = tpu.sem_alloc : memref<!tpu.dma_semaphore, #tpu.memory_space<semaphore_mem>>
      %dma_start3A = arith.constant 0 : i32
      %dma_start3A_67 = tpu.memref_slice %arg9[%add3A_20, %dma_start3A] : memref<10240x128xf32, #tpu.memory_space<vmem_shared>> -> memref<128x128xf32, #tpu.memory_space<vmem_shared>>
      %dma_start3A_68 = arith.constant 0 : i32
      %dma_start3A_69 = tpu.memref_slice %arg9[%add3A_20, %dma_start3A_68] : memref<10240x128xf32, #tpu.memory_space<vmem_shared>> -> memref<128x128xf32, #tpu.memory_space<vmem_shared>>
      tpu.enqueue_dma source(%arg7 : memref<128x128xf32, #tpu.memory_space<vmem>>) target(%dma_start3A_69 : memref<128x128xf32, #tpu.memory_space<vmem_shared>>) target_semaphore(%run_scoped3A : memref<!tpu.dma_semaphore, #tpu.memory_space<semaphore_mem>>)
      %dma_wait3A = arith.constant 0 : i32
      %dma_wait3A_70 = tpu.memref_slice %arg9[%add3A_20, %dma_wait3A] : memref<10240x128xf32, #tpu.memory_space<vmem_shared>> -> memref<128x128xf32, #tpu.memory_space<vmem_shared>>
      %dma_wait3A_71 = arith.constant 0 : i32
      %dma_wait3A_72 = tpu.memref_slice %arg9[%add3A_20, %dma_wait3A_71] : memref<10240x128xf32, #tpu.memory_space<vmem_shared>> -> memref<128x128xf32, #tpu.memory_space<vmem_shared>>
      tpu.wait_dma2 semaphore(%run_scoped3A : memref<!tpu.dma_semaphore, #tpu.memory_space<semaphore_mem>>) src(%arg7 : memref<128x128xf32, #tpu.memory_space<vmem>>) dst(%dma_wait3A_72 : memref<128x128xf32, #tpu.memory_space<vmem_shared>>)
      tpu.yield
    }) : () -> ()
    %mul3A_21 = arith.constant 640 : i32
    %mul3A_22 = arith.muli %arg1, %mul3A_21 : i32
    %add3A_23 = arith.constant 384 : i32
    %add3A_24 = arith.addi %mul3A_22, %add3A_23 : i32
    "tpu.region"() ({
      %run_scoped3A = tpu.sem_alloc : memref<!tpu.dma_semaphore, #tpu.memory_space<semaphore_mem>>
      %dma_start3A = arith.constant 0 : i32
      %dma_start3A_67 = tpu.memref_slice %arg9[%add3A_24, %dma_start3A] : memref<10240x128xf32, #tpu.memory_space<vmem_shared>> -> memref<128x128xf32, #tpu.memory_space<vmem_shared>>
      %dma_start3A_68 = arith.constant 0 : i32
      %dma_start3A_69 = tpu.memref_slice %arg9[%add3A_24, %dma_start3A_68] : memref<10240x128xf32, #tpu.memory_space<vmem_shared>> -> memref<128x128xf32, #tpu.memory_space<vmem_shared>>
      tpu.enqueue_dma source(%arg7 : memref<128x128xf32, #tpu.memory_space<vmem>>) target(%dma_start3A_69 : memref<128x128xf32, #tpu.memory_space<vmem_shared>>) target_semaphore(%run_scoped3A : memref<!tpu.dma_semaphore, #tpu.memory_space<semaphore_mem>>)
      %dma_wait3A = arith.constant 0 : i32
      %dma_wait3A_70 = tpu.memref_slice %arg9[%add3A_24, %dma_wait3A] : memref<10240x128xf32, #tpu.memory_space<vmem_shared>> -> memref<128x128xf32, #tpu.memory_space<vmem_shared>>
      %dma_wait3A_71 = arith.constant 0 : i32
      %dma_wait3A_72 = tpu.memref_slice %arg9[%add3A_24, %dma_wait3A_71] : memref<10240x128xf32, #tpu.memory_space<vmem_shared>> -> memref<128x128xf32, #tpu.memory_space<vmem_shared>>
      tpu.wait_dma2 semaphore(%run_scoped3A : memref<!tpu.dma_semaphore, #tpu.memory_space<semaphore_mem>>) src(%arg7 : memref<128x128xf32, #tpu.memory_space<vmem>>) dst(%dma_wait3A_72 : memref<128x128xf32, #tpu.memory_space<vmem_shared>>)
      tpu.yield
    }) : () -> ()
    %mul3A_25 = arith.constant 640 : i32
    %mul3A_26 = arith.muli %arg1, %mul3A_25 : i32
    %add3A_27 = arith.constant 512 : i32
    %add3A_28 = arith.addi %mul3A_26, %add3A_27 : i32
    "tpu.region"() ({
      %run_scoped3A = tpu.sem_alloc : memref<!tpu.dma_semaphore, #tpu.memory_space<semaphore_mem>>
      %dma_start3A = arith.constant 0 : i32
      %dma_start3A_67 = tpu.memref_slice %arg9[%add3A_28, %dma_start3A] : memref<10240x128xf32, #tpu.memory_space<vmem_shared>> -> memref<128x128xf32, #tpu.memory_space<vmem_shared>>
      %dma_start3A_68 = arith.constant 0 : i32
      %dma_start3A_69 = tpu.memref_slice %arg9[%add3A_28, %dma_start3A_68] : memref<10240x128xf32, #tpu.memory_space<vmem_shared>> -> memref<128x128xf32, #tpu.memory_space<vmem_shared>>
      tpu.enqueue_dma source(%arg7 : memref<128x128xf32, #tpu.memory_space<vmem>>) target(%dma_start3A_69 : memref<128x128xf32, #tpu.memory_space<vmem_shared>>) target_semaphore(%run_scoped3A : memref<!tpu.dma_semaphore, #tpu.memory_space<semaphore_mem>>)
      %dma_wait3A = arith.constant 0 : i32
      %dma_wait3A_70 = tpu.memref_slice %arg9[%add3A_28, %dma_wait3A] : memref<10240x128xf32, #tpu.memory_space<vmem_shared>> -> memref<128x128xf32, #tpu.memory_space<vmem_shared>>
      %dma_wait3A_71 = arith.constant 0 : i32
      %dma_wait3A_72 = tpu.memref_slice %arg9[%add3A_28, %dma_wait3A_71] : memref<10240x128xf32, #tpu.memory_space<vmem_shared>> -> memref<128x128xf32, #tpu.memory_space<vmem_shared>>
      tpu.wait_dma2 semaphore(%run_scoped3A : memref<!tpu.dma_semaphore, #tpu.memory_space<semaphore_mem>>) src(%arg7 : memref<128x128xf32, #tpu.memory_space<vmem>>) dst(%dma_wait3A_72 : memref<128x128xf32, #tpu.memory_space<vmem_shared>>)
      tpu.yield
    }) : () -> ()
    %barrier3A = arith.constant 0 : index
    tpu.barrier barrier_id(%barrier3A)
    %eq3A = arith.constant 0 : i32
    %eq3A_29 = arith.cmpi eq, %arg0, %eq3A : i32
    %mul3A_30 = arith.constant 144 : i32
    %mul3A_31 = arith.muli %arg1, %mul3A_30 : i32
    %mul3A_32 = arith.constant 16 : i32
    %mul3A_33 = arith.muli %arg1, %mul3A_32 : i32
    %add3A_34 = arith.constant 2304 : i32
    %add3A_35 = arith.addi %add3A_34, %mul3A_33 : i32
    %select_n3A = arith.select %eq3A_29, %mul3A_31, %add3A_35 : i32
    %eq3A_36 = arith.constant 0 : i32
    %eq3A_37 = arith.cmpi eq, %arg0, %eq3A_36 : i32
    %jit3A = arith.constant 18 : i32
    %jit3A_38 = arith.constant 2 : i32
    %select_n3A_39 = arith.select %eq3A_37, %jit3A, %jit3A_38 : i32
    %scan3A_40 = arith.constant 0 : i32
    %scan3A_41 = arith.constant 0 : i32
    %scan3A_42 = arith.constant 18 : i32
    %scan3A_43 = arith.addi %scan3A_41, %scan3A_42 : i32
    %scan3A_44 = arith.constant 1 : i32
    scf.for %scan3A_67 = %scan3A_41 to %scan3A_43 step %scan3A_44  : i32 {
      %lt3A = arith.cmpi slt, %scan3A_67, %select_n3A_39 : i32
      %convert_element_type3A = arith.extui %lt3A : i1 to i32
      %cond3A = arith.constant 0 : i32
      %cond3A_68 = arith.cmpi ne, %convert_element_type3A, %cond3A : i32
      scf.if %cond3A_68 {
        %mul3A_69 = arith.constant 8 : i32
        %mul3A_70 = arith.muli %scan3A_67, %mul3A_69 : i32
        %add3A_71 = arith.addi %select_n3A, %mul3A_70 : i32
        %mul3A_72 = arith.constant 2 : i32
        %mul3A_73 = arith.muli %mul3A_72, %add3A_71 : i32
        "tpu.region"() ({
          %run_scoped3A_191 = tpu.sem_alloc : memref<!tpu.dma_semaphore, #tpu.memory_space<semaphore_mem>>
          %dma_start3A_192 = arith.constant 0 : i32
          %dma_start3A_193 = tpu.memref_slice %arg3[%mul3A_73, %dma_start3A_192] : memref<5120x128xi32, #tpu.memory_space<hbm>> -> memref<16x128xi32, #tpu.memory_space<hbm>>
          %dma_start3A_194 = arith.constant 0 : i32
          %dma_start3A_195 = tpu.memref_slice %arg3[%mul3A_73, %dma_start3A_194] : memref<5120x128xi32, #tpu.memory_space<hbm>> -> memref<16x128xi32, #tpu.memory_space<hbm>>
          tpu.enqueue_dma source(%dma_start3A_195 : memref<16x128xi32, #tpu.memory_space<hbm>>) target(%arg6 : memref<16x128xi32, #tpu.memory_space<vmem>>) target_semaphore(%run_scoped3A_191 : memref<!tpu.dma_semaphore, #tpu.memory_space<semaphore_mem>>)
          %dma_wait3A_196 = arith.constant 0 : i32
          %dma_wait3A_197 = tpu.memref_slice %arg3[%mul3A_73, %dma_wait3A_196] : memref<5120x128xi32, #tpu.memory_space<hbm>> -> memref<16x128xi32, #tpu.memory_space<hbm>>
          %dma_wait3A_198 = arith.constant 0 : i32
          %dma_wait3A_199 = tpu.memref_slice %arg3[%mul3A_73, %dma_wait3A_198] : memref<5120x128xi32, #tpu.memory_space<hbm>> -> memref<16x128xi32, #tpu.memory_space<hbm>>
          tpu.wait_dma2 semaphore(%run_scoped3A_191 : memref<!tpu.dma_semaphore, #tpu.memory_space<semaphore_mem>>) src(%dma_wait3A_199 : memref<16x128xi32, #tpu.memory_space<hbm>>) dst(%arg6 : memref<16x128xi32, #tpu.memory_space<vmem>>)
          tpu.yield
        }) : () -> ()
        %dma_start3A = arith.constant 0 : i32
        %dma_start3A_74 = arith.constant 0 : i32
        %dma_start3A_75 = tpu.memref_slice %arg6[%dma_start3A, %dma_start3A_74] : memref<16x128xi32, #tpu.memory_space<vmem>> -> memref<1x128xi32, #tpu.memory_space<vmem>>
        %dma_start3A_76 = tpu.memref_squeeze %dma_start3A_75 : memref<1x128xi32, #tpu.memory_space<vmem>> -> memref<128xi32, #tpu.memory_space<vmem>>
        %dma_start3A_77 = arith.constant 0 : i32
        %dma_start3A_78 = arith.constant 0 : i32
        %dma_start3A_79 = tpu.memref_slice %arg2[%dma_start3A_77, %dma_start3A_78] : memref<10240x128xf32, #tpu.memory_space<hbm>> -> memref<10240x128xf32, #tpu.memory_space<hbm>>
        tpu.enqueue_indirect_dma source(%dma_start3A_79 : memref<10240x128xf32, #tpu.memory_space<hbm>>) target(%arg7 : memref<128x128xf32, #tpu.memory_space<vmem>>) offsets(%dma_start3A_76 : memref<128xi32, #tpu.memory_space<vmem>>) semaphore(%arg10 : memref<!tpu.dma_semaphore, #tpu.memory_space<semaphore_mem>>)
        %dma_wait3A = arith.constant 0 : i32
        %dma_wait3A_80 = arith.constant 0 : i32
        %dma_wait3A_81 = tpu.memref_slice %arg6[%dma_wait3A, %dma_wait3A_80] : memref<16x128xi32, #tpu.memory_space<vmem>> -> memref<1x128xi32, #tpu.memory_space<vmem>>
        %dma_wait3A_82 = tpu.memref_squeeze %dma_wait3A_81 : memref<1x128xi32, #tpu.memory_space<vmem>> -> memref<128xi32, #tpu.memory_space<vmem>>
        %dma_wait3A_83 = arith.constant 0 : i32
        %dma_wait3A_84 = arith.constant 0 : i32
        %dma_wait3A_85 = tpu.memref_slice %arg2[%dma_wait3A_83, %dma_wait3A_84] : memref<10240x128xf32, #tpu.memory_space<hbm>> -> memref<10240x128xf32, #tpu.memory_space<hbm>>
        tpu.wait_indirect_dma semaphore(%arg10 : memref<!tpu.dma_semaphore, #tpu.memory_space<semaphore_mem>>) src(%dma_wait3A_85 : memref<10240x128xf32, #tpu.memory_space<hbm>>) dst(%arg7 : memref<128x128xf32, #tpu.memory_space<vmem>>)
        %dma_start3A_86 = arith.constant 2 : i32
        %dma_start3A_87 = arith.constant 0 : i32
        %dma_start3A_88 = tpu.memref_slice %arg6[%dma_start3A_86, %dma_start3A_87] : memref<16x128xi32, #tpu.memory_space<vmem>> -> memref<1x128xi32, #tpu.memory_space<vmem>>
        %dma_start3A_89 = tpu.memref_squeeze %dma_start3A_88 : memref<1x128xi32, #tpu.memory_space<vmem>> -> memref<128xi32, #tpu.memory_space<vmem>>
        %dma_start3A_90 = arith.constant 0 : i32
        %dma_start3A_91 = arith.constant 0 : i32
        %dma_start3A_92 = tpu.memref_slice %arg2[%dma_start3A_90, %dma_start3A_91] : memref<10240x128xf32, #tpu.memory_space<hbm>> -> memref<10240x128xf32, #tpu.memory_space<hbm>>
        tpu.enqueue_indirect_dma source(%dma_start3A_92 : memref<10240x128xf32, #tpu.memory_space<hbm>>) target(%arg8 : memref<128x128xf32, #tpu.memory_space<vmem>>) offsets(%dma_start3A_89 : memref<128xi32, #tpu.memory_space<vmem>>) semaphore(%arg11 : memref<!tpu.dma_semaphore, #tpu.memory_space<semaphore_mem>>)
        %run_scoped3A = arith.constant 1 : i32
        "tpu.region"() ({
          %run_scoped3A_191 = tpu.sem_alloc : memref<!tpu.dma_semaphore, #tpu.memory_space<semaphore_mem>>
          %dma_start3A_192 = arith.constant 0 : i32
          %dma_start3A_193 = tpu.memref_slice %arg6[%run_scoped3A, %dma_start3A_192] : memref<16x128xi32, #tpu.memory_space<vmem>> -> memref<1x128xi32, #tpu.memory_space<vmem>>
          %dma_start3A_194 = tpu.memref_squeeze %dma_start3A_193 : memref<1x128xi32, #tpu.memory_space<vmem>> -> memref<128xi32, #tpu.memory_space<vmem>>
          %dma_start3A_195 = arith.constant 0 : i32
          %dma_start3A_196 = arith.constant 0 : i32
          %dma_start3A_197 = tpu.memref_slice %arg9[%dma_start3A_195, %dma_start3A_196] : memref<10240x128xf32, #tpu.memory_space<vmem_shared>> -> memref<10240x128xf32, #tpu.memory_space<vmem_shared>>
          tpu.enqueue_indirect_dma source(%arg7 : memref<128x128xf32, #tpu.memory_space<vmem>>) target(%dma_start3A_197 : memref<10240x128xf32, #tpu.memory_space<vmem_shared>>) offsets(%dma_start3A_194 : memref<128xi32, #tpu.memory_space<vmem>>) semaphore(%run_scoped3A_191 : memref<!tpu.dma_semaphore, #tpu.memory_space<semaphore_mem>>) {add = true}
          %dma_wait3A_198 = arith.constant 0 : i32
          %dma_wait3A_199 = tpu.memref_slice %arg6[%run_scoped3A, %dma_wait3A_198] : memref<16x128xi32, #tpu.memory_space<vmem>> -> memref<1x128xi32, #tpu.memory_space<vmem>>
          %dma_wait3A_200 = tpu.memref_squeeze %dma_wait3A_199 : memref<1x128xi32, #tpu.memory_space<vmem>> -> memref<128xi32, #tpu.memory_space<vmem>>
          %dma_wait3A_201 = arith.constant 0 : i32
          %dma_wait3A_202 = arith.constant 0 : i32
          %dma_wait3A_203 = tpu.memref_slice %arg9[%dma_wait3A_201, %dma_wait3A_202] : memref<10240x128xf32, #tpu.memory_space<vmem_shared>> -> memref<10240x128xf32, #tpu.memory_space<vmem_shared>>
          tpu.wait_indirect_dma semaphore(%run_scoped3A_191 : memref<!tpu.dma_semaphore, #tpu.memory_space<semaphore_mem>>) src(%arg7 : memref<128x128xf32, #tpu.memory_space<vmem>>) dst(%dma_wait3A_203 : memref<10240x128xf32, #tpu.memory_space<vmem_shared>>)
          tpu.yield
        }) : () -> ()
        %dma_wait3A_93 = arith.constant 2 : i32
        %dma_wait3A_94 = arith.constant 0 : i32
        %dma_wait3A_95 = tpu.memref_slice %arg6[%dma_wait3A_93, %dma_wait3A_94] : memref<16x128xi32, #tpu.memory_space<vmem>> -> memref<1x128xi32, #tpu.memory_space<vmem>>
        %dma_wait3A_96 = tpu.memref_squeeze %dma_wait3A_95 : memref<1x128xi32, #tpu.memory_space<vmem>> -> memref<128xi32, #tpu.memory_space<vmem>>
        %dma_wait3A_97 = arith.constant 0 : i32
        %dma_wait3A_98 = arith.constant 0 : i32
        %dma_wait3A_99 = tpu.memref_slice %arg2[%dma_wait3A_97, %dma_wait3A_98] : memref<10240x128xf32, #tpu.memory_space<hbm>> -> memref<10240x128xf32, #tpu.memory_space<hbm>>
        tpu.wait_indirect_dma semaphore(%arg11 : memref<!tpu.dma_semaphore, #tpu.memory_space<semaphore_mem>>) src(%dma_wait3A_99 : memref<10240x128xf32, #tpu.memory_space<hbm>>) dst(%arg8 : memref<128x128xf32, #tpu.memory_space<vmem>>)
        %dma_start3A_100 = arith.constant 4 : i32
        %dma_start3A_101 = arith.constant 0 : i32
        %dma_start3A_102 = tpu.memref_slice %arg6[%dma_start3A_100, %dma_start3A_101] : memref<16x128xi32, #tpu.memory_space<vmem>> -> memref<1x128xi32, #tpu.memory_space<vmem>>
        %dma_start3A_103 = tpu.memref_squeeze %dma_start3A_102 : memref<1x128xi32, #tpu.memory_space<vmem>> -> memref<128xi32, #tpu.memory_space<vmem>>
        %dma_start3A_104 = arith.constant 0 : i32
        %dma_start3A_105 = arith.constant 0 : i32
        %dma_start3A_106 = tpu.memref_slice %arg2[%dma_start3A_104, %dma_start3A_105] : memref<10240x128xf32, #tpu.memory_space<hbm>> -> memref<10240x128xf32, #tpu.memory_space<hbm>>
        tpu.enqueue_indirect_dma source(%dma_start3A_106 : memref<10240x128xf32, #tpu.memory_space<hbm>>) target(%arg7 : memref<128x128xf32, #tpu.memory_space<vmem>>) offsets(%dma_start3A_103 : memref<128xi32, #tpu.memory_space<vmem>>) semaphore(%arg10 : memref<!tpu.dma_semaphore, #tpu.memory_space<semaphore_mem>>)
        %run_scoped3A_107 = arith.constant 3 : i32
        "tpu.region"() ({
          %run_scoped3A_191 = tpu.sem_alloc : memref<!tpu.dma_semaphore, #tpu.memory_space<semaphore_mem>>
          %dma_start3A_192 = arith.constant 0 : i32
          %dma_start3A_193 = tpu.memref_slice %arg6[%run_scoped3A_107, %dma_start3A_192] : memref<16x128xi32, #tpu.memory_space<vmem>> -> memref<1x128xi32, #tpu.memory_space<vmem>>
          %dma_start3A_194 = tpu.memref_squeeze %dma_start3A_193 : memref<1x128xi32, #tpu.memory_space<vmem>> -> memref<128xi32, #tpu.memory_space<vmem>>
          %dma_start3A_195 = arith.constant 0 : i32
          %dma_start3A_196 = arith.constant 0 : i32
          %dma_start3A_197 = tpu.memref_slice %arg9[%dma_start3A_195, %dma_start3A_196] : memref<10240x128xf32, #tpu.memory_space<vmem_shared>> -> memref<10240x128xf32, #tpu.memory_space<vmem_shared>>
          tpu.enqueue_indirect_dma source(%arg8 : memref<128x128xf32, #tpu.memory_space<vmem>>) target(%dma_start3A_197 : memref<10240x128xf32, #tpu.memory_space<vmem_shared>>) offsets(%dma_start3A_194 : memref<128xi32, #tpu.memory_space<vmem>>) semaphore(%run_scoped3A_191 : memref<!tpu.dma_semaphore, #tpu.memory_space<semaphore_mem>>) {add = true}
          %dma_wait3A_198 = arith.constant 0 : i32
          %dma_wait3A_199 = tpu.memref_slice %arg6[%run_scoped3A_107, %dma_wait3A_198] : memref<16x128xi32, #tpu.memory_space<vmem>> -> memref<1x128xi32, #tpu.memory_space<vmem>>
          %dma_wait3A_200 = tpu.memref_squeeze %dma_wait3A_199 : memref<1x128xi32, #tpu.memory_space<vmem>> -> memref<128xi32, #tpu.memory_space<vmem>>
          %dma_wait3A_201 = arith.constant 0 : i32
          %dma_wait3A_202 = arith.constant 0 : i32
          %dma_wait3A_203 = tpu.memref_slice %arg9[%dma_wait3A_201, %dma_wait3A_202] : memref<10240x128xf32, #tpu.memory_space<vmem_shared>> -> memref<10240x128xf32, #tpu.memory_space<vmem_shared>>
          tpu.wait_indirect_dma semaphore(%run_scoped3A_191 : memref<!tpu.dma_semaphore, #tpu.memory_space<semaphore_mem>>) src(%arg8 : memref<128x128xf32, #tpu.memory_space<vmem>>) dst(%dma_wait3A_203 : memref<10240x128xf32, #tpu.memory_space<vmem_shared>>)
          tpu.yield
        }) : () -> ()
        %dma_wait3A_108 = arith.constant 4 : i32
        %dma_wait3A_109 = arith.constant 0 : i32
        %dma_wait3A_110 = tpu.memref_slice %arg6[%dma_wait3A_108, %dma_wait3A_109] : memref<16x128xi32, #tpu.memory_space<vmem>> -> memref<1x128xi32, #tpu.memory_space<vmem>>
        %dma_wait3A_111 = tpu.memref_squeeze %dma_wait3A_110 : memref<1x128xi32, #tpu.memory_space<vmem>> -> memref<128xi32, #tpu.memory_space<vmem>>
        %dma_wait3A_112 = arith.constant 0 : i32
        %dma_wait3A_113 = arith.constant 0 : i32
        %dma_wait3A_114 = tpu.memref_slice %arg2[%dma_wait3A_112, %dma_wait3A_113] : memref<10240x128xf32, #tpu.memory_space<hbm>> -> memref<10240x128xf32, #tpu.memory_space<hbm>>
        tpu.wait_indirect_dma semaphore(%arg10 : memref<!tpu.dma_semaphore, #tpu.memory_space<semaphore_mem>>) src(%dma_wait3A_114 : memref<10240x128xf32, #tpu.memory_space<hbm>>) dst(%arg7 : memref<128x128xf32, #tpu.memory_space<vmem>>)
        %dma_start3A_115 = arith.constant 6 : i32
        %dma_start3A_116 = arith.constant 0 : i32
        %dma_start3A_117 = tpu.memref_slice %arg6[%dma_start3A_115, %dma_start3A_116] : memref<16x128xi32, #tpu.memory_space<vmem>> -> memref<1x128xi32, #tpu.memory_space<vmem>>
        %dma_start3A_118 = tpu.memref_squeeze %dma_start3A_117 : memref<1x128xi32, #tpu.memory_space<vmem>> -> memref<128xi32, #tpu.memory_space<vmem>>
        %dma_start3A_119 = arith.constant 0 : i32
        %dma_start3A_120 = arith.constant 0 : i32
        %dma_start3A_121 = tpu.memref_slice %arg2[%dma_start3A_119, %dma_start3A_120] : memref<10240x128xf32, #tpu.memory_space<hbm>> -> memref<10240x128xf32, #tpu.memory_space<hbm>>
        tpu.enqueue_indirect_dma source(%dma_start3A_121 : memref<10240x128xf32, #tpu.memory_space<hbm>>) target(%arg8 : memref<128x128xf32, #tpu.memory_space<vmem>>) offsets(%dma_start3A_118 : memref<128xi32, #tpu.memory_space<vmem>>) semaphore(%arg11 : memref<!tpu.dma_semaphore, #tpu.memory_space<semaphore_mem>>)
        %run_scoped3A_122 = arith.constant 5 : i32
        "tpu.region"() ({
          %run_scoped3A_191 = tpu.sem_alloc : memref<!tpu.dma_semaphore, #tpu.memory_space<semaphore_mem>>
          %dma_start3A_192 = arith.constant 0 : i32
          %dma_start3A_193 = tpu.memref_slice %arg6[%run_scoped3A_122, %dma_start3A_192] : memref<16x128xi32, #tpu.memory_space<vmem>> -> memref<1x128xi32, #tpu.memory_space<vmem>>
          %dma_start3A_194 = tpu.memref_squeeze %dma_start3A_193 : memref<1x128xi32, #tpu.memory_space<vmem>> -> memref<128xi32, #tpu.memory_space<vmem>>
          %dma_start3A_195 = arith.constant 0 : i32
          %dma_start3A_196 = arith.constant 0 : i32
          %dma_start3A_197 = tpu.memref_slice %arg9[%dma_start3A_195, %dma_start3A_196] : memref<10240x128xf32, #tpu.memory_space<vmem_shared>> -> memref<10240x128xf32, #tpu.memory_space<vmem_shared>>
          tpu.enqueue_indirect_dma source(%arg7 : memref<128x128xf32, #tpu.memory_space<vmem>>) target(%dma_start3A_197 : memref<10240x128xf32, #tpu.memory_space<vmem_shared>>) offsets(%dma_start3A_194 : memref<128xi32, #tpu.memory_space<vmem>>) semaphore(%run_scoped3A_191 : memref<!tpu.dma_semaphore, #tpu.memory_space<semaphore_mem>>) {add = true}
          %dma_wait3A_198 = arith.constant 0 : i32
          %dma_wait3A_199 = tpu.memref_slice %arg6[%run_scoped3A_122, %dma_wait3A_198] : memref<16x128xi32, #tpu.memory_space<vmem>> -> memref<1x128xi32, #tpu.memory_space<vmem>>
          %dma_wait3A_200 = tpu.memref_squeeze %dma_wait3A_199 : memref<1x128xi32, #tpu.memory_space<vmem>> -> memref<128xi32, #tpu.memory_space<vmem>>
          %dma_wait3A_201 = arith.constant 0 : i32
          %dma_wait3A_202 = arith.constant 0 : i32
          %dma_wait3A_203 = tpu.memref_slice %arg9[%dma_wait3A_201, %dma_wait3A_202] : memref<10240x128xf32, #tpu.memory_space<vmem_shared>> -> memref<10240x128xf32, #tpu.memory_space<vmem_shared>>
          tpu.wait_indirect_dma semaphore(%run_scoped3A_191 : memref<!tpu.dma_semaphore, #tpu.memory_space<semaphore_mem>>) src(%arg7 : memref<128x128xf32, #tpu.memory_space<vmem>>) dst(%dma_wait3A_203 : memref<10240x128xf32, #tpu.memory_space<vmem_shared>>)
          tpu.yield
        }) : () -> ()
        %dma_wait3A_123 = arith.constant 6 : i32
        %dma_wait3A_124 = arith.constant 0 : i32
        %dma_wait3A_125 = tpu.memref_slice %arg6[%dma_wait3A_123, %dma_wait3A_124] : memref<16x128xi32, #tpu.memory_space<vmem>> -> memref<1x128xi32, #tpu.memory_space<vmem>>
        %dma_wait3A_126 = tpu.memref_squeeze %dma_wait3A_125 : memref<1x128xi32, #tpu.memory_space<vmem>> -> memref<128xi32, #tpu.memory_space<vmem>>
        %dma_wait3A_127 = arith.constant 0 : i32
        %dma_wait3A_128 = arith.constant 0 : i32
        %dma_wait3A_129 = tpu.memref_slice %arg2[%dma_wait3A_127, %dma_wait3A_128] : memref<10240x128xf32, #tpu.memory_space<hbm>> -> memref<10240x128xf32, #tpu.memory_space<hbm>>
        tpu.wait_indirect_dma semaphore(%arg11 : memref<!tpu.dma_semaphore, #tpu.memory_space<semaphore_mem>>) src(%dma_wait3A_129 : memref<10240x128xf32, #tpu.memory_space<hbm>>) dst(%arg8 : memref<128x128xf32, #tpu.memory_space<vmem>>)
        %dma_start3A_130 = arith.constant 8 : i32
        %dma_start3A_131 = arith.constant 0 : i32
        %dma_start3A_132 = tpu.memref_slice %arg6[%dma_start3A_130, %dma_start3A_131] : memref<16x128xi32, #tpu.memory_space<vmem>> -> memref<1x128xi32, #tpu.memory_space<vmem>>
        %dma_start3A_133 = tpu.memref_squeeze %dma_start3A_132 : memref<1x128xi32, #tpu.memory_space<vmem>> -> memref<128xi32, #tpu.memory_space<vmem>>
        %dma_start3A_134 = arith.constant 0 : i32
        %dma_start3A_135 = arith.constant 0 : i32
        %dma_start3A_136 = tpu.memref_slice %arg2[%dma_start3A_134, %dma_start3A_135] : memref<10240x128xf32, #tpu.memory_space<hbm>> -> memref<10240x128xf32, #tpu.memory_space<hbm>>
        tpu.enqueue_indirect_dma source(%dma_start3A_136 : memref<10240x128xf32, #tpu.memory_space<hbm>>) target(%arg7 : memref<128x128xf32, #tpu.memory_space<vmem>>) offsets(%dma_start3A_133 : memref<128xi32, #tpu.memory_space<vmem>>) semaphore(%arg10 : memref<!tpu.dma_semaphore, #tpu.memory_space<semaphore_mem>>)
        %run_scoped3A_137 = arith.constant 7 : i32
        "tpu.region"() ({
          %run_scoped3A_191 = tpu.sem_alloc : memref<!tpu.dma_semaphore, #tpu.memory_space<semaphore_mem>>
          %dma_start3A_192 = arith.constant 0 : i32
          %dma_start3A_193 = tpu.memref_slice %arg6[%run_scoped3A_137, %dma_start3A_192] : memref<16x128xi32, #tpu.memory_space<vmem>> -> memref<1x128xi32, #tpu.memory_space<vmem>>
          %dma_start3A_194 = tpu.memref_squeeze %dma_start3A_193 : memref<1x128xi32, #tpu.memory_space<vmem>> -> memref<128xi32, #tpu.memory_space<vmem>>
          %dma_start3A_195 = arith.constant 0 : i32
          %dma_start3A_196 = arith.constant 0 : i32
          %dma_start3A_197 = tpu.memref_slice %arg9[%dma_start3A_195, %dma_start3A_196] : memref<10240x128xf32, #tpu.memory_space<vmem_shared>> -> memref<10240x128xf32, #tpu.memory_space<vmem_shared>>
          tpu.enqueue_indirect_dma source(%arg8 : memref<128x128xf32, #tpu.memory_space<vmem>>) target(%dma_start3A_197 : memref<10240x128xf32, #tpu.memory_space<vmem_shared>>) offsets(%dma_start3A_194 : memref<128xi32, #tpu.memory_space<vmem>>) semaphore(%run_scoped3A_191 : memref<!tpu.dma_semaphore, #tpu.memory_space<semaphore_mem>>) {add = true}
          %dma_wait3A_198 = arith.constant 0 : i32
          %dma_wait3A_199 = tpu.memref_slice %arg6[%run_scoped3A_137, %dma_wait3A_198] : memref<16x128xi32, #tpu.memory_space<vmem>> -> memref<1x128xi32, #tpu.memory_space<vmem>>
          %dma_wait3A_200 = tpu.memref_squeeze %dma_wait3A_199 : memref<1x128xi32, #tpu.memory_space<vmem>> -> memref<128xi32, #tpu.memory_space<vmem>>
          %dma_wait3A_201 = arith.constant 0 : i32
          %dma_wait3A_202 = arith.constant 0 : i32
          %dma_wait3A_203 = tpu.memref_slice %arg9[%dma_wait3A_201, %dma_wait3A_202] : memref<10240x128xf32, #tpu.memory_space<vmem_shared>> -> memref<10240x128xf32, #tpu.memory_space<vmem_shared>>
          tpu.wait_indirect_dma semaphore(%run_scoped3A_191 : memref<!tpu.dma_semaphore, #tpu.memory_space<semaphore_mem>>) src(%arg8 : memref<128x128xf32, #tpu.memory_space<vmem>>) dst(%dma_wait3A_203 : memref<10240x128xf32, #tpu.memory_space<vmem_shared>>)
          tpu.yield
        }) : () -> ()
        %dma_wait3A_138 = arith.constant 8 : i32
        %dma_wait3A_139 = arith.constant 0 : i32
        %dma_wait3A_140 = tpu.memref_slice %arg6[%dma_wait3A_138, %dma_wait3A_139] : memref<16x128xi32, #tpu.memory_space<vmem>> -> memref<1x128xi32, #tpu.memory_space<vmem>>
        %dma_wait3A_141 = tpu.memref_squeeze %dma_wait3A_140 : memref<1x128xi32, #tpu.memory_space<vmem>> -> memref<128xi32, #tpu.memory_space<vmem>>
        %dma_wait3A_142 = arith.constant 0 : i32
        %dma_wait3A_143 = arith.constant 0 : i32
        %dma_wait3A_144 = tpu.memref_slice %arg2[%dma_wait3A_142, %dma_wait3A_143] : memref<10240x128xf32, #tpu.memory_space<hbm>> -> memref<10240x128xf32, #tpu.memory_space<hbm>>
        tpu.wait_indirect_dma semaphore(%arg10 : memref<!tpu.dma_semaphore, #tpu.memory_space<semaphore_mem>>) src(%dma_wait3A_144 : memref<10240x128xf32, #tpu.memory_space<hbm>>) dst(%arg7 : memref<128x128xf32, #tpu.memory_space<vmem>>)
        %dma_start3A_145 = arith.constant 10 : i32
        %dma_start3A_146 = arith.constant 0 : i32
        %dma_start3A_147 = tpu.memref_slice %arg6[%dma_start3A_145, %dma_start3A_146] : memref<16x128xi32, #tpu.memory_space<vmem>> -> memref<1x128xi32, #tpu.memory_space<vmem>>
        %dma_start3A_148 = tpu.memref_squeeze %dma_start3A_147 : memref<1x128xi32, #tpu.memory_space<vmem>> -> memref<128xi32, #tpu.memory_space<vmem>>
        %dma_start3A_149 = arith.constant 0 : i32
        %dma_start3A_150 = arith.constant 0 : i32
        %dma_start3A_151 = tpu.memref_slice %arg2[%dma_start3A_149, %dma_start3A_150] : memref<10240x128xf32, #tpu.memory_space<hbm>> -> memref<10240x128xf32, #tpu.memory_space<hbm>>
        tpu.enqueue_indirect_dma source(%dma_start3A_151 : memref<10240x128xf32, #tpu.memory_space<hbm>>) target(%arg8 : memref<128x128xf32, #tpu.memory_space<vmem>>) offsets(%dma_start3A_148 : memref<128xi32, #tpu.memory_space<vmem>>) semaphore(%arg11 : memref<!tpu.dma_semaphore, #tpu.memory_space<semaphore_mem>>)
        %run_scoped3A_152 = arith.constant 9 : i32
        "tpu.region"() ({
          %run_scoped3A_191 = tpu.sem_alloc : memref<!tpu.dma_semaphore, #tpu.memory_space<semaphore_mem>>
          %dma_start3A_192 = arith.constant 0 : i32
          %dma_start3A_193 = tpu.memref_slice %arg6[%run_scoped3A_152, %dma_start3A_192] : memref<16x128xi32, #tpu.memory_space<vmem>> -> memref<1x128xi32, #tpu.memory_space<vmem>>
          %dma_start3A_194 = tpu.memref_squeeze %dma_start3A_193 : memref<1x128xi32, #tpu.memory_space<vmem>> -> memref<128xi32, #tpu.memory_space<vmem>>
          %dma_start3A_195 = arith.constant 0 : i32
          %dma_start3A_196 = arith.constant 0 : i32
          %dma_start3A_197 = tpu.memref_slice %arg9[%dma_start3A_195, %dma_start3A_196] : memref<10240x128xf32, #tpu.memory_space<vmem_shared>> -> memref<10240x128xf32, #tpu.memory_space<vmem_shared>>
          tpu.enqueue_indirect_dma source(%arg7 : memref<128x128xf32, #tpu.memory_space<vmem>>) target(%dma_start3A_197 : memref<10240x128xf32, #tpu.memory_space<vmem_shared>>) offsets(%dma_start3A_194 : memref<128xi32, #tpu.memory_space<vmem>>) semaphore(%run_scoped3A_191 : memref<!tpu.dma_semaphore, #tpu.memory_space<semaphore_mem>>) {add = true}
          %dma_wait3A_198 = arith.constant 0 : i32
          %dma_wait3A_199 = tpu.memref_slice %arg6[%run_scoped3A_152, %dma_wait3A_198] : memref<16x128xi32, #tpu.memory_space<vmem>> -> memref<1x128xi32, #tpu.memory_space<vmem>>
          %dma_wait3A_200 = tpu.memref_squeeze %dma_wait3A_199 : memref<1x128xi32, #tpu.memory_space<vmem>> -> memref<128xi32, #tpu.memory_space<vmem>>
          %dma_wait3A_201 = arith.constant 0 : i32
          %dma_wait3A_202 = arith.constant 0 : i32
          %dma_wait3A_203 = tpu.memref_slice %arg9[%dma_wait3A_201, %dma_wait3A_202] : memref<10240x128xf32, #tpu.memory_space<vmem_shared>> -> memref<10240x128xf32, #tpu.memory_space<vmem_shared>>
          tpu.wait_indirect_dma semaphore(%run_scoped3A_191 : memref<!tpu.dma_semaphore, #tpu.memory_space<semaphore_mem>>) src(%arg7 : memref<128x128xf32, #tpu.memory_space<vmem>>) dst(%dma_wait3A_203 : memref<10240x128xf32, #tpu.memory_space<vmem_shared>>)
          tpu.yield
        }) : () -> ()
        %dma_wait3A_153 = arith.constant 10 : i32
        %dma_wait3A_154 = arith.constant 0 : i32
        %dma_wait3A_155 = tpu.memref_slice %arg6[%dma_wait3A_153, %dma_wait3A_154] : memref<16x128xi32, #tpu.memory_space<vmem>> -> memref<1x128xi32, #tpu.memory_space<vmem>>
        %dma_wait3A_156 = tpu.memref_squeeze %dma_wait3A_155 : memref<1x128xi32, #tpu.memory_space<vmem>> -> memref<128xi32, #tpu.memory_space<vmem>>
        %dma_wait3A_157 = arith.constant 0 : i32
        %dma_wait3A_158 = arith.constant 0 : i32
        %dma_wait3A_159 = tpu.memref_slice %arg2[%dma_wait3A_157, %dma_wait3A_158] : memref<10240x128xf32, #tpu.memory_space<hbm>> -> memref<10240x128xf32, #tpu.memory_space<hbm>>
        tpu.wait_indirect_dma semaphore(%arg11 : memref<!tpu.dma_semaphore, #tpu.memory_space<semaphore_mem>>) src(%dma_wait3A_159 : memref<10240x128xf32, #tpu.memory_space<hbm>>) dst(%arg8 : memref<128x128xf32, #tpu.memory_space<vmem>>)
        %dma_start3A_160 = arith.constant 12 : i32
        %dma_start3A_161 = arith.constant 0 : i32
        %dma_start3A_162 = tpu.memref_slice %arg6[%dma_start3A_160, %dma_start3A_161] : memref<16x128xi32, #tpu.memory_space<vmem>> -> memref<1x128xi32, #tpu.memory_space<vmem>>
        %dma_start3A_163 = tpu.memref_squeeze %dma_start3A_162 : memref<1x128xi32, #tpu.memory_space<vmem>> -> memref<128xi32, #tpu.memory_space<vmem>>
        %dma_start3A_164 = arith.constant 0 : i32
        %dma_start3A_165 = arith.constant 0 : i32
        %dma_start3A_166 = tpu.memref_slice %arg2[%dma_start3A_164, %dma_start3A_165] : memref<10240x128xf32, #tpu.memory_space<hbm>> -> memref<10240x128xf32, #tpu.memory_space<hbm>>
        tpu.enqueue_indirect_dma source(%dma_start3A_166 : memref<10240x128xf32, #tpu.memory_space<hbm>>) target(%arg7 : memref<128x128xf32, #tpu.memory_space<vmem>>) offsets(%dma_start3A_163 : memref<128xi32, #tpu.memory_space<vmem>>) semaphore(%arg10 : memref<!tpu.dma_semaphore, #tpu.memory_space<semaphore_mem>>)
        %run_scoped3A_167 = arith.constant 11 : i32
        "tpu.region"() ({
          %run_scoped3A_191 = tpu.sem_alloc : memref<!tpu.dma_semaphore, #tpu.memory_space<semaphore_mem>>
          %dma_start3A_192 = arith.constant 0 : i32
          %dma_start3A_193 = tpu.memref_slice %arg6[%run_scoped3A_167, %dma_start3A_192] : memref<16x128xi32, #tpu.memory_space<vmem>> -> memref<1x128xi32, #tpu.memory_space<vmem>>
          %dma_start3A_194 = tpu.memref_squeeze %dma_start3A_193 : memref<1x128xi32, #tpu.memory_space<vmem>> -> memref<128xi32, #tpu.memory_space<vmem>>
          %dma_start3A_195 = arith.constant 0 : i32
          %dma_start3A_196 = arith.constant 0 : i32
          %dma_start3A_197 = tpu.memref_slice %arg9[%dma_start3A_195, %dma_start3A_196] : memref<10240x128xf32, #tpu.memory_space<vmem_shared>> -> memref<10240x128xf32, #tpu.memory_space<vmem_shared>>
          tpu.enqueue_indirect_dma source(%arg8 : memref<128x128xf32, #tpu.memory_space<vmem>>) target(%dma_start3A_197 : memref<10240x128xf32, #tpu.memory_space<vmem_shared>>) offsets(%dma_start3A_194 : memref<128xi32, #tpu.memory_space<vmem>>) semaphore(%run_scoped3A_191 : memref<!tpu.dma_semaphore, #tpu.memory_space<semaphore_mem>>) {add = true}
          %dma_wait3A_198 = arith.constant 0 : i32
          %dma_wait3A_199 = tpu.memref_slice %arg6[%run_scoped3A_167, %dma_wait3A_198] : memref<16x128xi32, #tpu.memory_space<vmem>> -> memref<1x128xi32, #tpu.memory_space<vmem>>
          %dma_wait3A_200 = tpu.memref_squeeze %dma_wait3A_199 : memref<1x128xi32, #tpu.memory_space<vmem>> -> memref<128xi32, #tpu.memory_space<vmem>>
          %dma_wait3A_201 = arith.constant 0 : i32
          %dma_wait3A_202 = arith.constant 0 : i32
          %dma_wait3A_203 = tpu.memref_slice %arg9[%dma_wait3A_201, %dma_wait3A_202] : memref<10240x128xf32, #tpu.memory_space<vmem_shared>> -> memref<10240x128xf32, #tpu.memory_space<vmem_shared>>
          tpu.wait_indirect_dma semaphore(%run_scoped3A_191 : memref<!tpu.dma_semaphore, #tpu.memory_space<semaphore_mem>>) src(%arg8 : memref<128x128xf32, #tpu.memory_space<vmem>>) dst(%dma_wait3A_203 : memref<10240x128xf32, #tpu.memory_space<vmem_shared>>)
          tpu.yield
        }) : () -> ()
        %dma_wait3A_168 = arith.constant 12 : i32
        %dma_wait3A_169 = arith.constant 0 : i32
        %dma_wait3A_170 = tpu.memref_slice %arg6[%dma_wait3A_168, %dma_wait3A_169] : memref<16x128xi32, #tpu.memory_space<vmem>> -> memref<1x128xi32, #tpu.memory_space<vmem>>
        %dma_wait3A_171 = tpu.memref_squeeze %dma_wait3A_170 : memref<1x128xi32, #tpu.memory_space<vmem>> -> memref<128xi32, #tpu.memory_space<vmem>>
        %dma_wait3A_172 = arith.constant 0 : i32
        %dma_wait3A_173 = arith.constant 0 : i32
        %dma_wait3A_174 = tpu.memref_slice %arg2[%dma_wait3A_172, %dma_wait3A_173] : memref<10240x128xf32, #tpu.memory_space<hbm>> -> memref<10240x128xf32, #tpu.memory_space<hbm>>
        tpu.wait_indirect_dma semaphore(%arg10 : memref<!tpu.dma_semaphore, #tpu.memory_space<semaphore_mem>>) src(%dma_wait3A_174 : memref<10240x128xf32, #tpu.memory_space<hbm>>) dst(%arg7 : memref<128x128xf32, #tpu.memory_space<vmem>>)
        %dma_start3A_175 = arith.constant 14 : i32
        %dma_start3A_176 = arith.constant 0 : i32
        %dma_start3A_177 = tpu.memref_slice %arg6[%dma_start3A_175, %dma_start3A_176] : memref<16x128xi32, #tpu.memory_space<vmem>> -> memref<1x128xi32, #tpu.memory_space<vmem>>
        %dma_start3A_178 = tpu.memref_squeeze %dma_start3A_177 : memref<1x128xi32, #tpu.memory_space<vmem>> -> memref<128xi32, #tpu.memory_space<vmem>>
        %dma_start3A_179 = arith.constant 0 : i32
        %dma_start3A_180 = arith.constant 0 : i32
        %dma_start3A_181 = tpu.memref_slice %arg2[%dma_start3A_179, %dma_start3A_180] : memref<10240x128xf32, #tpu.memory_space<hbm>> -> memref<10240x128xf32, #tpu.memory_space<hbm>>
        tpu.enqueue_indirect_dma source(%dma_start3A_181 : memref<10240x128xf32, #tpu.memory_space<hbm>>) target(%arg8 : memref<128x128xf32, #tpu.memory_space<vmem>>) offsets(%dma_start3A_178 : memref<128xi32, #tpu.memory_space<vmem>>) semaphore(%arg11 : memref<!tpu.dma_semaphore, #tpu.memory_space<semaphore_mem>>)
        %run_scoped3A_182 = arith.constant 13 : i32
        "tpu.region"() ({
          %run_scoped3A_191 = tpu.sem_alloc : memref<!tpu.dma_semaphore, #tpu.memory_space<semaphore_mem>>
          %dma_start3A_192 = arith.constant 0 : i32
          %dma_start3A_193 = tpu.memref_slice %arg6[%run_scoped3A_182, %dma_start3A_192] : memref<16x128xi32, #tpu.memory_space<vmem>> -> memref<1x128xi32, #tpu.memory_space<vmem>>
          %dma_start3A_194 = tpu.memref_squeeze %dma_start3A_193 : memref<1x128xi32, #tpu.memory_space<vmem>> -> memref<128xi32, #tpu.memory_space<vmem>>
          %dma_start3A_195 = arith.constant 0 : i32
          %dma_start3A_196 = arith.constant 0 : i32
          %dma_start3A_197 = tpu.memref_slice %arg9[%dma_start3A_195, %dma_start3A_196] : memref<10240x128xf32, #tpu.memory_space<vmem_shared>> -> memref<10240x128xf32, #tpu.memory_space<vmem_shared>>
          tpu.enqueue_indirect_dma source(%arg7 : memref<128x128xf32, #tpu.memory_space<vmem>>) target(%dma_start3A_197 : memref<10240x128xf32, #tpu.memory_space<vmem_shared>>) offsets(%dma_start3A_194 : memref<128xi32, #tpu.memory_space<vmem>>) semaphore(%run_scoped3A_191 : memref<!tpu.dma_semaphore, #tpu.memory_space<semaphore_mem>>) {add = true}
          %dma_wait3A_198 = arith.constant 0 : i32
          %dma_wait3A_199 = tpu.memref_slice %arg6[%run_scoped3A_182, %dma_wait3A_198] : memref<16x128xi32, #tpu.memory_space<vmem>> -> memref<1x128xi32, #tpu.memory_space<vmem>>
          %dma_wait3A_200 = tpu.memref_squeeze %dma_wait3A_199 : memref<1x128xi32, #tpu.memory_space<vmem>> -> memref<128xi32, #tpu.memory_space<vmem>>
          %dma_wait3A_201 = arith.constant 0 : i32
          %dma_wait3A_202 = arith.constant 0 : i32
          %dma_wait3A_203 = tpu.memref_slice %arg9[%dma_wait3A_201, %dma_wait3A_202] : memref<10240x128xf32, #tpu.memory_space<vmem_shared>> -> memref<10240x128xf32, #tpu.memory_space<vmem_shared>>
          tpu.wait_indirect_dma semaphore(%run_scoped3A_191 : memref<!tpu.dma_semaphore, #tpu.memory_space<semaphore_mem>>) src(%arg7 : memref<128x128xf32, #tpu.memory_space<vmem>>) dst(%dma_wait3A_203 : memref<10240x128xf32, #tpu.memory_space<vmem_shared>>)
          tpu.yield
        }) : () -> ()
        %dma_wait3A_183 = arith.constant 14 : i32
        %dma_wait3A_184 = arith.constant 0 : i32
        %dma_wait3A_185 = tpu.memref_slice %arg6[%dma_wait3A_183, %dma_wait3A_184] : memref<16x128xi32, #tpu.memory_space<vmem>> -> memref<1x128xi32, #tpu.memory_space<vmem>>
        %dma_wait3A_186 = tpu.memref_squeeze %dma_wait3A_185 : memref<1x128xi32, #tpu.memory_space<vmem>> -> memref<128xi32, #tpu.memory_space<vmem>>
        %dma_wait3A_187 = arith.constant 0 : i32
        %dma_wait3A_188 = arith.constant 0 : i32
        %dma_wait3A_189 = tpu.memref_slice %arg2[%dma_wait3A_187, %dma_wait3A_188] : memref<10240x128xf32, #tpu.memory_space<hbm>> -> memref<10240x128xf32, #tpu.memory_space<hbm>>
        tpu.wait_indirect_dma semaphore(%arg11 : memref<!tpu.dma_semaphore, #tpu.memory_space<semaphore_mem>>) src(%dma_wait3A_189 : memref<10240x128xf32, #tpu.memory_space<hbm>>) dst(%arg8 : memref<128x128xf32, #tpu.memory_space<vmem>>)
        %run_scoped3A_190 = arith.constant 15 : i32
        "tpu.region"() ({
          %run_scoped3A_191 = tpu.sem_alloc : memref<!tpu.dma_semaphore, #tpu.memory_space<semaphore_mem>>
          %dma_start3A_192 = arith.constant 0 : i32
          %dma_start3A_193 = tpu.memref_slice %arg6[%run_scoped3A_190, %dma_start3A_192] : memref<16x128xi32, #tpu.memory_space<vmem>> -> memref<1x128xi32, #tpu.memory_space<vmem>>
          %dma_start3A_194 = tpu.memref_squeeze %dma_start3A_193 : memref<1x128xi32, #tpu.memory_space<vmem>> -> memref<128xi32, #tpu.memory_space<vmem>>
          %dma_start3A_195 = arith.constant 0 : i32
          %dma_start3A_196 = arith.constant 0 : i32
          %dma_start3A_197 = tpu.memref_slice %arg9[%dma_start3A_195, %dma_start3A_196] : memref<10240x128xf32, #tpu.memory_space<vmem_shared>> -> memref<10240x128xf32, #tpu.memory_space<vmem_shared>>
          tpu.enqueue_indirect_dma source(%arg8 : memref<128x128xf32, #tpu.memory_space<vmem>>) target(%dma_start3A_197 : memref<10240x128xf32, #tpu.memory_space<vmem_shared>>) offsets(%dma_start3A_194 : memref<128xi32, #tpu.memory_space<vmem>>) semaphore(%run_scoped3A_191 : memref<!tpu.dma_semaphore, #tpu.memory_space<semaphore_mem>>) {add = true}
          %dma_wait3A_198 = arith.constant 0 : i32
          %dma_wait3A_199 = tpu.memref_slice %arg6[%run_scoped3A_190, %dma_wait3A_198] : memref<16x128xi32, #tpu.memory_space<vmem>> -> memref<1x128xi32, #tpu.memory_space<vmem>>
          %dma_wait3A_200 = tpu.memref_squeeze %dma_wait3A_199 : memref<1x128xi32, #tpu.memory_space<vmem>> -> memref<128xi32, #tpu.memory_space<vmem>>
          %dma_wait3A_201 = arith.constant 0 : i32
          %dma_wait3A_202 = arith.constant 0 : i32
          %dma_wait3A_203 = tpu.memref_slice %arg9[%dma_wait3A_201, %dma_wait3A_202] : memref<10240x128xf32, #tpu.memory_space<vmem_shared>> -> memref<10240x128xf32, #tpu.memory_space<vmem_shared>>
          tpu.wait_indirect_dma semaphore(%run_scoped3A_191 : memref<!tpu.dma_semaphore, #tpu.memory_space<semaphore_mem>>) src(%arg8 : memref<128x128xf32, #tpu.memory_space<vmem>>) dst(%dma_wait3A_203 : memref<10240x128xf32, #tpu.memory_space<vmem_shared>>)
          tpu.yield
        }) : () -> ()
      } else {
      }
    }
    %scan3A_45 = arith.constant 18 : i32
    %barrier3A_46 = arith.constant 0 : index
    tpu.barrier barrier_id(%barrier3A_46)
    %mul3A_47 = arith.constant 640 : i32
    %mul3A_48 = arith.muli %arg1, %mul3A_47 : i32
    %add3A_49 = arith.constant 0 : i32
    %add3A_50 = arith.addi %mul3A_48, %add3A_49 : i32
    "tpu.region"() ({
      %run_scoped3A = tpu.sem_alloc : memref<!tpu.dma_semaphore, #tpu.memory_space<semaphore_mem>>
      %dma_start3A = arith.constant 0 : i32
      %dma_start3A_67 = tpu.memref_slice %arg5[%arg0, %add3A_50, %dma_start3A] : memref<2x10240x128xf32, #tpu.memory_space<hbm>> -> memref<1x128x128xf32, #tpu.memory_space<hbm>>
      %dma_start3A_68 = tpu.memref_squeeze %dma_start3A_67 : memref<1x128x128xf32, #tpu.memory_space<hbm>> -> memref<128x128xf32, #tpu.memory_space<hbm>>
      %dma_start3A_69 = arith.constant 0 : i32
      %dma_start3A_70 = tpu.memref_slice %arg9[%add3A_50, %dma_start3A_69] : memref<10240x128xf32, #tpu.memory_space<vmem_shared>> -> memref<128x128xf32, #tpu.memory_space<vmem_shared>>
      tpu.enqueue_dma source(%dma_start3A_70 : memref<128x128xf32, #tpu.memory_space<vmem_shared>>) target(%dma_start3A_68 : memref<128x128xf32, #tpu.memory_space<hbm>>) target_semaphore(%run_scoped3A : memref<!tpu.dma_semaphore, #tpu.memory_space<semaphore_mem>>)
      %dma_wait3A = arith.constant 0 : i32
      %dma_wait3A_71 = tpu.memref_slice %arg5[%arg0, %add3A_50, %dma_wait3A] : memref<2x10240x128xf32, #tpu.memory_space<hbm>> -> memref<1x128x128xf32, #tpu.memory_space<hbm>>
      %dma_wait3A_72 = tpu.memref_squeeze %dma_wait3A_71 : memref<1x128x128xf32, #tpu.memory_space<hbm>> -> memref<128x128xf32, #tpu.memory_space<hbm>>
      %dma_wait3A_73 = arith.constant 0 : i32
      %dma_wait3A_74 = tpu.memref_slice %arg9[%add3A_50, %dma_wait3A_73] : memref<10240x128xf32, #tpu.memory_space<vmem_shared>> -> memref<128x128xf32, #tpu.memory_space<vmem_shared>>
      tpu.wait_dma2 semaphore(%run_scoped3A : memref<!tpu.dma_semaphore, #tpu.memory_space<semaphore_mem>>) src(%dma_wait3A_74 : memref<128x128xf32, #tpu.memory_space<vmem_shared>>) dst(%dma_wait3A_72 : memref<128x128xf32, #tpu.memory_space<hbm>>)
      tpu.yield
    }) : () -> ()
    %mul3A_51 = arith.constant 640 : i32
    %mul3A_52 = arith.muli %arg1, %mul3A_51 : i32
    %add3A_53 = arith.constant 128 : i32
    %add3A_54 = arith.addi %mul3A_52, %add3A_53 : i32
    "tpu.region"() ({
      %run_scoped3A = tpu.sem_alloc : memref<!tpu.dma_semaphore, #tpu.memory_space<semaphore_mem>>
      %dma_start3A = arith.constant 0 : i32
      %dma_start3A_67 = tpu.memref_slice %arg5[%arg0, %add3A_54, %dma_start3A] : memref<2x10240x128xf32, #tpu.memory_space<hbm>> -> memref<1x128x128xf32, #tpu.memory_space<hbm>>
      %dma_start3A_68 = tpu.memref_squeeze %dma_start3A_67 : memref<1x128x128xf32, #tpu.memory_space<hbm>> -> memref<128x128xf32, #tpu.memory_space<hbm>>
      %dma_start3A_69 = arith.constant 0 : i32
      %dma_start3A_70 = tpu.memref_slice %arg9[%add3A_54, %dma_start3A_69] : memref<10240x128xf32, #tpu.memory_space<vmem_shared>> -> memref<128x128xf32, #tpu.memory_space<vmem_shared>>
      tpu.enqueue_dma source(%dma_start3A_70 : memref<128x128xf32, #tpu.memory_space<vmem_shared>>) target(%dma_start3A_68 : memref<128x128xf32, #tpu.memory_space<hbm>>) target_semaphore(%run_scoped3A : memref<!tpu.dma_semaphore, #tpu.memory_space<semaphore_mem>>)
      %dma_wait3A = arith.constant 0 : i32
      %dma_wait3A_71 = tpu.memref_slice %arg5[%arg0, %add3A_54, %dma_wait3A] : memref<2x10240x128xf32, #tpu.memory_space<hbm>> -> memref<1x128x128xf32, #tpu.memory_space<hbm>>
      %dma_wait3A_72 = tpu.memref_squeeze %dma_wait3A_71 : memref<1x128x128xf32, #tpu.memory_space<hbm>> -> memref<128x128xf32, #tpu.memory_space<hbm>>
      %dma_wait3A_73 = arith.constant 0 : i32
      %dma_wait3A_74 = tpu.memref_slice %arg9[%add3A_54, %dma_wait3A_73] : memref<10240x128xf32, #tpu.memory_space<vmem_shared>> -> memref<128x128xf32, #tpu.memory_space<vmem_shared>>
      tpu.wait_dma2 semaphore(%run_scoped3A : memref<!tpu.dma_semaphore, #tpu.memory_space<semaphore_mem>>) src(%dma_wait3A_74 : memref<128x128xf32, #tpu.memory_space<vmem_shared>>) dst(%dma_wait3A_72 : memref<128x128xf32, #tpu.memory_space<hbm>>)
      tpu.yield
    }) : () -> ()
    %mul3A_55 = arith.constant 640 : i32
    %mul3A_56 = arith.muli %arg1, %mul3A_55 : i32
    %add3A_57 = arith.constant 256 : i32
    %add3A_58 = arith.addi %mul3A_56, %add3A_57 : i32
    "tpu.region"() ({
      %run_scoped3A = tpu.sem_alloc : memref<!tpu.dma_semaphore, #tpu.memory_space<semaphore_mem>>
      %dma_start3A = arith.constant 0 : i32
      %dma_start3A_67 = tpu.memref_slice %arg5[%arg0, %add3A_58, %dma_start3A] : memref<2x10240x128xf32, #tpu.memory_space<hbm>> -> memref<1x128x128xf32, #tpu.memory_space<hbm>>
      %dma_start3A_68 = tpu.memref_squeeze %dma_start3A_67 : memref<1x128x128xf32, #tpu.memory_space<hbm>> -> memref<128x128xf32, #tpu.memory_space<hbm>>
      %dma_start3A_69 = arith.constant 0 : i32
      %dma_start3A_70 = tpu.memref_slice %arg9[%add3A_58, %dma_start3A_69] : memref<10240x128xf32, #tpu.memory_space<vmem_shared>> -> memref<128x128xf32, #tpu.memory_space<vmem_shared>>
      tpu.enqueue_dma source(%dma_start3A_70 : memref<128x128xf32, #tpu.memory_space<vmem_shared>>) target(%dma_start3A_68 : memref<128x128xf32, #tpu.memory_space<hbm>>) target_semaphore(%run_scoped3A : memref<!tpu.dma_semaphore, #tpu.memory_space<semaphore_mem>>)
      %dma_wait3A = arith.constant 0 : i32
      %dma_wait3A_71 = tpu.memref_slice %arg5[%arg0, %add3A_58, %dma_wait3A] : memref<2x10240x128xf32, #tpu.memory_space<hbm>> -> memref<1x128x128xf32, #tpu.memory_space<hbm>>
      %dma_wait3A_72 = tpu.memref_squeeze %dma_wait3A_71 : memref<1x128x128xf32, #tpu.memory_space<hbm>> -> memref<128x128xf32, #tpu.memory_space<hbm>>
      %dma_wait3A_73 = arith.constant 0 : i32
      %dma_wait3A_74 = tpu.memref_slice %arg9[%add3A_58, %dma_wait3A_73] : memref<10240x128xf32, #tpu.memory_space<vmem_shared>> -> memref<128x128xf32, #tpu.memory_space<vmem_shared>>
      tpu.wait_dma2 semaphore(%run_scoped3A : memref<!tpu.dma_semaphore, #tpu.memory_space<semaphore_mem>>) src(%dma_wait3A_74 : memref<128x128xf32, #tpu.memory_space<vmem_shared>>) dst(%dma_wait3A_72 : memref<128x128xf32, #tpu.memory_space<hbm>>)
      tpu.yield
    }) : () -> ()
    %mul3A_59 = arith.constant 640 : i32
    %mul3A_60 = arith.muli %arg1, %mul3A_59 : i32
    %add3A_61 = arith.constant 384 : i32
    %add3A_62 = arith.addi %mul3A_60, %add3A_61 : i32
    "tpu.region"() ({
      %run_scoped3A = tpu.sem_alloc : memref<!tpu.dma_semaphore, #tpu.memory_space<semaphore_mem>>
      %dma_start3A = arith.constant 0 : i32
      %dma_start3A_67 = tpu.memref_slice %arg5[%arg0, %add3A_62, %dma_start3A] : memref<2x10240x128xf32, #tpu.memory_space<hbm>> -> memref<1x128x128xf32, #tpu.memory_space<hbm>>
      %dma_start3A_68 = tpu.memref_squeeze %dma_start3A_67 : memref<1x128x128xf32, #tpu.memory_space<hbm>> -> memref<128x128xf32, #tpu.memory_space<hbm>>
      %dma_start3A_69 = arith.constant 0 : i32
      %dma_start3A_70 = tpu.memref_slice %arg9[%add3A_62, %dma_start3A_69] : memref<10240x128xf32, #tpu.memory_space<vmem_shared>> -> memref<128x128xf32, #tpu.memory_space<vmem_shared>>
      tpu.enqueue_dma source(%dma_start3A_70 : memref<128x128xf32, #tpu.memory_space<vmem_shared>>) target(%dma_start3A_68 : memref<128x128xf32, #tpu.memory_space<hbm>>) target_semaphore(%run_scoped3A : memref<!tpu.dma_semaphore, #tpu.memory_space<semaphore_mem>>)
      %dma_wait3A = arith.constant 0 : i32
      %dma_wait3A_71 = tpu.memref_slice %arg5[%arg0, %add3A_62, %dma_wait3A] : memref<2x10240x128xf32, #tpu.memory_space<hbm>> -> memref<1x128x128xf32, #tpu.memory_space<hbm>>
      %dma_wait3A_72 = tpu.memref_squeeze %dma_wait3A_71 : memref<1x128x128xf32, #tpu.memory_space<hbm>> -> memref<128x128xf32, #tpu.memory_space<hbm>>
      %dma_wait3A_73 = arith.constant 0 : i32
      %dma_wait3A_74 = tpu.memref_slice %arg9[%add3A_62, %dma_wait3A_73] : memref<10240x128xf32, #tpu.memory_space<vmem_shared>> -> memref<128x128xf32, #tpu.memory_space<vmem_shared>>
      tpu.wait_dma2 semaphore(%run_scoped3A : memref<!tpu.dma_semaphore, #tpu.memory_space<semaphore_mem>>) src(%dma_wait3A_74 : memref<128x128xf32, #tpu.memory_space<vmem_shared>>) dst(%dma_wait3A_72 : memref<128x128xf32, #tpu.memory_space<hbm>>)
      tpu.yield
    }) : () -> ()
    %mul3A_63 = arith.constant 640 : i32
    %mul3A_64 = arith.muli %arg1, %mul3A_63 : i32
    %add3A_65 = arith.constant 512 : i32
    %add3A_66 = arith.addi %mul3A_64, %add3A_65 : i32
    "tpu.region"() ({
      %run_scoped3A = tpu.sem_alloc : memref<!tpu.dma_semaphore, #tpu.memory_space<semaphore_mem>>
      %dma_start3A = arith.constant 0 : i32
      %dma_start3A_67 = tpu.memref_slice %arg5[%arg0, %add3A_66, %dma_start3A] : memref<2x10240x128xf32, #tpu.memory_space<hbm>> -> memref<1x128x128xf32, #tpu.memory_space<hbm>>
      %dma_start3A_68 = tpu.memref_squeeze %dma_start3A_67 : memref<1x128x128xf32, #tpu.memory_space<hbm>> -> memref<128x128xf32, #tpu.memory_space<hbm>>
      %dma_start3A_69 = arith.constant 0 : i32
      %dma_start3A_70 = tpu.memref_slice %arg9[%add3A_66, %dma_start3A_69] : memref<10240x128xf32, #tpu.memory_space<vmem_shared>> -> memref<128x128xf32, #tpu.memory_space<vmem_shared>>
      tpu.enqueue_dma source(%dma_start3A_70 : memref<128x128xf32, #tpu.memory_space<vmem_shared>>) target(%dma_start3A_68 : memref<128x128xf32, #tpu.memory_space<hbm>>) target_semaphore(%run_scoped3A : memref<!tpu.dma_semaphore, #tpu.memory_space<semaphore_mem>>)
      %dma_wait3A = arith.constant 0 : i32
      %dma_wait3A_71 = tpu.memref_slice %arg5[%arg0, %add3A_66, %dma_wait3A] : memref<2x10240x128xf32, #tpu.memory_space<hbm>> -> memref<1x128x128xf32, #tpu.memory_space<hbm>>
      %dma_wait3A_72 = tpu.memref_squeeze %dma_wait3A_71 : memref<1x128x128xf32, #tpu.memory_space<hbm>> -> memref<128x128xf32, #tpu.memory_space<hbm>>
      %dma_wait3A_73 = arith.constant 0 : i32
      %dma_wait3A_74 = tpu.memref_slice %arg9[%add3A_66, %dma_wait3A_73] : memref<10240x128xf32, #tpu.memory_space<vmem_shared>> -> memref<128x128xf32, #tpu.memory_space<vmem_shared>>
      tpu.wait_dma2 semaphore(%run_scoped3A : memref<!tpu.dma_semaphore, #tpu.memory_space<semaphore_mem>>) src(%dma_wait3A_74 : memref<128x128xf32, #tpu.memory_space<vmem_shared>>) dst(%dma_wait3A_72 : memref<128x128xf32, #tpu.memory_space<hbm>>)
      tpu.yield
    }) : () -> ()
    return
  }
}

#map = affine_map<(d0, d1) -> (0, 0)>
#map1 = affine_map<(d0, d1) -> (0, 0, 0)>
module attributes {stable_mosaic.version = 14 : i64} {
  func.func @body(%arg0: i32, %arg1: i32, %arg2: memref<10240x128xf32, #tpu.memory_space<hbm>>, %arg3: memref<5120x128xi32, #tpu.memory_space<hbm>>, %arg4: memref<2560x128xi32, #tpu.memory_space<hbm>>, %arg5: memref<2x10240x128xf32, #tpu.memory_space<hbm>>, %arg6: memref<2x10240x128xf32, #tpu.memory_space<hbm>>, %arg7: memref<16x128xi32, #tpu.memory_space<vmem>>, %arg8: memref<128x128xf32, #tpu.memory_space<vmem>>, %arg9: memref<128x128xf32, #tpu.memory_space<vmem>>, %arg10: memref<10240x128xf32, #tpu.memory_space<vmem_shared>>, %arg11: memref<!tpu.dma_semaphore, #tpu.memory_space<semaphore_mem>>, %arg12: memref<!tpu.dma_semaphore, #tpu.memory_space<semaphore_mem>>, %arg13: memref<!tpu.dma_semaphore, #tpu.memory_space<semaphore_mem>>) attributes {dimension_semantics = [#tpu.dimension_semantics<core_parallel>, #tpu.dimension_semantics<subcore_parallel>], iteration_bounds = array<i64: 2, 16>, scalar_prefetch = 0 : i64, scratch_operands = 7 : i64, tpu.core_type = #tpu.core_type<sc_vector_subcore>, window_params = [{transform_indices = #map}, {transform_indices = #map}, {transform_indices = #map}, {transform_indices = #map1}, {transform_indices = #map1}]} {
    %mul3A = arith.constant 2 : i32
    %mul3A_0 = arith.muli %arg1, %mul3A : i32
    %add3A = arith.addi %mul3A_0, %arg0 : i32
    %mul3A_1 = arith.constant 80 : i32
    %mul3A_2 = arith.muli %add3A, %mul3A_1 : i32
    %broadcast_in_dim3A = arith.constant 0.000000e+00 : f32
    %broadcast_in_dim3A_3 = vector.broadcast %broadcast_in_dim3A : f32 to vector<16xf32>
    %scan3A = arith.constant 0 : i32
    %scan3A_4 = arith.constant 0 : i32
    %scan3A_5 = arith.constant 128 : i32
    %scan3A_6 = arith.addi %scan3A_4, %scan3A_5 : i32
    %scan3A_7 = arith.constant 1 : i32
    scf.for %scan3A_145 = %scan3A_4 to %scan3A_6 step %scan3A_7  : i32 {
      %swap3A = arith.index_cast %scan3A_145 : i32 to index
      %swap3A_146 = arith.constant 0 : index
      %swap3A_147 = tpu.vector_load %arg8[%swap3A, %swap3A_146] {strides = array<i32>} : memref<128x128xf32, #tpu.memory_space<vmem>>, vector<1x16xf32>,
      %swap3A_148 = vector.shape_cast %swap3A_147 : vector<1x16xf32> to vector<16xf32>
      %swap3A_149 = vector.shape_cast %broadcast_in_dim3A_3 : vector<16xf32> to vector<1x16xf32>
      tpu.vector_store %arg8[%swap3A, %swap3A_146], %swap3A_149 {strides = array<i32>} : memref<128x128xf32, #tpu.memory_space<vmem>>, vector<1x16xf32>,
      %swap3A_150 = arith.index_cast %scan3A_145 : i32 to index
      %swap3A_151 = arith.constant 16 : index
      %swap3A_152 = tpu.vector_load %arg8[%swap3A_150, %swap3A_151] {strides = array<i32>} : memref<128x128xf32, #tpu.memory_space<vmem>>, vector<1x16xf32>,
      %swap3A_153 = vector.shape_cast %swap3A_152 : vector<1x16xf32> to vector<16xf32>
      %swap3A_154 = vector.shape_cast %broadcast_in_dim3A_3 : vector<16xf32> to vector<1x16xf32>
      tpu.vector_store %arg8[%swap3A_150, %swap3A_151], %swap3A_154 {strides = array<i32>} : memref<128x128xf32, #tpu.memory_space<vmem>>, vector<1x16xf32>,
      %swap3A_155 = arith.index_cast %scan3A_145 : i32 to index
      %swap3A_156 = arith.constant 32 : index
      %swap3A_157 = tpu.vector_load %arg8[%swap3A_155, %swap3A_156] {strides = array<i32>} : memref<128x128xf32, #tpu.memory_space<vmem>>, vector<1x16xf32>,
      %swap3A_158 = vector.shape_cast %swap3A_157 : vector<1x16xf32> to vector<16xf32>
      %swap3A_159 = vector.shape_cast %broadcast_in_dim3A_3 : vector<16xf32> to vector<1x16xf32>
      tpu.vector_store %arg8[%swap3A_155, %swap3A_156], %swap3A_159 {strides = array<i32>} : memref<128x128xf32, #tpu.memory_space<vmem>>, vector<1x16xf32>,
      %swap3A_160 = arith.index_cast %scan3A_145 : i32 to index
      %swap3A_161 = arith.constant 48 : index
      %swap3A_162 = tpu.vector_load %arg8[%swap3A_160, %swap3A_161] {strides = array<i32>} : memref<128x128xf32, #tpu.memory_space<vmem>>, vector<1x16xf32>,
      %swap3A_163 = vector.shape_cast %swap3A_162 : vector<1x16xf32> to vector<16xf32>
      %swap3A_164 = vector.shape_cast %broadcast_in_dim3A_3 : vector<16xf32> to vector<1x16xf32>
      tpu.vector_store %arg8[%swap3A_160, %swap3A_161], %swap3A_164 {strides = array<i32>} : memref<128x128xf32, #tpu.memory_space<vmem>>, vector<1x16xf32>,
      %swap3A_165 = arith.index_cast %scan3A_145 : i32 to index
      %swap3A_166 = arith.constant 64 : index
      %swap3A_167 = tpu.vector_load %arg8[%swap3A_165, %swap3A_166] {strides = array<i32>} : memref<128x128xf32, #tpu.memory_space<vmem>>, vector<1x16xf32>,
      %swap3A_168 = vector.shape_cast %swap3A_167 : vector<1x16xf32> to vector<16xf32>
      %swap3A_169 = vector.shape_cast %broadcast_in_dim3A_3 : vector<16xf32> to vector<1x16xf32>
      tpu.vector_store %arg8[%swap3A_165, %swap3A_166], %swap3A_169 {strides = array<i32>} : memref<128x128xf32, #tpu.memory_space<vmem>>, vector<1x16xf32>,
      %swap3A_170 = arith.index_cast %scan3A_145 : i32 to index
      %swap3A_171 = arith.constant 80 : index
      %swap3A_172 = tpu.vector_load %arg8[%swap3A_170, %swap3A_171] {strides = array<i32>} : memref<128x128xf32, #tpu.memory_space<vmem>>, vector<1x16xf32>,
      %swap3A_173 = vector.shape_cast %swap3A_172 : vector<1x16xf32> to vector<16xf32>
      %swap3A_174 = vector.shape_cast %broadcast_in_dim3A_3 : vector<16xf32> to vector<1x16xf32>
      tpu.vector_store %arg8[%swap3A_170, %swap3A_171], %swap3A_174 {strides = array<i32>} : memref<128x128xf32, #tpu.memory_space<vmem>>, vector<1x16xf32>,
      %swap3A_175 = arith.index_cast %scan3A_145 : i32 to index
      %swap3A_176 = arith.constant 96 : index
      %swap3A_177 = tpu.vector_load %arg8[%swap3A_175, %swap3A_176] {strides = array<i32>} : memref<128x128xf32, #tpu.memory_space<vmem>>, vector<1x16xf32>,
      %swap3A_178 = vector.shape_cast %swap3A_177 : vector<1x16xf32> to vector<16xf32>
      %swap3A_179 = vector.shape_cast %broadcast_in_dim3A_3 : vector<16xf32> to vector<1x16xf32>
      tpu.vector_store %arg8[%swap3A_175, %swap3A_176], %swap3A_179 {strides = array<i32>} : memref<128x128xf32, #tpu.memory_space<vmem>>, vector<1x16xf32>,
      %swap3A_180 = arith.index_cast %scan3A_145 : i32 to index
      %swap3A_181 = arith.constant 112 : index
      %swap3A_182 = tpu.vector_load %arg8[%swap3A_180, %swap3A_181] {strides = array<i32>} : memref<128x128xf32, #tpu.memory_space<vmem>>, vector<1x16xf32>,
      %swap3A_183 = vector.shape_cast %swap3A_182 : vector<1x16xf32> to vector<16xf32>
      %swap3A_184 = vector.shape_cast %broadcast_in_dim3A_3 : vector<16xf32> to vector<1x16xf32>
      tpu.vector_store %arg8[%swap3A_180, %swap3A_181], %swap3A_184 {strides = array<i32>} : memref<128x128xf32, #tpu.memory_space<vmem>>, vector<1x16xf32>,
    }
    %scan3A_8 = arith.constant 128 : i32
    %mul3A_9 = arith.constant 640 : i32
    %mul3A_10 = arith.muli %arg1, %mul3A_9 : i32
    %add3A_11 = arith.constant 0 : i32
    %add3A_12 = arith.addi %mul3A_10, %add3A_11 : i32
    "tpu.region"() ({
      %run_scoped3A = tpu.sem_alloc : memref<!tpu.dma_semaphore, #tpu.memory_space<semaphore_mem>>
      %dma_start3A = arith.constant 0 : i32
      %dma_start3A_145 = tpu.memref_slice %arg10[%add3A_12, %dma_start3A] : memref<10240x128xf32, #tpu.memory_space<vmem_shared>> -> memref<128x128xf32, #tpu.memory_space<vmem_shared>>
      %dma_start3A_146 = arith.constant 0 : i32
      %dma_start3A_147 = tpu.memref_slice %arg10[%add3A_12, %dma_start3A_146] : memref<10240x128xf32, #tpu.memory_space<vmem_shared>> -> memref<128x128xf32, #tpu.memory_space<vmem_shared>>
      tpu.enqueue_dma source(%arg8 : memref<128x128xf32, #tpu.memory_space<vmem>>) target(%dma_start3A_147 : memref<128x128xf32, #tpu.memory_space<vmem_shared>>) target_semaphore(%run_scoped3A : memref<!tpu.dma_semaphore, #tpu.memory_space<semaphore_mem>>)
      %dma_wait3A = arith.constant 0 : i32
      %dma_wait3A_148 = tpu.memref_slice %arg10[%add3A_12, %dma_wait3A] : memref<10240x128xf32, #tpu.memory_space<vmem_shared>> -> memref<128x128xf32, #tpu.memory_space<vmem_shared>>
      %dma_wait3A_149 = arith.constant 0 : i32
      %dma_wait3A_150 = tpu.memref_slice %arg10[%add3A_12, %dma_wait3A_149] : memref<10240x128xf32, #tpu.memory_space<vmem_shared>> -> memref<128x128xf32, #tpu.memory_space<vmem_shared>>
      tpu.wait_dma2 semaphore(%run_scoped3A : memref<!tpu.dma_semaphore, #tpu.memory_space<semaphore_mem>>) src(%arg8 : memref<128x128xf32, #tpu.memory_space<vmem>>) dst(%dma_wait3A_150 : memref<128x128xf32, #tpu.memory_space<vmem_shared>>)
      tpu.yield
    }) : () -> ()
    %mul3A_13 = arith.constant 640 : i32
    %mul3A_14 = arith.muli %arg1, %mul3A_13 : i32
    %add3A_15 = arith.constant 128 : i32
    %add3A_16 = arith.addi %mul3A_14, %add3A_15 : i32
    "tpu.region"() ({
      %run_scoped3A = tpu.sem_alloc : memref<!tpu.dma_semaphore, #tpu.memory_space<semaphore_mem>>
      %dma_start3A = arith.constant 0 : i32
      %dma_start3A_145 = tpu.memref_slice %arg10[%add3A_16, %dma_start3A] : memref<10240x128xf32, #tpu.memory_space<vmem_shared>> -> memref<128x128xf32, #tpu.memory_space<vmem_shared>>
      %dma_start3A_146 = arith.constant 0 : i32
      %dma_start3A_147 = tpu.memref_slice %arg10[%add3A_16, %dma_start3A_146] : memref<10240x128xf32, #tpu.memory_space<vmem_shared>> -> memref<128x128xf32, #tpu.memory_space<vmem_shared>>
      tpu.enqueue_dma source(%arg8 : memref<128x128xf32, #tpu.memory_space<vmem>>) target(%dma_start3A_147 : memref<128x128xf32, #tpu.memory_space<vmem_shared>>) target_semaphore(%run_scoped3A : memref<!tpu.dma_semaphore, #tpu.memory_space<semaphore_mem>>)
      %dma_wait3A = arith.constant 0 : i32
      %dma_wait3A_148 = tpu.memref_slice %arg10[%add3A_16, %dma_wait3A] : memref<10240x128xf32, #tpu.memory_space<vmem_shared>> -> memref<128x128xf32, #tpu.memory_space<vmem_shared>>
      %dma_wait3A_149 = arith.constant 0 : i32
      %dma_wait3A_150 = tpu.memref_slice %arg10[%add3A_16, %dma_wait3A_149] : memref<10240x128xf32, #tpu.memory_space<vmem_shared>> -> memref<128x128xf32, #tpu.memory_space<vmem_shared>>
      tpu.wait_dma2 semaphore(%run_scoped3A : memref<!tpu.dma_semaphore, #tpu.memory_space<semaphore_mem>>) src(%arg8 : memref<128x128xf32, #tpu.memory_space<vmem>>) dst(%dma_wait3A_150 : memref<128x128xf32, #tpu.memory_space<vmem_shared>>)
      tpu.yield
    }) : () -> ()
    %mul3A_17 = arith.constant 640 : i32
    %mul3A_18 = arith.muli %arg1, %mul3A_17 : i32
    %add3A_19 = arith.constant 256 : i32
    %add3A_20 = arith.addi %mul3A_18, %add3A_19 : i32
    "tpu.region"() ({
      %run_scoped3A = tpu.sem_alloc : memref<!tpu.dma_semaphore, #tpu.memory_space<semaphore_mem>>
      %dma_start3A = arith.constant 0 : i32
      %dma_start3A_145 = tpu.memref_slice %arg10[%add3A_20, %dma_start3A] : memref<10240x128xf32, #tpu.memory_space<vmem_shared>> -> memref<128x128xf32, #tpu.memory_space<vmem_shared>>
      %dma_start3A_146 = arith.constant 0 : i32
      %dma_start3A_147 = tpu.memref_slice %arg10[%add3A_20, %dma_start3A_146] : memref<10240x128xf32, #tpu.memory_space<vmem_shared>> -> memref<128x128xf32, #tpu.memory_space<vmem_shared>>
      tpu.enqueue_dma source(%arg8 : memref<128x128xf32, #tpu.memory_space<vmem>>) target(%dma_start3A_147 : memref<128x128xf32, #tpu.memory_space<vmem_shared>>) target_semaphore(%run_scoped3A : memref<!tpu.dma_semaphore, #tpu.memory_space<semaphore_mem>>)
      %dma_wait3A = arith.constant 0 : i32
      %dma_wait3A_148 = tpu.memref_slice %arg10[%add3A_20, %dma_wait3A] : memref<10240x128xf32, #tpu.memory_space<vmem_shared>> -> memref<128x128xf32, #tpu.memory_space<vmem_shared>>
      %dma_wait3A_149 = arith.constant 0 : i32
      %dma_wait3A_150 = tpu.memref_slice %arg10[%add3A_20, %dma_wait3A_149] : memref<10240x128xf32, #tpu.memory_space<vmem_shared>> -> memref<128x128xf32, #tpu.memory_space<vmem_shared>>
      tpu.wait_dma2 semaphore(%run_scoped3A : memref<!tpu.dma_semaphore, #tpu.memory_space<semaphore_mem>>) src(%arg8 : memref<128x128xf32, #tpu.memory_space<vmem>>) dst(%dma_wait3A_150 : memref<128x128xf32, #tpu.memory_space<vmem_shared>>)
      tpu.yield
    }) : () -> ()
    %mul3A_21 = arith.constant 640 : i32
    %mul3A_22 = arith.muli %arg1, %mul3A_21 : i32
    %add3A_23 = arith.constant 384 : i32
    %add3A_24 = arith.addi %mul3A_22, %add3A_23 : i32
    "tpu.region"() ({
      %run_scoped3A = tpu.sem_alloc : memref<!tpu.dma_semaphore, #tpu.memory_space<semaphore_mem>>
      %dma_start3A = arith.constant 0 : i32
      %dma_start3A_145 = tpu.memref_slice %arg10[%add3A_24, %dma_start3A] : memref<10240x128xf32, #tpu.memory_space<vmem_shared>> -> memref<128x128xf32, #tpu.memory_space<vmem_shared>>
      %dma_start3A_146 = arith.constant 0 : i32
      %dma_start3A_147 = tpu.memref_slice %arg10[%add3A_24, %dma_start3A_146] : memref<10240x128xf32, #tpu.memory_space<vmem_shared>> -> memref<128x128xf32, #tpu.memory_space<vmem_shared>>
      tpu.enqueue_dma source(%arg8 : memref<128x128xf32, #tpu.memory_space<vmem>>) target(%dma_start3A_147 : memref<128x128xf32, #tpu.memory_space<vmem_shared>>) target_semaphore(%run_scoped3A : memref<!tpu.dma_semaphore, #tpu.memory_space<semaphore_mem>>)
      %dma_wait3A = arith.constant 0 : i32
      %dma_wait3A_148 = tpu.memref_slice %arg10[%add3A_24, %dma_wait3A] : memref<10240x128xf32, #tpu.memory_space<vmem_shared>> -> memref<128x128xf32, #tpu.memory_space<vmem_shared>>
      %dma_wait3A_149 = arith.constant 0 : i32
      %dma_wait3A_150 = tpu.memref_slice %arg10[%add3A_24, %dma_wait3A_149] : memref<10240x128xf32, #tpu.memory_space<vmem_shared>> -> memref<128x128xf32, #tpu.memory_space<vmem_shared>>
      tpu.wait_dma2 semaphore(%run_scoped3A : memref<!tpu.dma_semaphore, #tpu.memory_space<semaphore_mem>>) src(%arg8 : memref<128x128xf32, #tpu.memory_space<vmem>>) dst(%dma_wait3A_150 : memref<128x128xf32, #tpu.memory_space<vmem_shared>>)
      tpu.yield
    }) : () -> ()
    %mul3A_25 = arith.constant 640 : i32
    %mul3A_26 = arith.muli %arg1, %mul3A_25 : i32
    %add3A_27 = arith.constant 512 : i32
    %add3A_28 = arith.addi %mul3A_26, %add3A_27 : i32
    "tpu.region"() ({
      %run_scoped3A = tpu.sem_alloc : memref<!tpu.dma_semaphore, #tpu.memory_space<semaphore_mem>>
      %dma_start3A = arith.constant 0 : i32
      %dma_start3A_145 = tpu.memref_slice %arg10[%add3A_28, %dma_start3A] : memref<10240x128xf32, #tpu.memory_space<vmem_shared>> -> memref<128x128xf32, #tpu.memory_space<vmem_shared>>
      %dma_start3A_146 = arith.constant 0 : i32
      %dma_start3A_147 = tpu.memref_slice %arg10[%add3A_28, %dma_start3A_146] : memref<10240x128xf32, #tpu.memory_space<vmem_shared>> -> memref<128x128xf32, #tpu.memory_space<vmem_shared>>
      tpu.enqueue_dma source(%arg8 : memref<128x128xf32, #tpu.memory_space<vmem>>) target(%dma_start3A_147 : memref<128x128xf32, #tpu.memory_space<vmem_shared>>) target_semaphore(%run_scoped3A : memref<!tpu.dma_semaphore, #tpu.memory_space<semaphore_mem>>)
      %dma_wait3A = arith.constant 0 : i32
      %dma_wait3A_148 = tpu.memref_slice %arg10[%add3A_28, %dma_wait3A] : memref<10240x128xf32, #tpu.memory_space<vmem_shared>> -> memref<128x128xf32, #tpu.memory_space<vmem_shared>>
      %dma_wait3A_149 = arith.constant 0 : i32
      %dma_wait3A_150 = tpu.memref_slice %arg10[%add3A_28, %dma_wait3A_149] : memref<10240x128xf32, #tpu.memory_space<vmem_shared>> -> memref<128x128xf32, #tpu.memory_space<vmem_shared>>
      tpu.wait_dma2 semaphore(%run_scoped3A : memref<!tpu.dma_semaphore, #tpu.memory_space<semaphore_mem>>) src(%arg8 : memref<128x128xf32, #tpu.memory_space<vmem>>) dst(%dma_wait3A_150 : memref<128x128xf32, #tpu.memory_space<vmem_shared>>)
      tpu.yield
    }) : () -> ()
    %broadcast_in_dim3A_29 = arith.constant 1.000000e+00 : f32
    %broadcast_in_dim3A_30 = vector.broadcast %broadcast_in_dim3A_29 : f32 to vector<16xf32>
    %scan3A_31 = arith.constant 0 : i32
    %scan3A_32 = arith.constant 0 : i32
    %scan3A_33 = arith.constant 128 : i32
    %scan3A_34 = arith.addi %scan3A_32, %scan3A_33 : i32
    %scan3A_35 = arith.constant 1 : i32
    scf.for %scan3A_145 = %scan3A_32 to %scan3A_34 step %scan3A_35  : i32 {
      %swap3A = arith.index_cast %scan3A_145 : i32 to index
      %swap3A_146 = arith.constant 0 : index
      %swap3A_147 = tpu.vector_load %arg8[%swap3A, %swap3A_146] {strides = array<i32>} : memref<128x128xf32, #tpu.memory_space<vmem>>, vector<1x16xf32>,
      %swap3A_148 = vector.shape_cast %swap3A_147 : vector<1x16xf32> to vector<16xf32>
      %swap3A_149 = vector.shape_cast %broadcast_in_dim3A_30 : vector<16xf32> to vector<1x16xf32>
      tpu.vector_store %arg8[%swap3A, %swap3A_146], %swap3A_149 {strides = array<i32>} : memref<128x128xf32, #tpu.memory_space<vmem>>, vector<1x16xf32>,
      %swap3A_150 = arith.index_cast %scan3A_145 : i32 to index
      %swap3A_151 = arith.constant 16 : index
      %swap3A_152 = tpu.vector_load %arg8[%swap3A_150, %swap3A_151] {strides = array<i32>} : memref<128x128xf32, #tpu.memory_space<vmem>>, vector<1x16xf32>,
      %swap3A_153 = vector.shape_cast %swap3A_152 : vector<1x16xf32> to vector<16xf32>
      %swap3A_154 = vector.shape_cast %broadcast_in_dim3A_30 : vector<16xf32> to vector<1x16xf32>
      tpu.vector_store %arg8[%swap3A_150, %swap3A_151], %swap3A_154 {strides = array<i32>} : memref<128x128xf32, #tpu.memory_space<vmem>>, vector<1x16xf32>,
      %swap3A_155 = arith.index_cast %scan3A_145 : i32 to index
      %swap3A_156 = arith.constant 32 : index
      %swap3A_157 = tpu.vector_load %arg8[%swap3A_155, %swap3A_156] {strides = array<i32>} : memref<128x128xf32, #tpu.memory_space<vmem>>, vector<1x16xf32>,
      %swap3A_158 = vector.shape_cast %swap3A_157 : vector<1x16xf32> to vector<16xf32>
      %swap3A_159 = vector.shape_cast %broadcast_in_dim3A_30 : vector<16xf32> to vector<1x16xf32>
      tpu.vector_store %arg8[%swap3A_155, %swap3A_156], %swap3A_159 {strides = array<i32>} : memref<128x128xf32, #tpu.memory_space<vmem>>, vector<1x16xf32>,
      %swap3A_160 = arith.index_cast %scan3A_145 : i32 to index
      %swap3A_161 = arith.constant 48 : index
      %swap3A_162 = tpu.vector_load %arg8[%swap3A_160, %swap3A_161] {strides = array<i32>} : memref<128x128xf32, #tpu.memory_space<vmem>>, vector<1x16xf32>,
      %swap3A_163 = vector.shape_cast %swap3A_162 : vector<1x16xf32> to vector<16xf32>
      %swap3A_164 = vector.shape_cast %broadcast_in_dim3A_30 : vector<16xf32> to vector<1x16xf32>
      tpu.vector_store %arg8[%swap3A_160, %swap3A_161], %swap3A_164 {strides = array<i32>} : memref<128x128xf32, #tpu.memory_space<vmem>>, vector<1x16xf32>,
      %swap3A_165 = arith.index_cast %scan3A_145 : i32 to index
      %swap3A_166 = arith.constant 64 : index
      %swap3A_167 = tpu.vector_load %arg8[%swap3A_165, %swap3A_166] {strides = array<i32>} : memref<128x128xf32, #tpu.memory_space<vmem>>, vector<1x16xf32>,
      %swap3A_168 = vector.shape_cast %swap3A_167 : vector<1x16xf32> to vector<16xf32>
      %swap3A_169 = vector.shape_cast %broadcast_in_dim3A_30 : vector<16xf32> to vector<1x16xf32>
      tpu.vector_store %arg8[%swap3A_165, %swap3A_166], %swap3A_169 {strides = array<i32>} : memref<128x128xf32, #tpu.memory_space<vmem>>, vector<1x16xf32>,
      %swap3A_170 = arith.index_cast %scan3A_145 : i32 to index
      %swap3A_171 = arith.constant 80 : index
      %swap3A_172 = tpu.vector_load %arg8[%swap3A_170, %swap3A_171] {strides = array<i32>} : memref<128x128xf32, #tpu.memory_space<vmem>>, vector<1x16xf32>,
      %swap3A_173 = vector.shape_cast %swap3A_172 : vector<1x16xf32> to vector<16xf32>
      %swap3A_174 = vector.shape_cast %broadcast_in_dim3A_30 : vector<16xf32> to vector<1x16xf32>
      tpu.vector_store %arg8[%swap3A_170, %swap3A_171], %swap3A_174 {strides = array<i32>} : memref<128x128xf32, #tpu.memory_space<vmem>>, vector<1x16xf32>,
      %swap3A_175 = arith.index_cast %scan3A_145 : i32 to index
      %swap3A_176 = arith.constant 96 : index
      %swap3A_177 = tpu.vector_load %arg8[%swap3A_175, %swap3A_176] {strides = array<i32>} : memref<128x128xf32, #tpu.memory_space<vmem>>, vector<1x16xf32>,
      %swap3A_178 = vector.shape_cast %swap3A_177 : vector<1x16xf32> to vector<16xf32>
      %swap3A_179 = vector.shape_cast %broadcast_in_dim3A_30 : vector<16xf32> to vector<1x16xf32>
      tpu.vector_store %arg8[%swap3A_175, %swap3A_176], %swap3A_179 {strides = array<i32>} : memref<128x128xf32, #tpu.memory_space<vmem>>, vector<1x16xf32>,
      %swap3A_180 = arith.index_cast %scan3A_145 : i32 to index
      %swap3A_181 = arith.constant 112 : index
      %swap3A_182 = tpu.vector_load %arg8[%swap3A_180, %swap3A_181] {strides = array<i32>} : memref<128x128xf32, #tpu.memory_space<vmem>>, vector<1x16xf32>,
      %swap3A_183 = vector.shape_cast %swap3A_182 : vector<1x16xf32> to vector<16xf32>
      %swap3A_184 = vector.shape_cast %broadcast_in_dim3A_30 : vector<16xf32> to vector<1x16xf32>
      tpu.vector_store %arg8[%swap3A_180, %swap3A_181], %swap3A_184 {strides = array<i32>} : memref<128x128xf32, #tpu.memory_space<vmem>>, vector<1x16xf32>,
    }
    %scan3A_36 = arith.constant 128 : i32
    %barrier3A = arith.constant 0 : index
    tpu.barrier barrier_id(%barrier3A)
    %eq3A = arith.constant 0 : i32
    %eq3A_37 = arith.cmpi eq, %arg0, %eq3A : i32
    %mul3A_38 = arith.constant 80 : i32
    %mul3A_39 = arith.muli %arg1, %mul3A_38 : i32
    %mul3A_40 = arith.constant 80 : i32
    %mul3A_41 = arith.muli %arg1, %mul3A_40 : i32
    %add3A_42 = arith.constant 1280 : i32
    %add3A_43 = arith.addi %add3A_42, %mul3A_41 : i32
    %select_n3A = arith.select %eq3A_37, %mul3A_39, %add3A_43 : i32
    %eq3A_44 = arith.constant 0 : i32
    %eq3A_45 = arith.cmpi eq, %arg0, %eq3A_44 : i32
    %jit3A = arith.constant 10 : i32
    %jit3A_46 = arith.constant 10 : i32
    %select_n3A_47 = arith.select %eq3A_45, %jit3A, %jit3A_46 : i32
    %scan3A_48 = arith.constant 0 : i32
    %scan3A_49 = arith.constant 0 : i32
    %scan3A_50 = arith.constant 10 : i32
    %scan3A_51 = arith.addi %scan3A_49, %scan3A_50 : i32
    %scan3A_52 = arith.constant 1 : i32
    scf.for %scan3A_145 = %scan3A_49 to %scan3A_51 step %scan3A_52  : i32 {
      %lt3A = arith.cmpi slt, %scan3A_145, %select_n3A_47 : i32
      %convert_element_type3A = arith.extui %lt3A : i1 to i32
      %cond3A = arith.constant 0 : i32
      %cond3A_146 = arith.cmpi ne, %convert_element_type3A, %cond3A : i32
      scf.if %cond3A_146 {
        %mul3A_147 = arith.constant 8 : i32
        %mul3A_148 = arith.muli %scan3A_145, %mul3A_147 : i32
        %add3A_149 = arith.addi %select_n3A, %mul3A_148 : i32
        "tpu.region"() ({
          %run_scoped3A = tpu.sem_alloc : memref<!tpu.dma_semaphore, #tpu.memory_space<semaphore_mem>>
          %dma_start3A_260 = arith.constant 0 : i32
          %dma_start3A_261 = arith.constant 0 : i32
          %dma_start3A_262 = tpu.memref_slice %arg7[%dma_start3A_260, %dma_start3A_261] : memref<16x128xi32, #tpu.memory_space<vmem>> -> memref<8x128xi32, #tpu.memory_space<vmem>>
          %dma_start3A_263 = arith.constant 0 : i32
          %dma_start3A_264 = tpu.memref_slice %arg4[%add3A_149, %dma_start3A_263] : memref<2560x128xi32, #tpu.memory_space<hbm>> -> memref<8x128xi32, #tpu.memory_space<hbm>>
          %dma_start3A_265 = arith.constant 0 : i32
          %dma_start3A_266 = arith.constant 0 : i32
          %dma_start3A_267 = tpu.memref_slice %arg7[%dma_start3A_265, %dma_start3A_266] : memref<16x128xi32, #tpu.memory_space<vmem>> -> memref<8x128xi32, #tpu.memory_space<vmem>>
          %dma_start3A_268 = arith.constant 0 : i32
          %dma_start3A_269 = tpu.memref_slice %arg4[%add3A_149, %dma_start3A_268] : memref<2560x128xi32, #tpu.memory_space<hbm>> -> memref<8x128xi32, #tpu.memory_space<hbm>>
          tpu.enqueue_dma source(%dma_start3A_269 : memref<8x128xi32, #tpu.memory_space<hbm>>) target(%dma_start3A_267 : memref<8x128xi32, #tpu.memory_space<vmem>>) target_semaphore(%run_scoped3A : memref<!tpu.dma_semaphore, #tpu.memory_space<semaphore_mem>>)
          %dma_wait3A_270 = arith.constant 0 : i32
          %dma_wait3A_271 = arith.constant 0 : i32
          %dma_wait3A_272 = tpu.memref_slice %arg7[%dma_wait3A_270, %dma_wait3A_271] : memref<16x128xi32, #tpu.memory_space<vmem>> -> memref<8x128xi32, #tpu.memory_space<vmem>>
          %dma_wait3A_273 = arith.constant 0 : i32
          %dma_wait3A_274 = tpu.memref_slice %arg4[%add3A_149, %dma_wait3A_273] : memref<2560x128xi32, #tpu.memory_space<hbm>> -> memref<8x128xi32, #tpu.memory_space<hbm>>
          %dma_wait3A_275 = arith.constant 0 : i32
          %dma_wait3A_276 = arith.constant 0 : i32
          %dma_wait3A_277 = tpu.memref_slice %arg7[%dma_wait3A_275, %dma_wait3A_276] : memref<16x128xi32, #tpu.memory_space<vmem>> -> memref<8x128xi32, #tpu.memory_space<vmem>>
          %dma_wait3A_278 = arith.constant 0 : i32
          %dma_wait3A_279 = tpu.memref_slice %arg4[%add3A_149, %dma_wait3A_278] : memref<2560x128xi32, #tpu.memory_space<hbm>> -> memref<8x128xi32, #tpu.memory_space<hbm>>
          tpu.wait_dma2 semaphore(%run_scoped3A : memref<!tpu.dma_semaphore, #tpu.memory_space<semaphore_mem>>) src(%dma_wait3A_279 : memref<8x128xi32, #tpu.memory_space<hbm>>) dst(%dma_wait3A_277 : memref<8x128xi32, #tpu.memory_space<vmem>>)
          tpu.yield
        }) : () -> ()
        %dma_start3A = arith.constant 0 : i32
        %dma_start3A_150 = arith.constant 0 : i32
        %dma_start3A_151 = tpu.memref_slice %arg7[%dma_start3A, %dma_start3A_150] : memref<16x128xi32, #tpu.memory_space<vmem>> -> memref<1x128xi32, #tpu.memory_space<vmem>>
        %dma_start3A_152 = tpu.memref_squeeze %dma_start3A_151 : memref<1x128xi32, #tpu.memory_space<vmem>> -> memref<128xi32, #tpu.memory_space<vmem>>
        %dma_start3A_153 = arith.constant 0 : i32
        %dma_start3A_154 = arith.constant 0 : i32
        %dma_start3A_155 = tpu.memref_slice %arg10[%dma_start3A_153, %dma_start3A_154] : memref<10240x128xf32, #tpu.memory_space<vmem_shared>> -> memref<10240x128xf32, #tpu.memory_space<vmem_shared>>
        tpu.enqueue_indirect_dma source(%arg8 : memref<128x128xf32, #tpu.memory_space<vmem>>) target(%dma_start3A_155 : memref<10240x128xf32, #tpu.memory_space<vmem_shared>>) offsets(%dma_start3A_152 : memref<128xi32, #tpu.memory_space<vmem>>) semaphore(%arg13 : memref<!tpu.dma_semaphore, #tpu.memory_space<semaphore_mem>>) {add = true}
        %dma_start3A_156 = arith.constant 1 : i32
        %dma_start3A_157 = arith.constant 0 : i32
        %dma_start3A_158 = tpu.memref_slice %arg7[%dma_start3A_156, %dma_start3A_157] : memref<16x128xi32, #tpu.memory_space<vmem>> -> memref<1x128xi32, #tpu.memory_space<vmem>>
        %dma_start3A_159 = tpu.memref_squeeze %dma_start3A_158 : memref<1x128xi32, #tpu.memory_space<vmem>> -> memref<128xi32, #tpu.memory_space<vmem>>
        %dma_start3A_160 = arith.constant 0 : i32
        %dma_start3A_161 = arith.constant 0 : i32
        %dma_start3A_162 = tpu.memref_slice %arg10[%dma_start3A_160, %dma_start3A_161] : memref<10240x128xf32, #tpu.memory_space<vmem_shared>> -> memref<10240x128xf32, #tpu.memory_space<vmem_shared>>
        tpu.enqueue_indirect_dma source(%arg8 : memref<128x128xf32, #tpu.memory_space<vmem>>) target(%dma_start3A_162 : memref<10240x128xf32, #tpu.memory_space<vmem_shared>>) offsets(%dma_start3A_159 : memref<128xi32, #tpu.memory_space<vmem>>) semaphore(%arg13 : memref<!tpu.dma_semaphore, #tpu.memory_space<semaphore_mem>>) {add = true}
        %dma_start3A_163 = arith.constant 2 : i32
        %dma_start3A_164 = arith.constant 0 : i32
        %dma_start3A_165 = tpu.memref_slice %arg7[%dma_start3A_163, %dma_start3A_164] : memref<16x128xi32, #tpu.memory_space<vmem>> -> memref<1x128xi32, #tpu.memory_space<vmem>>
        %dma_start3A_166 = tpu.memref_squeeze %dma_start3A_165 : memref<1x128xi32, #tpu.memory_space<vmem>> -> memref<128xi32, #tpu.memory_space<vmem>>
        %dma_start3A_167 = arith.constant 0 : i32
        %dma_start3A_168 = arith.constant 0 : i32
        %dma_start3A_169 = tpu.memref_slice %arg10[%dma_start3A_167, %dma_start3A_168] : memref<10240x128xf32, #tpu.memory_space<vmem_shared>> -> memref<10240x128xf32, #tpu.memory_space<vmem_shared>>
        tpu.enqueue_indirect_dma source(%arg8 : memref<128x128xf32, #tpu.memory_space<vmem>>) target(%dma_start3A_169 : memref<10240x128xf32, #tpu.memory_space<vmem_shared>>) offsets(%dma_start3A_166 : memref<128xi32, #tpu.memory_space<vmem>>) semaphore(%arg13 : memref<!tpu.dma_semaphore, #tpu.memory_space<semaphore_mem>>) {add = true}
        %dma_start3A_170 = arith.constant 3 : i32
        %dma_start3A_171 = arith.constant 0 : i32
        %dma_start3A_172 = tpu.memref_slice %arg7[%dma_start3A_170, %dma_start3A_171] : memref<16x128xi32, #tpu.memory_space<vmem>> -> memref<1x128xi32, #tpu.memory_space<vmem>>
        %dma_start3A_173 = tpu.memref_squeeze %dma_start3A_172 : memref<1x128xi32, #tpu.memory_space<vmem>> -> memref<128xi32, #tpu.memory_space<vmem>>
        %dma_start3A_174 = arith.constant 0 : i32
        %dma_start3A_175 = arith.constant 0 : i32
        %dma_start3A_176 = tpu.memref_slice %arg10[%dma_start3A_174, %dma_start3A_175] : memref<10240x128xf32, #tpu.memory_space<vmem_shared>> -> memref<10240x128xf32, #tpu.memory_space<vmem_shared>>
        tpu.enqueue_indirect_dma source(%arg8 : memref<128x128xf32, #tpu.memory_space<vmem>>) target(%dma_start3A_176 : memref<10240x128xf32, #tpu.memory_space<vmem_shared>>) offsets(%dma_start3A_173 : memref<128xi32, #tpu.memory_space<vmem>>) semaphore(%arg13 : memref<!tpu.dma_semaphore, #tpu.memory_space<semaphore_mem>>) {add = true}
        %dma_start3A_177 = arith.constant 4 : i32
        %dma_start3A_178 = arith.constant 0 : i32
        %dma_start3A_179 = tpu.memref_slice %arg7[%dma_start3A_177, %dma_start3A_178] : memref<16x128xi32, #tpu.memory_space<vmem>> -> memref<1x128xi32, #tpu.memory_space<vmem>>
        %dma_start3A_180 = tpu.memref_squeeze %dma_start3A_179 : memref<1x128xi32, #tpu.memory_space<vmem>> -> memref<128xi32, #tpu.memory_space<vmem>>
        %dma_start3A_181 = arith.constant 0 : i32
        %dma_start3A_182 = arith.constant 0 : i32
        %dma_start3A_183 = tpu.memref_slice %arg10[%dma_start3A_181, %dma_start3A_182] : memref<10240x128xf32, #tpu.memory_space<vmem_shared>> -> memref<10240x128xf32, #tpu.memory_space<vmem_shared>>
        tpu.enqueue_indirect_dma source(%arg8 : memref<128x128xf32, #tpu.memory_space<vmem>>) target(%dma_start3A_183 : memref<10240x128xf32, #tpu.memory_space<vmem_shared>>) offsets(%dma_start3A_180 : memref<128xi32, #tpu.memory_space<vmem>>) semaphore(%arg13 : memref<!tpu.dma_semaphore, #tpu.memory_space<semaphore_mem>>) {add = true}
        %dma_start3A_184 = arith.constant 5 : i32
        %dma_start3A_185 = arith.constant 0 : i32
        %dma_start3A_186 = tpu.memref_slice %arg7[%dma_start3A_184, %dma_start3A_185] : memref<16x128xi32, #tpu.memory_space<vmem>> -> memref<1x128xi32, #tpu.memory_space<vmem>>
        %dma_start3A_187 = tpu.memref_squeeze %dma_start3A_186 : memref<1x128xi32, #tpu.memory_space<vmem>> -> memref<128xi32, #tpu.memory_space<vmem>>
        %dma_start3A_188 = arith.constant 0 : i32
        %dma_start3A_189 = arith.constant 0 : i32
        %dma_start3A_190 = tpu.memref_slice %arg10[%dma_start3A_188, %dma_start3A_189] : memref<10240x128xf32, #tpu.memory_space<vmem_shared>> -> memref<10240x128xf32, #tpu.memory_space<vmem_shared>>
        tpu.enqueue_indirect_dma source(%arg8 : memref<128x128xf32, #tpu.memory_space<vmem>>) target(%dma_start3A_190 : memref<10240x128xf32, #tpu.memory_space<vmem_shared>>) offsets(%dma_start3A_187 : memref<128xi32, #tpu.memory_space<vmem>>) semaphore(%arg13 : memref<!tpu.dma_semaphore, #tpu.memory_space<semaphore_mem>>) {add = true}
        %dma_start3A_191 = arith.constant 6 : i32
        %dma_start3A_192 = arith.constant 0 : i32
        %dma_start3A_193 = tpu.memref_slice %arg7[%dma_start3A_191, %dma_start3A_192] : memref<16x128xi32, #tpu.memory_space<vmem>> -> memref<1x128xi32, #tpu.memory_space<vmem>>
        %dma_start3A_194 = tpu.memref_squeeze %dma_start3A_193 : memref<1x128xi32, #tpu.memory_space<vmem>> -> memref<128xi32, #tpu.memory_space<vmem>>
        %dma_start3A_195 = arith.constant 0 : i32
        %dma_start3A_196 = arith.constant 0 : i32
        %dma_start3A_197 = tpu.memref_slice %arg10[%dma_start3A_195, %dma_start3A_196] : memref<10240x128xf32, #tpu.memory_space<vmem_shared>> -> memref<10240x128xf32, #tpu.memory_space<vmem_shared>>
        tpu.enqueue_indirect_dma source(%arg8 : memref<128x128xf32, #tpu.memory_space<vmem>>) target(%dma_start3A_197 : memref<10240x128xf32, #tpu.memory_space<vmem_shared>>) offsets(%dma_start3A_194 : memref<128xi32, #tpu.memory_space<vmem>>) semaphore(%arg13 : memref<!tpu.dma_semaphore, #tpu.memory_space<semaphore_mem>>) {add = true}
        %dma_start3A_198 = arith.constant 7 : i32
        %dma_start3A_199 = arith.constant 0 : i32
        %dma_start3A_200 = tpu.memref_slice %arg7[%dma_start3A_198, %dma_start3A_199] : memref<16x128xi32, #tpu.memory_space<vmem>> -> memref<1x128xi32, #tpu.memory_space<vmem>>
        %dma_start3A_201 = tpu.memref_squeeze %dma_start3A_200 : memref<1x128xi32, #tpu.memory_space<vmem>> -> memref<128xi32, #tpu.memory_space<vmem>>
        %dma_start3A_202 = arith.constant 0 : i32
        %dma_start3A_203 = arith.constant 0 : i32
        %dma_start3A_204 = tpu.memref_slice %arg10[%dma_start3A_202, %dma_start3A_203] : memref<10240x128xf32, #tpu.memory_space<vmem_shared>> -> memref<10240x128xf32, #tpu.memory_space<vmem_shared>>
        tpu.enqueue_indirect_dma source(%arg8 : memref<128x128xf32, #tpu.memory_space<vmem>>) target(%dma_start3A_204 : memref<10240x128xf32, #tpu.memory_space<vmem_shared>>) offsets(%dma_start3A_201 : memref<128xi32, #tpu.memory_space<vmem>>) semaphore(%arg13 : memref<!tpu.dma_semaphore, #tpu.memory_space<semaphore_mem>>) {add = true}
        %dma_wait3A = arith.constant 0 : i32
        %dma_wait3A_205 = arith.constant 0 : i32
        %dma_wait3A_206 = tpu.memref_slice %arg7[%dma_wait3A, %dma_wait3A_205] : memref<16x128xi32, #tpu.memory_space<vmem>> -> memref<1x128xi32, #tpu.memory_space<vmem>>
        %dma_wait3A_207 = tpu.memref_squeeze %dma_wait3A_206 : memref<1x128xi32, #tpu.memory_space<vmem>> -> memref<128xi32, #tpu.memory_space<vmem>>
        %dma_wait3A_208 = arith.constant 0 : i32
        %dma_wait3A_209 = arith.constant 0 : i32
        %dma_wait3A_210 = tpu.memref_slice %arg10[%dma_wait3A_208, %dma_wait3A_209] : memref<10240x128xf32, #tpu.memory_space<vmem_shared>> -> memref<10240x128xf32, #tpu.memory_space<vmem_shared>>
        tpu.wait_indirect_dma semaphore(%arg13 : memref<!tpu.dma_semaphore, #tpu.memory_space<semaphore_mem>>) src(%arg8 : memref<128x128xf32, #tpu.memory_space<vmem>>) dst(%dma_wait3A_210 : memref<10240x128xf32, #tpu.memory_space<vmem_shared>>)
        %dma_wait3A_211 = arith.constant 1 : i32
        %dma_wait3A_212 = arith.constant 0 : i32
        %dma_wait3A_213 = tpu.memref_slice %arg7[%dma_wait3A_211, %dma_wait3A_212] : memref<16x128xi32, #tpu.memory_space<vmem>> -> memref<1x128xi32, #tpu.memory_space<vmem>>
        %dma_wait3A_214 = tpu.memref_squeeze %dma_wait3A_213 : memref<1x128xi32, #tpu.memory_space<vmem>> -> memref<128xi32, #tpu.memory_space<vmem>>
        %dma_wait3A_215 = arith.constant 0 : i32
        %dma_wait3A_216 = arith.constant 0 : i32
        %dma_wait3A_217 = tpu.memref_slice %arg10[%dma_wait3A_215, %dma_wait3A_216] : memref<10240x128xf32, #tpu.memory_space<vmem_shared>> -> memref<10240x128xf32, #tpu.memory_space<vmem_shared>>
        tpu.wait_indirect_dma semaphore(%arg13 : memref<!tpu.dma_semaphore, #tpu.memory_space<semaphore_mem>>) src(%arg8 : memref<128x128xf32, #tpu.memory_space<vmem>>) dst(%dma_wait3A_217 : memref<10240x128xf32, #tpu.memory_space<vmem_shared>>)
        %dma_wait3A_218 = arith.constant 2 : i32
        %dma_wait3A_219 = arith.constant 0 : i32
        %dma_wait3A_220 = tpu.memref_slice %arg7[%dma_wait3A_218, %dma_wait3A_219] : memref<16x128xi32, #tpu.memory_space<vmem>> -> memref<1x128xi32, #tpu.memory_space<vmem>>
        %dma_wait3A_221 = tpu.memref_squeeze %dma_wait3A_220 : memref<1x128xi32, #tpu.memory_space<vmem>> -> memref<128xi32, #tpu.memory_space<vmem>>
        %dma_wait3A_222 = arith.constant 0 : i32
        %dma_wait3A_223 = arith.constant 0 : i32
        %dma_wait3A_224 = tpu.memref_slice %arg10[%dma_wait3A_222, %dma_wait3A_223] : memref<10240x128xf32, #tpu.memory_space<vmem_shared>> -> memref<10240x128xf32, #tpu.memory_space<vmem_shared>>
        tpu.wait_indirect_dma semaphore(%arg13 : memref<!tpu.dma_semaphore, #tpu.memory_space<semaphore_mem>>) src(%arg8 : memref<128x128xf32, #tpu.memory_space<vmem>>) dst(%dma_wait3A_224 : memref<10240x128xf32, #tpu.memory_space<vmem_shared>>)
        %dma_wait3A_225 = arith.constant 3 : i32
        %dma_wait3A_226 = arith.constant 0 : i32
        %dma_wait3A_227 = tpu.memref_slice %arg7[%dma_wait3A_225, %dma_wait3A_226] : memref<16x128xi32, #tpu.memory_space<vmem>> -> memref<1x128xi32, #tpu.memory_space<vmem>>
        %dma_wait3A_228 = tpu.memref_squeeze %dma_wait3A_227 : memref<1x128xi32, #tpu.memory_space<vmem>> -> memref<128xi32, #tpu.memory_space<vmem>>
        %dma_wait3A_229 = arith.constant 0 : i32
        %dma_wait3A_230 = arith.constant 0 : i32
        %dma_wait3A_231 = tpu.memref_slice %arg10[%dma_wait3A_229, %dma_wait3A_230] : memref<10240x128xf32, #tpu.memory_space<vmem_shared>> -> memref<10240x128xf32, #tpu.memory_space<vmem_shared>>
        tpu.wait_indirect_dma semaphore(%arg13 : memref<!tpu.dma_semaphore, #tpu.memory_space<semaphore_mem>>) src(%arg8 : memref<128x128xf32, #tpu.memory_space<vmem>>) dst(%dma_wait3A_231 : memref<10240x128xf32, #tpu.memory_space<vmem_shared>>)
        %dma_wait3A_232 = arith.constant 4 : i32
        %dma_wait3A_233 = arith.constant 0 : i32
        %dma_wait3A_234 = tpu.memref_slice %arg7[%dma_wait3A_232, %dma_wait3A_233] : memref<16x128xi32, #tpu.memory_space<vmem>> -> memref<1x128xi32, #tpu.memory_space<vmem>>
        %dma_wait3A_235 = tpu.memref_squeeze %dma_wait3A_234 : memref<1x128xi32, #tpu.memory_space<vmem>> -> memref<128xi32, #tpu.memory_space<vmem>>
        %dma_wait3A_236 = arith.constant 0 : i32
        %dma_wait3A_237 = arith.constant 0 : i32
        %dma_wait3A_238 = tpu.memref_slice %arg10[%dma_wait3A_236, %dma_wait3A_237] : memref<10240x128xf32, #tpu.memory_space<vmem_shared>> -> memref<10240x128xf32, #tpu.memory_space<vmem_shared>>
        tpu.wait_indirect_dma semaphore(%arg13 : memref<!tpu.dma_semaphore, #tpu.memory_space<semaphore_mem>>) src(%arg8 : memref<128x128xf32, #tpu.memory_space<vmem>>) dst(%dma_wait3A_238 : memref<10240x128xf32, #tpu.memory_space<vmem_shared>>)
        %dma_wait3A_239 = arith.constant 5 : i32
        %dma_wait3A_240 = arith.constant 0 : i32
        %dma_wait3A_241 = tpu.memref_slice %arg7[%dma_wait3A_239, %dma_wait3A_240] : memref<16x128xi32, #tpu.memory_space<vmem>> -> memref<1x128xi32, #tpu.memory_space<vmem>>
        %dma_wait3A_242 = tpu.memref_squeeze %dma_wait3A_241 : memref<1x128xi32, #tpu.memory_space<vmem>> -> memref<128xi32, #tpu.memory_space<vmem>>
        %dma_wait3A_243 = arith.constant 0 : i32
        %dma_wait3A_244 = arith.constant 0 : i32
        %dma_wait3A_245 = tpu.memref_slice %arg10[%dma_wait3A_243, %dma_wait3A_244] : memref<10240x128xf32, #tpu.memory_space<vmem_shared>> -> memref<10240x128xf32, #tpu.memory_space<vmem_shared>>
        tpu.wait_indirect_dma semaphore(%arg13 : memref<!tpu.dma_semaphore, #tpu.memory_space<semaphore_mem>>) src(%arg8 : memref<128x128xf32, #tpu.memory_space<vmem>>) dst(%dma_wait3A_245 : memref<10240x128xf32, #tpu.memory_space<vmem_shared>>)
        %dma_wait3A_246 = arith.constant 6 : i32
        %dma_wait3A_247 = arith.constant 0 : i32
        %dma_wait3A_248 = tpu.memref_slice %arg7[%dma_wait3A_246, %dma_wait3A_247] : memref<16x128xi32, #tpu.memory_space<vmem>> -> memref<1x128xi32, #tpu.memory_space<vmem>>
        %dma_wait3A_249 = tpu.memref_squeeze %dma_wait3A_248 : memref<1x128xi32, #tpu.memory_space<vmem>> -> memref<128xi32, #tpu.memory_space<vmem>>
        %dma_wait3A_250 = arith.constant 0 : i32
        %dma_wait3A_251 = arith.constant 0 : i32
        %dma_wait3A_252 = tpu.memref_slice %arg10[%dma_wait3A_250, %dma_wait3A_251] : memref<10240x128xf32, #tpu.memory_space<vmem_shared>> -> memref<10240x128xf32, #tpu.memory_space<vmem_shared>>
        tpu.wait_indirect_dma semaphore(%arg13 : memref<!tpu.dma_semaphore, #tpu.memory_space<semaphore_mem>>) src(%arg8 : memref<128x128xf32, #tpu.memory_space<vmem>>) dst(%dma_wait3A_252 : memref<10240x128xf32, #tpu.memory_space<vmem_shared>>)
        %dma_wait3A_253 = arith.constant 7 : i32
        %dma_wait3A_254 = arith.constant 0 : i32
        %dma_wait3A_255 = tpu.memref_slice %arg7[%dma_wait3A_253, %dma_wait3A_254] : memref<16x128xi32, #tpu.memory_space<vmem>> -> memref<1x128xi32, #tpu.memory_space<vmem>>
        %dma_wait3A_256 = tpu.memref_squeeze %dma_wait3A_255 : memref<1x128xi32, #tpu.memory_space<vmem>> -> memref<128xi32, #tpu.memory_space<vmem>>
        %dma_wait3A_257 = arith.constant 0 : i32
        %dma_wait3A_258 = arith.constant 0 : i32
        %dma_wait3A_259 = tpu.memref_slice %arg10[%dma_wait3A_257, %dma_wait3A_258] : memref<10240x128xf32, #tpu.memory_space<vmem_shared>> -> memref<10240x128xf32, #tpu.memory_space<vmem_shared>>
        tpu.wait_indirect_dma semaphore(%arg13 : memref<!tpu.dma_semaphore, #tpu.memory_space<semaphore_mem>>) src(%arg8 : memref<128x128xf32, #tpu.memory_space<vmem>>) dst(%dma_wait3A_259 : memref<10240x128xf32, #tpu.memory_space<vmem_shared>>)
      } else {
      }
    }
    %scan3A_53 = arith.constant 10 : i32
    %barrier3A_54 = arith.constant 0 : index
    tpu.barrier barrier_id(%barrier3A_54)
    %mul3A_55 = arith.constant 640 : i32
    %mul3A_56 = arith.muli %arg1, %mul3A_55 : i32
    %add3A_57 = arith.constant 0 : i32
    %add3A_58 = arith.addi %mul3A_56, %add3A_57 : i32
    "tpu.region"() ({
      %run_scoped3A = tpu.sem_alloc : memref<!tpu.dma_semaphore, #tpu.memory_space<semaphore_mem>>
      %dma_start3A = arith.constant 0 : i32
      %dma_start3A_145 = tpu.memref_slice %arg6[%arg0, %add3A_58, %dma_start3A] : memref<2x10240x128xf32, #tpu.memory_space<hbm>> -> memref<1x128x128xf32, #tpu.memory_space<hbm>>
      %dma_start3A_146 = tpu.memref_squeeze %dma_start3A_145 : memref<1x128x128xf32, #tpu.memory_space<hbm>> -> memref<128x128xf32, #tpu.memory_space<hbm>>
      %dma_start3A_147 = arith.constant 0 : i32
      %dma_start3A_148 = tpu.memref_slice %arg10[%add3A_58, %dma_start3A_147] : memref<10240x128xf32, #tpu.memory_space<vmem_shared>> -> memref<128x128xf32, #tpu.memory_space<vmem_shared>>
      tpu.enqueue_dma source(%dma_start3A_148 : memref<128x128xf32, #tpu.memory_space<vmem_shared>>) target(%dma_start3A_146 : memref<128x128xf32, #tpu.memory_space<hbm>>) target_semaphore(%run_scoped3A : memref<!tpu.dma_semaphore, #tpu.memory_space<semaphore_mem>>)
      %dma_wait3A = arith.constant 0 : i32
      %dma_wait3A_149 = tpu.memref_slice %arg6[%arg0, %add3A_58, %dma_wait3A] : memref<2x10240x128xf32, #tpu.memory_space<hbm>> -> memref<1x128x128xf32, #tpu.memory_space<hbm>>
      %dma_wait3A_150 = tpu.memref_squeeze %dma_wait3A_149 : memref<1x128x128xf32, #tpu.memory_space<hbm>> -> memref<128x128xf32, #tpu.memory_space<hbm>>
      %dma_wait3A_151 = arith.constant 0 : i32
      %dma_wait3A_152 = tpu.memref_slice %arg10[%add3A_58, %dma_wait3A_151] : memref<10240x128xf32, #tpu.memory_space<vmem_shared>> -> memref<128x128xf32, #tpu.memory_space<vmem_shared>>
      tpu.wait_dma2 semaphore(%run_scoped3A : memref<!tpu.dma_semaphore, #tpu.memory_space<semaphore_mem>>) src(%dma_wait3A_152 : memref<128x128xf32, #tpu.memory_space<vmem_shared>>) dst(%dma_wait3A_150 : memref<128x128xf32, #tpu.memory_space<hbm>>)
      tpu.yield
    }) : () -> ()
    %mul3A_59 = arith.constant 640 : i32
    %mul3A_60 = arith.muli %arg1, %mul3A_59 : i32
    %add3A_61 = arith.constant 128 : i32
    %add3A_62 = arith.addi %mul3A_60, %add3A_61 : i32
    "tpu.region"() ({
      %run_scoped3A = tpu.sem_alloc : memref<!tpu.dma_semaphore, #tpu.memory_space<semaphore_mem>>
      %dma_start3A = arith.constant 0 : i32
      %dma_start3A_145 = tpu.memref_slice %arg6[%arg0, %add3A_62, %dma_start3A] : memref<2x10240x128xf32, #tpu.memory_space<hbm>> -> memref<1x128x128xf32, #tpu.memory_space<hbm>>
      %dma_start3A_146 = tpu.memref_squeeze %dma_start3A_145 : memref<1x128x128xf32, #tpu.memory_space<hbm>> -> memref<128x128xf32, #tpu.memory_space<hbm>>
      %dma_start3A_147 = arith.constant 0 : i32
      %dma_start3A_148 = tpu.memref_slice %arg10[%add3A_62, %dma_start3A_147] : memref<10240x128xf32, #tpu.memory_space<vmem_shared>> -> memref<128x128xf32, #tpu.memory_space<vmem_shared>>
      tpu.enqueue_dma source(%dma_start3A_148 : memref<128x128xf32, #tpu.memory_space<vmem_shared>>) target(%dma_start3A_146 : memref<128x128xf32, #tpu.memory_space<hbm>>) target_semaphore(%run_scoped3A : memref<!tpu.dma_semaphore, #tpu.memory_space<semaphore_mem>>)
      %dma_wait3A = arith.constant 0 : i32
      %dma_wait3A_149 = tpu.memref_slice %arg6[%arg0, %add3A_62, %dma_wait3A] : memref<2x10240x128xf32, #tpu.memory_space<hbm>> -> memref<1x128x128xf32, #tpu.memory_space<hbm>>
      %dma_wait3A_150 = tpu.memref_squeeze %dma_wait3A_149 : memref<1x128x128xf32, #tpu.memory_space<hbm>> -> memref<128x128xf32, #tpu.memory_space<hbm>>
      %dma_wait3A_151 = arith.constant 0 : i32
      %dma_wait3A_152 = tpu.memref_slice %arg10[%add3A_62, %dma_wait3A_151] : memref<10240x128xf32, #tpu.memory_space<vmem_shared>> -> memref<128x128xf32, #tpu.memory_space<vmem_shared>>
      tpu.wait_dma2 semaphore(%run_scoped3A : memref<!tpu.dma_semaphore, #tpu.memory_space<semaphore_mem>>) src(%dma_wait3A_152 : memref<128x128xf32, #tpu.memory_space<vmem_shared>>) dst(%dma_wait3A_150 : memref<128x128xf32, #tpu.memory_space<hbm>>)
      tpu.yield
    }) : () -> ()
    %mul3A_63 = arith.constant 640 : i32
    %mul3A_64 = arith.muli %arg1, %mul3A_63 : i32
    %add3A_65 = arith.constant 256 : i32
    %add3A_66 = arith.addi %mul3A_64, %add3A_65 : i32
    "tpu.region"() ({
      %run_scoped3A = tpu.sem_alloc : memref<!tpu.dma_semaphore, #tpu.memory_space<semaphore_mem>>
      %dma_start3A = arith.constant 0 : i32
      %dma_start3A_145 = tpu.memref_slice %arg6[%arg0, %add3A_66, %dma_start3A] : memref<2x10240x128xf32, #tpu.memory_space<hbm>> -> memref<1x128x128xf32, #tpu.memory_space<hbm>>
      %dma_start3A_146 = tpu.memref_squeeze %dma_start3A_145 : memref<1x128x128xf32, #tpu.memory_space<hbm>> -> memref<128x128xf32, #tpu.memory_space<hbm>>
      %dma_start3A_147 = arith.constant 0 : i32
      %dma_start3A_148 = tpu.memref_slice %arg10[%add3A_66, %dma_start3A_147] : memref<10240x128xf32, #tpu.memory_space<vmem_shared>> -> memref<128x128xf32, #tpu.memory_space<vmem_shared>>
      tpu.enqueue_dma source(%dma_start3A_148 : memref<128x128xf32, #tpu.memory_space<vmem_shared>>) target(%dma_start3A_146 : memref<128x128xf32, #tpu.memory_space<hbm>>) target_semaphore(%run_scoped3A : memref<!tpu.dma_semaphore, #tpu.memory_space<semaphore_mem>>)
      %dma_wait3A = arith.constant 0 : i32
      %dma_wait3A_149 = tpu.memref_slice %arg6[%arg0, %add3A_66, %dma_wait3A] : memref<2x10240x128xf32, #tpu.memory_space<hbm>> -> memref<1x128x128xf32, #tpu.memory_space<hbm>>
      %dma_wait3A_150 = tpu.memref_squeeze %dma_wait3A_149 : memref<1x128x128xf32, #tpu.memory_space<hbm>> -> memref<128x128xf32, #tpu.memory_space<hbm>>
      %dma_wait3A_151 = arith.constant 0 : i32
      %dma_wait3A_152 = tpu.memref_slice %arg10[%add3A_66, %dma_wait3A_151] : memref<10240x128xf32, #tpu.memory_space<vmem_shared>> -> memref<128x128xf32, #tpu.memory_space<vmem_shared>>
      tpu.wait_dma2 semaphore(%run_scoped3A : memref<!tpu.dma_semaphore, #tpu.memory_space<semaphore_mem>>) src(%dma_wait3A_152 : memref<128x128xf32, #tpu.memory_space<vmem_shared>>) dst(%dma_wait3A_150 : memref<128x128xf32, #tpu.memory_space<hbm>>)
      tpu.yield
    }) : () -> ()
    %mul3A_67 = arith.constant 640 : i32
    %mul3A_68 = arith.muli %arg1, %mul3A_67 : i32
    %add3A_69 = arith.constant 384 : i32
    %add3A_70 = arith.addi %mul3A_68, %add3A_69 : i32
    "tpu.region"() ({
      %run_scoped3A = tpu.sem_alloc : memref<!tpu.dma_semaphore, #tpu.memory_space<semaphore_mem>>
      %dma_start3A = arith.constant 0 : i32
      %dma_start3A_145 = tpu.memref_slice %arg6[%arg0, %add3A_70, %dma_start3A] : memref<2x10240x128xf32, #tpu.memory_space<hbm>> -> memref<1x128x128xf32, #tpu.memory_space<hbm>>
      %dma_start3A_146 = tpu.memref_squeeze %dma_start3A_145 : memref<1x128x128xf32, #tpu.memory_space<hbm>> -> memref<128x128xf32, #tpu.memory_space<hbm>>
      %dma_start3A_147 = arith.constant 0 : i32
      %dma_start3A_148 = tpu.memref_slice %arg10[%add3A_70, %dma_start3A_147] : memref<10240x128xf32, #tpu.memory_space<vmem_shared>> -> memref<128x128xf32, #tpu.memory_space<vmem_shared>>
      tpu.enqueue_dma source(%dma_start3A_148 : memref<128x128xf32, #tpu.memory_space<vmem_shared>>) target(%dma_start3A_146 : memref<128x128xf32, #tpu.memory_space<hbm>>) target_semaphore(%run_scoped3A : memref<!tpu.dma_semaphore, #tpu.memory_space<semaphore_mem>>)
      %dma_wait3A = arith.constant 0 : i32
      %dma_wait3A_149 = tpu.memref_slice %arg6[%arg0, %add3A_70, %dma_wait3A] : memref<2x10240x128xf32, #tpu.memory_space<hbm>> -> memref<1x128x128xf32, #tpu.memory_space<hbm>>
      %dma_wait3A_150 = tpu.memref_squeeze %dma_wait3A_149 : memref<1x128x128xf32, #tpu.memory_space<hbm>> -> memref<128x128xf32, #tpu.memory_space<hbm>>
      %dma_wait3A_151 = arith.constant 0 : i32
      %dma_wait3A_152 = tpu.memref_slice %arg10[%add3A_70, %dma_wait3A_151] : memref<10240x128xf32, #tpu.memory_space<vmem_shared>> -> memref<128x128xf32, #tpu.memory_space<vmem_shared>>
      tpu.wait_dma2 semaphore(%run_scoped3A : memref<!tpu.dma_semaphore, #tpu.memory_space<semaphore_mem>>) src(%dma_wait3A_152 : memref<128x128xf32, #tpu.memory_space<vmem_shared>>) dst(%dma_wait3A_150 : memref<128x128xf32, #tpu.memory_space<hbm>>)
      tpu.yield
    }) : () -> ()
    %mul3A_71 = arith.constant 640 : i32
    %mul3A_72 = arith.muli %arg1, %mul3A_71 : i32
    %add3A_73 = arith.constant 512 : i32
    %add3A_74 = arith.addi %mul3A_72, %add3A_73 : i32
    "tpu.region"() ({
      %run_scoped3A = tpu.sem_alloc : memref<!tpu.dma_semaphore, #tpu.memory_space<semaphore_mem>>
      %dma_start3A = arith.constant 0 : i32
      %dma_start3A_145 = tpu.memref_slice %arg6[%arg0, %add3A_74, %dma_start3A] : memref<2x10240x128xf32, #tpu.memory_space<hbm>> -> memref<1x128x128xf32, #tpu.memory_space<hbm>>
      %dma_start3A_146 = tpu.memref_squeeze %dma_start3A_145 : memref<1x128x128xf32, #tpu.memory_space<hbm>> -> memref<128x128xf32, #tpu.memory_space<hbm>>
      %dma_start3A_147 = arith.constant 0 : i32
      %dma_start3A_148 = tpu.memref_slice %arg10[%add3A_74, %dma_start3A_147] : memref<10240x128xf32, #tpu.memory_space<vmem_shared>> -> memref<128x128xf32, #tpu.memory_space<vmem_shared>>
      tpu.enqueue_dma source(%dma_start3A_148 : memref<128x128xf32, #tpu.memory_space<vmem_shared>>) target(%dma_start3A_146 : memref<128x128xf32, #tpu.memory_space<hbm>>) target_semaphore(%run_scoped3A : memref<!tpu.dma_semaphore, #tpu.memory_space<semaphore_mem>>)
      %dma_wait3A = arith.constant 0 : i32
      %dma_wait3A_149 = tpu.memref_slice %arg6[%arg0, %add3A_74, %dma_wait3A] : memref<2x10240x128xf32, #tpu.memory_space<hbm>> -> memref<1x128x128xf32, #tpu.memory_space<hbm>>
      %dma_wait3A_150 = tpu.memref_squeeze %dma_wait3A_149 : memref<1x128x128xf32, #tpu.memory_space<hbm>> -> memref<128x128xf32, #tpu.memory_space<hbm>>
      %dma_wait3A_151 = arith.constant 0 : i32
      %dma_wait3A_152 = tpu.memref_slice %arg10[%add3A_74, %dma_wait3A_151] : memref<10240x128xf32, #tpu.memory_space<vmem_shared>> -> memref<128x128xf32, #tpu.memory_space<vmem_shared>>
      tpu.wait_dma2 semaphore(%run_scoped3A : memref<!tpu.dma_semaphore, #tpu.memory_space<semaphore_mem>>) src(%dma_wait3A_152 : memref<128x128xf32, #tpu.memory_space<vmem_shared>>) dst(%dma_wait3A_150 : memref<128x128xf32, #tpu.memory_space<hbm>>)
      tpu.yield
    }) : () -> ()
    %broadcast_in_dim3A_75 = arith.constant 0.000000e+00 : f32
    %broadcast_in_dim3A_76 = vector.broadcast %broadcast_in_dim3A_75 : f32 to vector<16xf32>
    %scan3A_77 = arith.constant 0 : i32
    %scan3A_78 = arith.constant 0 : i32
    %scan3A_79 = arith.constant 128 : i32
    %scan3A_80 = arith.addi %scan3A_78, %scan3A_79 : i32
    %scan3A_81 = arith.constant 1 : i32
    scf.for %scan3A_145 = %scan3A_78 to %scan3A_80 step %scan3A_81  : i32 {
      %swap3A = arith.index_cast %scan3A_145 : i32 to index
      %swap3A_146 = arith.constant 0 : index
      %swap3A_147 = tpu.vector_load %arg8[%swap3A, %swap3A_146] {strides = array<i32>} : memref<128x128xf32, #tpu.memory_space<vmem>>, vector<1x16xf32>,
      %swap3A_148 = vector.shape_cast %swap3A_147 : vector<1x16xf32> to vector<16xf32>
      %swap3A_149 = vector.shape_cast %broadcast_in_dim3A_76 : vector<16xf32> to vector<1x16xf32>
      tpu.vector_store %arg8[%swap3A, %swap3A_146], %swap3A_149 {strides = array<i32>} : memref<128x128xf32, #tpu.memory_space<vmem>>, vector<1x16xf32>,
      %swap3A_150 = arith.index_cast %scan3A_145 : i32 to index
      %swap3A_151 = arith.constant 16 : index
      %swap3A_152 = tpu.vector_load %arg8[%swap3A_150, %swap3A_151] {strides = array<i32>} : memref<128x128xf32, #tpu.memory_space<vmem>>, vector<1x16xf32>,
      %swap3A_153 = vector.shape_cast %swap3A_152 : vector<1x16xf32> to vector<16xf32>
      %swap3A_154 = vector.shape_cast %broadcast_in_dim3A_76 : vector<16xf32> to vector<1x16xf32>
      tpu.vector_store %arg8[%swap3A_150, %swap3A_151], %swap3A_154 {strides = array<i32>} : memref<128x128xf32, #tpu.memory_space<vmem>>, vector<1x16xf32>,
      %swap3A_155 = arith.index_cast %scan3A_145 : i32 to index
      %swap3A_156 = arith.constant 32 : index
      %swap3A_157 = tpu.vector_load %arg8[%swap3A_155, %swap3A_156] {strides = array<i32>} : memref<128x128xf32, #tpu.memory_space<vmem>>, vector<1x16xf32>,
      %swap3A_158 = vector.shape_cast %swap3A_157 : vector<1x16xf32> to vector<16xf32>
      %swap3A_159 = vector.shape_cast %broadcast_in_dim3A_76 : vector<16xf32> to vector<1x16xf32>
      tpu.vector_store %arg8[%swap3A_155, %swap3A_156], %swap3A_159 {strides = array<i32>} : memref<128x128xf32, #tpu.memory_space<vmem>>, vector<1x16xf32>,
      %swap3A_160 = arith.index_cast %scan3A_145 : i32 to index
      %swap3A_161 = arith.constant 48 : index
      %swap3A_162 = tpu.vector_load %arg8[%swap3A_160, %swap3A_161] {strides = array<i32>} : memref<128x128xf32, #tpu.memory_space<vmem>>, vector<1x16xf32>,
      %swap3A_163 = vector.shape_cast %swap3A_162 : vector<1x16xf32> to vector<16xf32>
      %swap3A_164 = vector.shape_cast %broadcast_in_dim3A_76 : vector<16xf32> to vector<1x16xf32>
      tpu.vector_store %arg8[%swap3A_160, %swap3A_161], %swap3A_164 {strides = array<i32>} : memref<128x128xf32, #tpu.memory_space<vmem>>, vector<1x16xf32>,
      %swap3A_165 = arith.index_cast %scan3A_145 : i32 to index
      %swap3A_166 = arith.constant 64 : index
      %swap3A_167 = tpu.vector_load %arg8[%swap3A_165, %swap3A_166] {strides = array<i32>} : memref<128x128xf32, #tpu.memory_space<vmem>>, vector<1x16xf32>,
      %swap3A_168 = vector.shape_cast %swap3A_167 : vector<1x16xf32> to vector<16xf32>
      %swap3A_169 = vector.shape_cast %broadcast_in_dim3A_76 : vector<16xf32> to vector<1x16xf32>
      tpu.vector_store %arg8[%swap3A_165, %swap3A_166], %swap3A_169 {strides = array<i32>} : memref<128x128xf32, #tpu.memory_space<vmem>>, vector<1x16xf32>,
      %swap3A_170 = arith.index_cast %scan3A_145 : i32 to index
      %swap3A_171 = arith.constant 80 : index
      %swap3A_172 = tpu.vector_load %arg8[%swap3A_170, %swap3A_171] {strides = array<i32>} : memref<128x128xf32, #tpu.memory_space<vmem>>, vector<1x16xf32>,
      %swap3A_173 = vector.shape_cast %swap3A_172 : vector<1x16xf32> to vector<16xf32>
      %swap3A_174 = vector.shape_cast %broadcast_in_dim3A_76 : vector<16xf32> to vector<1x16xf32>
      tpu.vector_store %arg8[%swap3A_170, %swap3A_171], %swap3A_174 {strides = array<i32>} : memref<128x128xf32, #tpu.memory_space<vmem>>, vector<1x16xf32>,
      %swap3A_175 = arith.index_cast %scan3A_145 : i32 to index
      %swap3A_176 = arith.constant 96 : index
      %swap3A_177 = tpu.vector_load %arg8[%swap3A_175, %swap3A_176] {strides = array<i32>} : memref<128x128xf32, #tpu.memory_space<vmem>>, vector<1x16xf32>,
      %swap3A_178 = vector.shape_cast %swap3A_177 : vector<1x16xf32> to vector<16xf32>
      %swap3A_179 = vector.shape_cast %broadcast_in_dim3A_76 : vector<16xf32> to vector<1x16xf32>
      tpu.vector_store %arg8[%swap3A_175, %swap3A_176], %swap3A_179 {strides = array<i32>} : memref<128x128xf32, #tpu.memory_space<vmem>>, vector<1x16xf32>,
      %swap3A_180 = arith.index_cast %scan3A_145 : i32 to index
      %swap3A_181 = arith.constant 112 : index
      %swap3A_182 = tpu.vector_load %arg8[%swap3A_180, %swap3A_181] {strides = array<i32>} : memref<128x128xf32, #tpu.memory_space<vmem>>, vector<1x16xf32>,
      %swap3A_183 = vector.shape_cast %swap3A_182 : vector<1x16xf32> to vector<16xf32>
      %swap3A_184 = vector.shape_cast %broadcast_in_dim3A_76 : vector<16xf32> to vector<1x16xf32>
      tpu.vector_store %arg8[%swap3A_180, %swap3A_181], %swap3A_184 {strides = array<i32>} : memref<128x128xf32, #tpu.memory_space<vmem>>, vector<1x16xf32>,
    }
    %scan3A_82 = arith.constant 128 : i32
    %mul3A_83 = arith.constant 640 : i32
    %mul3A_84 = arith.muli %arg1, %mul3A_83 : i32
    %add3A_85 = arith.constant 0 : i32
    %add3A_86 = arith.addi %mul3A_84, %add3A_85 : i32
    "tpu.region"() ({
      %run_scoped3A = tpu.sem_alloc : memref<!tpu.dma_semaphore, #tpu.memory_space<semaphore_mem>>
      %dma_start3A = arith.constant 0 : i32
      %dma_start3A_145 = tpu.memref_slice %arg10[%add3A_86, %dma_start3A] : memref<10240x128xf32, #tpu.memory_space<vmem_shared>> -> memref<128x128xf32, #tpu.memory_space<vmem_shared>>
      %dma_start3A_146 = arith.constant 0 : i32
      %dma_start3A_147 = tpu.memref_slice %arg10[%add3A_86, %dma_start3A_146] : memref<10240x128xf32, #tpu.memory_space<vmem_shared>> -> memref<128x128xf32, #tpu.memory_space<vmem_shared>>
      tpu.enqueue_dma source(%arg8 : memref<128x128xf32, #tpu.memory_space<vmem>>) target(%dma_start3A_147 : memref<128x128xf32, #tpu.memory_space<vmem_shared>>) target_semaphore(%run_scoped3A : memref<!tpu.dma_semaphore, #tpu.memory_space<semaphore_mem>>)
      %dma_wait3A = arith.constant 0 : i32
      %dma_wait3A_148 = tpu.memref_slice %arg10[%add3A_86, %dma_wait3A] : memref<10240x128xf32, #tpu.memory_space<vmem_shared>> -> memref<128x128xf32, #tpu.memory_space<vmem_shared>>
      %dma_wait3A_149 = arith.constant 0 : i32
      %dma_wait3A_150 = tpu.memref_slice %arg10[%add3A_86, %dma_wait3A_149] : memref<10240x128xf32, #tpu.memory_space<vmem_shared>> -> memref<128x128xf32, #tpu.memory_space<vmem_shared>>
      tpu.wait_dma2 semaphore(%run_scoped3A : memref<!tpu.dma_semaphore, #tpu.memory_space<semaphore_mem>>) src(%arg8 : memref<128x128xf32, #tpu.memory_space<vmem>>) dst(%dma_wait3A_150 : memref<128x128xf32, #tpu.memory_space<vmem_shared>>)
      tpu.yield
    }) : () -> ()
    %mul3A_87 = arith.constant 640 : i32
    %mul3A_88 = arith.muli %arg1, %mul3A_87 : i32
    %add3A_89 = arith.constant 128 : i32
    %add3A_90 = arith.addi %mul3A_88, %add3A_89 : i32
    "tpu.region"() ({
      %run_scoped3A = tpu.sem_alloc : memref<!tpu.dma_semaphore, #tpu.memory_space<semaphore_mem>>
      %dma_start3A = arith.constant 0 : i32
      %dma_start3A_145 = tpu.memref_slice %arg10[%add3A_90, %dma_start3A] : memref<10240x128xf32, #tpu.memory_space<vmem_shared>> -> memref<128x128xf32, #tpu.memory_space<vmem_shared>>
      %dma_start3A_146 = arith.constant 0 : i32
      %dma_start3A_147 = tpu.memref_slice %arg10[%add3A_90, %dma_start3A_146] : memref<10240x128xf32, #tpu.memory_space<vmem_shared>> -> memref<128x128xf32, #tpu.memory_space<vmem_shared>>
      tpu.enqueue_dma source(%arg8 : memref<128x128xf32, #tpu.memory_space<vmem>>) target(%dma_start3A_147 : memref<128x128xf32, #tpu.memory_space<vmem_shared>>) target_semaphore(%run_scoped3A : memref<!tpu.dma_semaphore, #tpu.memory_space<semaphore_mem>>)
      %dma_wait3A = arith.constant 0 : i32
      %dma_wait3A_148 = tpu.memref_slice %arg10[%add3A_90, %dma_wait3A] : memref<10240x128xf32, #tpu.memory_space<vmem_shared>> -> memref<128x128xf32, #tpu.memory_space<vmem_shared>>
      %dma_wait3A_149 = arith.constant 0 : i32
      %dma_wait3A_150 = tpu.memref_slice %arg10[%add3A_90, %dma_wait3A_149] : memref<10240x128xf32, #tpu.memory_space<vmem_shared>> -> memref<128x128xf32, #tpu.memory_space<vmem_shared>>
      tpu.wait_dma2 semaphore(%run_scoped3A : memref<!tpu.dma_semaphore, #tpu.memory_space<semaphore_mem>>) src(%arg8 : memref<128x128xf32, #tpu.memory_space<vmem>>) dst(%dma_wait3A_150 : memref<128x128xf32, #tpu.memory_space<vmem_shared>>)
      tpu.yield
    }) : () -> ()
    %mul3A_91 = arith.constant 640 : i32
    %mul3A_92 = arith.muli %arg1, %mul3A_91 : i32
    %add3A_93 = arith.constant 256 : i32
    %add3A_94 = arith.addi %mul3A_92, %add3A_93 : i32
    "tpu.region"() ({
      %run_scoped3A = tpu.sem_alloc : memref<!tpu.dma_semaphore, #tpu.memory_space<semaphore_mem>>
      %dma_start3A = arith.constant 0 : i32
      %dma_start3A_145 = tpu.memref_slice %arg10[%add3A_94, %dma_start3A] : memref<10240x128xf32, #tpu.memory_space<vmem_shared>> -> memref<128x128xf32, #tpu.memory_space<vmem_shared>>
      %dma_start3A_146 = arith.constant 0 : i32
      %dma_start3A_147 = tpu.memref_slice %arg10[%add3A_94, %dma_start3A_146] : memref<10240x128xf32, #tpu.memory_space<vmem_shared>> -> memref<128x128xf32, #tpu.memory_space<vmem_shared>>
      tpu.enqueue_dma source(%arg8 : memref<128x128xf32, #tpu.memory_space<vmem>>) target(%dma_start3A_147 : memref<128x128xf32, #tpu.memory_space<vmem_shared>>) target_semaphore(%run_scoped3A : memref<!tpu.dma_semaphore, #tpu.memory_space<semaphore_mem>>)
      %dma_wait3A = arith.constant 0 : i32
      %dma_wait3A_148 = tpu.memref_slice %arg10[%add3A_94, %dma_wait3A] : memref<10240x128xf32, #tpu.memory_space<vmem_shared>> -> memref<128x128xf32, #tpu.memory_space<vmem_shared>>
      %dma_wait3A_149 = arith.constant 0 : i32
      %dma_wait3A_150 = tpu.memref_slice %arg10[%add3A_94, %dma_wait3A_149] : memref<10240x128xf32, #tpu.memory_space<vmem_shared>> -> memref<128x128xf32, #tpu.memory_space<vmem_shared>>
      tpu.wait_dma2 semaphore(%run_scoped3A : memref<!tpu.dma_semaphore, #tpu.memory_space<semaphore_mem>>) src(%arg8 : memref<128x128xf32, #tpu.memory_space<vmem>>) dst(%dma_wait3A_150 : memref<128x128xf32, #tpu.memory_space<vmem_shared>>)
      tpu.yield
    }) : () -> ()
    %mul3A_95 = arith.constant 640 : i32
    %mul3A_96 = arith.muli %arg1, %mul3A_95 : i32
    %add3A_97 = arith.constant 384 : i32
    %add3A_98 = arith.addi %mul3A_96, %add3A_97 : i32
    "tpu.region"() ({
      %run_scoped3A = tpu.sem_alloc : memref<!tpu.dma_semaphore, #tpu.memory_space<semaphore_mem>>
      %dma_start3A = arith.constant 0 : i32
      %dma_start3A_145 = tpu.memref_slice %arg10[%add3A_98, %dma_start3A] : memref<10240x128xf32, #tpu.memory_space<vmem_shared>> -> memref<128x128xf32, #tpu.memory_space<vmem_shared>>
      %dma_start3A_146 = arith.constant 0 : i32
      %dma_start3A_147 = tpu.memref_slice %arg10[%add3A_98, %dma_start3A_146] : memref<10240x128xf32, #tpu.memory_space<vmem_shared>> -> memref<128x128xf32, #tpu.memory_space<vmem_shared>>
      tpu.enqueue_dma source(%arg8 : memref<128x128xf32, #tpu.memory_space<vmem>>) target(%dma_start3A_147 : memref<128x128xf32, #tpu.memory_space<vmem_shared>>) target_semaphore(%run_scoped3A : memref<!tpu.dma_semaphore, #tpu.memory_space<semaphore_mem>>)
      %dma_wait3A = arith.constant 0 : i32
      %dma_wait3A_148 = tpu.memref_slice %arg10[%add3A_98, %dma_wait3A] : memref<10240x128xf32, #tpu.memory_space<vmem_shared>> -> memref<128x128xf32, #tpu.memory_space<vmem_shared>>
      %dma_wait3A_149 = arith.constant 0 : i32
      %dma_wait3A_150 = tpu.memref_slice %arg10[%add3A_98, %dma_wait3A_149] : memref<10240x128xf32, #tpu.memory_space<vmem_shared>> -> memref<128x128xf32, #tpu.memory_space<vmem_shared>>
      tpu.wait_dma2 semaphore(%run_scoped3A : memref<!tpu.dma_semaphore, #tpu.memory_space<semaphore_mem>>) src(%arg8 : memref<128x128xf32, #tpu.memory_space<vmem>>) dst(%dma_wait3A_150 : memref<128x128xf32, #tpu.memory_space<vmem_shared>>)
      tpu.yield
    }) : () -> ()
    %mul3A_99 = arith.constant 640 : i32
    %mul3A_100 = arith.muli %arg1, %mul3A_99 : i32
    %add3A_101 = arith.constant 512 : i32
    %add3A_102 = arith.addi %mul3A_100, %add3A_101 : i32
    "tpu.region"() ({
      %run_scoped3A = tpu.sem_alloc : memref<!tpu.dma_semaphore, #tpu.memory_space<semaphore_mem>>
      %dma_start3A = arith.constant 0 : i32
      %dma_start3A_145 = tpu.memref_slice %arg10[%add3A_102, %dma_start3A] : memref<10240x128xf32, #tpu.memory_space<vmem_shared>> -> memref<128x128xf32, #tpu.memory_space<vmem_shared>>
      %dma_start3A_146 = arith.constant 0 : i32
      %dma_start3A_147 = tpu.memref_slice %arg10[%add3A_102, %dma_start3A_146] : memref<10240x128xf32, #tpu.memory_space<vmem_shared>> -> memref<128x128xf32, #tpu.memory_space<vmem_shared>>
      tpu.enqueue_dma source(%arg8 : memref<128x128xf32, #tpu.memory_space<vmem>>) target(%dma_start3A_147 : memref<128x128xf32, #tpu.memory_space<vmem_shared>>) target_semaphore(%run_scoped3A : memref<!tpu.dma_semaphore, #tpu.memory_space<semaphore_mem>>)
      %dma_wait3A = arith.constant 0 : i32
      %dma_wait3A_148 = tpu.memref_slice %arg10[%add3A_102, %dma_wait3A] : memref<10240x128xf32, #tpu.memory_space<vmem_shared>> -> memref<128x128xf32, #tpu.memory_space<vmem_shared>>
      %dma_wait3A_149 = arith.constant 0 : i32
      %dma_wait3A_150 = tpu.memref_slice %arg10[%add3A_102, %dma_wait3A_149] : memref<10240x128xf32, #tpu.memory_space<vmem_shared>> -> memref<128x128xf32, #tpu.memory_space<vmem_shared>>
      tpu.wait_dma2 semaphore(%run_scoped3A : memref<!tpu.dma_semaphore, #tpu.memory_space<semaphore_mem>>) src(%arg8 : memref<128x128xf32, #tpu.memory_space<vmem>>) dst(%dma_wait3A_150 : memref<128x128xf32, #tpu.memory_space<vmem_shared>>)
      tpu.yield
    }) : () -> ()
    %barrier3A_103 = arith.constant 0 : index
    tpu.barrier barrier_id(%barrier3A_103)
    %eq3A_104 = arith.constant 0 : i32
    %eq3A_105 = arith.cmpi eq, %arg0, %eq3A_104 : i32
    %mul3A_106 = arith.constant 144 : i32
    %mul3A_107 = arith.muli %arg1, %mul3A_106 : i32
    %mul3A_108 = arith.constant 16 : i32
    %mul3A_109 = arith.muli %arg1, %mul3A_108 : i32
    %add3A_110 = arith.constant 2304 : i32
    %add3A_111 = arith.addi %add3A_110, %mul3A_109 : i32
    %select_n3A_112 = arith.select %eq3A_105, %mul3A_107, %add3A_111 : i32
    %eq3A_113 = arith.constant 0 : i32
    %eq3A_114 = arith.cmpi eq, %arg0, %eq3A_113 : i32
    %jit3A_115 = arith.constant 18 : i32
    %jit3A_116 = arith.constant 2 : i32
    %select_n3A_117 = arith.select %eq3A_114, %jit3A_115, %jit3A_116 : i32
    %scan3A_118 = arith.constant 0 : i32
    %scan3A_119 = arith.constant 0 : i32
    %scan3A_120 = arith.constant 18 : i32
    %scan3A_121 = arith.addi %scan3A_119, %scan3A_120 : i32
    %scan3A_122 = arith.constant 1 : i32
    scf.for %scan3A_145 = %scan3A_119 to %scan3A_121 step %scan3A_122  : i32 {
      %lt3A = arith.cmpi slt, %scan3A_145, %select_n3A_117 : i32
      %convert_element_type3A = arith.extui %lt3A : i1 to i32
      %cond3A = arith.constant 0 : i32
      %cond3A_146 = arith.cmpi ne, %convert_element_type3A, %cond3A : i32
      scf.if %cond3A_146 {
        %mul3A_147 = arith.constant 8 : i32
        %mul3A_148 = arith.muli %scan3A_145, %mul3A_147 : i32
        %add3A_149 = arith.addi %select_n3A_112, %mul3A_148 : i32
        %mul3A_150 = arith.constant 2 : i32
        %mul3A_151 = arith.muli %mul3A_150, %add3A_149 : i32
        "tpu.region"() ({
          %run_scoped3A_269 = tpu.sem_alloc : memref<!tpu.dma_semaphore, #tpu.memory_space<semaphore_mem>>
          %dma_start3A_270 = arith.constant 0 : i32
          %dma_start3A_271 = tpu.memref_slice %arg3[%mul3A_151, %dma_start3A_270] : memref<5120x128xi32, #tpu.memory_space<hbm>> -> memref<16x128xi32, #tpu.memory_space<hbm>>
          %dma_start3A_272 = arith.constant 0 : i32
          %dma_start3A_273 = tpu.memref_slice %arg3[%mul3A_151, %dma_start3A_272] : memref<5120x128xi32, #tpu.memory_space<hbm>> -> memref<16x128xi32, #tpu.memory_space<hbm>>
          tpu.enqueue_dma source(%dma_start3A_273 : memref<16x128xi32, #tpu.memory_space<hbm>>) target(%arg7 : memref<16x128xi32, #tpu.memory_space<vmem>>) target_semaphore(%run_scoped3A_269 : memref<!tpu.dma_semaphore, #tpu.memory_space<semaphore_mem>>)
          %dma_wait3A_274 = arith.constant 0 : i32
          %dma_wait3A_275 = tpu.memref_slice %arg3[%mul3A_151, %dma_wait3A_274] : memref<5120x128xi32, #tpu.memory_space<hbm>> -> memref<16x128xi32, #tpu.memory_space<hbm>>
          %dma_wait3A_276 = arith.constant 0 : i32
          %dma_wait3A_277 = tpu.memref_slice %arg3[%mul3A_151, %dma_wait3A_276] : memref<5120x128xi32, #tpu.memory_space<hbm>> -> memref<16x128xi32, #tpu.memory_space<hbm>>
          tpu.wait_dma2 semaphore(%run_scoped3A_269 : memref<!tpu.dma_semaphore, #tpu.memory_space<semaphore_mem>>) src(%dma_wait3A_277 : memref<16x128xi32, #tpu.memory_space<hbm>>) dst(%arg7 : memref<16x128xi32, #tpu.memory_space<vmem>>)
          tpu.yield
        }) : () -> ()
        %dma_start3A = arith.constant 0 : i32
        %dma_start3A_152 = arith.constant 0 : i32
        %dma_start3A_153 = tpu.memref_slice %arg7[%dma_start3A, %dma_start3A_152] : memref<16x128xi32, #tpu.memory_space<vmem>> -> memref<1x128xi32, #tpu.memory_space<vmem>>
        %dma_start3A_154 = tpu.memref_squeeze %dma_start3A_153 : memref<1x128xi32, #tpu.memory_space<vmem>> -> memref<128xi32, #tpu.memory_space<vmem>>
        %dma_start3A_155 = arith.constant 0 : i32
        %dma_start3A_156 = arith.constant 0 : i32
        %dma_start3A_157 = tpu.memref_slice %arg2[%dma_start3A_155, %dma_start3A_156] : memref<10240x128xf32, #tpu.memory_space<hbm>> -> memref<10240x128xf32, #tpu.memory_space<hbm>>
        tpu.enqueue_indirect_dma source(%dma_start3A_157 : memref<10240x128xf32, #tpu.memory_space<hbm>>) target(%arg8 : memref<128x128xf32, #tpu.memory_space<vmem>>) offsets(%dma_start3A_154 : memref<128xi32, #tpu.memory_space<vmem>>) semaphore(%arg11 : memref<!tpu.dma_semaphore, #tpu.memory_space<semaphore_mem>>)
        %dma_wait3A = arith.constant 0 : i32
        %dma_wait3A_158 = arith.constant 0 : i32
        %dma_wait3A_159 = tpu.memref_slice %arg7[%dma_wait3A, %dma_wait3A_158] : memref<16x128xi32, #tpu.memory_space<vmem>> -> memref<1x128xi32, #tpu.memory_space<vmem>>
        %dma_wait3A_160 = tpu.memref_squeeze %dma_wait3A_159 : memref<1x128xi32, #tpu.memory_space<vmem>> -> memref<128xi32, #tpu.memory_space<vmem>>
        %dma_wait3A_161 = arith.constant 0 : i32
        %dma_wait3A_162 = arith.constant 0 : i32
        %dma_wait3A_163 = tpu.memref_slice %arg2[%dma_wait3A_161, %dma_wait3A_162] : memref<10240x128xf32, #tpu.memory_space<hbm>> -> memref<10240x128xf32, #tpu.memory_space<hbm>>
        tpu.wait_indirect_dma semaphore(%arg11 : memref<!tpu.dma_semaphore, #tpu.memory_space<semaphore_mem>>) src(%dma_wait3A_163 : memref<10240x128xf32, #tpu.memory_space<hbm>>) dst(%arg8 : memref<128x128xf32, #tpu.memory_space<vmem>>)
        %dma_start3A_164 = arith.constant 2 : i32
        %dma_start3A_165 = arith.constant 0 : i32
        %dma_start3A_166 = tpu.memref_slice %arg7[%dma_start3A_164, %dma_start3A_165] : memref<16x128xi32, #tpu.memory_space<vmem>> -> memref<1x128xi32, #tpu.memory_space<vmem>>
        %dma_start3A_167 = tpu.memref_squeeze %dma_start3A_166 : memref<1x128xi32, #tpu.memory_space<vmem>> -> memref<128xi32, #tpu.memory_space<vmem>>
        %dma_start3A_168 = arith.constant 0 : i32
        %dma_start3A_169 = arith.constant 0 : i32
        %dma_start3A_170 = tpu.memref_slice %arg2[%dma_start3A_168, %dma_start3A_169] : memref<10240x128xf32, #tpu.memory_space<hbm>> -> memref<10240x128xf32, #tpu.memory_space<hbm>>
        tpu.enqueue_indirect_dma source(%dma_start3A_170 : memref<10240x128xf32, #tpu.memory_space<hbm>>) target(%arg9 : memref<128x128xf32, #tpu.memory_space<vmem>>) offsets(%dma_start3A_167 : memref<128xi32, #tpu.memory_space<vmem>>) semaphore(%arg12 : memref<!tpu.dma_semaphore, #tpu.memory_space<semaphore_mem>>)
        %run_scoped3A = arith.constant 1 : i32
        "tpu.region"() ({
          %run_scoped3A_269 = tpu.sem_alloc : memref<!tpu.dma_semaphore, #tpu.memory_space<semaphore_mem>>
          %dma_start3A_270 = arith.constant 0 : i32
          %dma_start3A_271 = tpu.memref_slice %arg7[%run_scoped3A, %dma_start3A_270] : memref<16x128xi32, #tpu.memory_space<vmem>> -> memref<1x128xi32, #tpu.memory_space<vmem>>
          %dma_start3A_272 = tpu.memref_squeeze %dma_start3A_271 : memref<1x128xi32, #tpu.memory_space<vmem>> -> memref<128xi32, #tpu.memory_space<vmem>>
          %dma_start3A_273 = arith.constant 0 : i32
          %dma_start3A_274 = arith.constant 0 : i32
          %dma_start3A_275 = tpu.memref_slice %arg10[%dma_start3A_273, %dma_start3A_274] : memref<10240x128xf32, #tpu.memory_space<vmem_shared>> -> memref<10240x128xf32, #tpu.memory_space<vmem_shared>>
          tpu.enqueue_indirect_dma source(%arg8 : memref<128x128xf32, #tpu.memory_space<vmem>>) target(%dma_start3A_275 : memref<10240x128xf32, #tpu.memory_space<vmem_shared>>) offsets(%dma_start3A_272 : memref<128xi32, #tpu.memory_space<vmem>>) semaphore(%run_scoped3A_269 : memref<!tpu.dma_semaphore, #tpu.memory_space<semaphore_mem>>) {add = true}
          %dma_wait3A_276 = arith.constant 0 : i32
          %dma_wait3A_277 = tpu.memref_slice %arg7[%run_scoped3A, %dma_wait3A_276] : memref<16x128xi32, #tpu.memory_space<vmem>> -> memref<1x128xi32, #tpu.memory_space<vmem>>
          %dma_wait3A_278 = tpu.memref_squeeze %dma_wait3A_277 : memref<1x128xi32, #tpu.memory_space<vmem>> -> memref<128xi32, #tpu.memory_space<vmem>>
          %dma_wait3A_279 = arith.constant 0 : i32
          %dma_wait3A_280 = arith.constant 0 : i32
          %dma_wait3A_281 = tpu.memref_slice %arg10[%dma_wait3A_279, %dma_wait3A_280] : memref<10240x128xf32, #tpu.memory_space<vmem_shared>> -> memref<10240x128xf32, #tpu.memory_space<vmem_shared>>
          tpu.wait_indirect_dma semaphore(%run_scoped3A_269 : memref<!tpu.dma_semaphore, #tpu.memory_space<semaphore_mem>>) src(%arg8 : memref<128x128xf32, #tpu.memory_space<vmem>>) dst(%dma_wait3A_281 : memref<10240x128xf32, #tpu.memory_space<vmem_shared>>)
          tpu.yield
        }) : () -> ()
        %dma_wait3A_171 = arith.constant 2 : i32
        %dma_wait3A_172 = arith.constant 0 : i32
        %dma_wait3A_173 = tpu.memref_slice %arg7[%dma_wait3A_171, %dma_wait3A_172] : memref<16x128xi32, #tpu.memory_space<vmem>> -> memref<1x128xi32, #tpu.memory_space<vmem>>
        %dma_wait3A_174 = tpu.memref_squeeze %dma_wait3A_173 : memref<1x128xi32, #tpu.memory_space<vmem>> -> memref<128xi32, #tpu.memory_space<vmem>>
        %dma_wait3A_175 = arith.constant 0 : i32
        %dma_wait3A_176 = arith.constant 0 : i32
        %dma_wait3A_177 = tpu.memref_slice %arg2[%dma_wait3A_175, %dma_wait3A_176] : memref<10240x128xf32, #tpu.memory_space<hbm>> -> memref<10240x128xf32, #tpu.memory_space<hbm>>
        tpu.wait_indirect_dma semaphore(%arg12 : memref<!tpu.dma_semaphore, #tpu.memory_space<semaphore_mem>>) src(%dma_wait3A_177 : memref<10240x128xf32, #tpu.memory_space<hbm>>) dst(%arg9 : memref<128x128xf32, #tpu.memory_space<vmem>>)
        %dma_start3A_178 = arith.constant 4 : i32
        %dma_start3A_179 = arith.constant 0 : i32
        %dma_start3A_180 = tpu.memref_slice %arg7[%dma_start3A_178, %dma_start3A_179] : memref<16x128xi32, #tpu.memory_space<vmem>> -> memref<1x128xi32, #tpu.memory_space<vmem>>
        %dma_start3A_181 = tpu.memref_squeeze %dma_start3A_180 : memref<1x128xi32, #tpu.memory_space<vmem>> -> memref<128xi32, #tpu.memory_space<vmem>>
        %dma_start3A_182 = arith.constant 0 : i32
        %dma_start3A_183 = arith.constant 0 : i32
        %dma_start3A_184 = tpu.memref_slice %arg2[%dma_start3A_182, %dma_start3A_183] : memref<10240x128xf32, #tpu.memory_space<hbm>> -> memref<10240x128xf32, #tpu.memory_space<hbm>>
        tpu.enqueue_indirect_dma source(%dma_start3A_184 : memref<10240x128xf32, #tpu.memory_space<hbm>>) target(%arg8 : memref<128x128xf32, #tpu.memory_space<vmem>>) offsets(%dma_start3A_181 : memref<128xi32, #tpu.memory_space<vmem>>) semaphore(%arg11 : memref<!tpu.dma_semaphore, #tpu.memory_space<semaphore_mem>>)
        %run_scoped3A_185 = arith.constant 3 : i32
        "tpu.region"() ({
          %run_scoped3A_269 = tpu.sem_alloc : memref<!tpu.dma_semaphore, #tpu.memory_space<semaphore_mem>>
          %dma_start3A_270 = arith.constant 0 : i32
          %dma_start3A_271 = tpu.memref_slice %arg7[%run_scoped3A_185, %dma_start3A_270] : memref<16x128xi32, #tpu.memory_space<vmem>> -> memref<1x128xi32, #tpu.memory_space<vmem>>
          %dma_start3A_272 = tpu.memref_squeeze %dma_start3A_271 : memref<1x128xi32, #tpu.memory_space<vmem>> -> memref<128xi32, #tpu.memory_space<vmem>>
          %dma_start3A_273 = arith.constant 0 : i32
          %dma_start3A_274 = arith.constant 0 : i32
          %dma_start3A_275 = tpu.memref_slice %arg10[%dma_start3A_273, %dma_start3A_274] : memref<10240x128xf32, #tpu.memory_space<vmem_shared>> -> memref<10240x128xf32, #tpu.memory_space<vmem_shared>>
          tpu.enqueue_indirect_dma source(%arg9 : memref<128x128xf32, #tpu.memory_space<vmem>>) target(%dma_start3A_275 : memref<10240x128xf32, #tpu.memory_space<vmem_shared>>) offsets(%dma_start3A_272 : memref<128xi32, #tpu.memory_space<vmem>>) semaphore(%run_scoped3A_269 : memref<!tpu.dma_semaphore, #tpu.memory_space<semaphore_mem>>) {add = true}
          %dma_wait3A_276 = arith.constant 0 : i32
          %dma_wait3A_277 = tpu.memref_slice %arg7[%run_scoped3A_185, %dma_wait3A_276] : memref<16x128xi32, #tpu.memory_space<vmem>> -> memref<1x128xi32, #tpu.memory_space<vmem>>
          %dma_wait3A_278 = tpu.memref_squeeze %dma_wait3A_277 : memref<1x128xi32, #tpu.memory_space<vmem>> -> memref<128xi32, #tpu.memory_space<vmem>>
          %dma_wait3A_279 = arith.constant 0 : i32
          %dma_wait3A_280 = arith.constant 0 : i32
          %dma_wait3A_281 = tpu.memref_slice %arg10[%dma_wait3A_279, %dma_wait3A_280] : memref<10240x128xf32, #tpu.memory_space<vmem_shared>> -> memref<10240x128xf32, #tpu.memory_space<vmem_shared>>
          tpu.wait_indirect_dma semaphore(%run_scoped3A_269 : memref<!tpu.dma_semaphore, #tpu.memory_space<semaphore_mem>>) src(%arg9 : memref<128x128xf32, #tpu.memory_space<vmem>>) dst(%dma_wait3A_281 : memref<10240x128xf32, #tpu.memory_space<vmem_shared>>)
          tpu.yield
        }) : () -> ()
        %dma_wait3A_186 = arith.constant 4 : i32
        %dma_wait3A_187 = arith.constant 0 : i32
        %dma_wait3A_188 = tpu.memref_slice %arg7[%dma_wait3A_186, %dma_wait3A_187] : memref<16x128xi32, #tpu.memory_space<vmem>> -> memref<1x128xi32, #tpu.memory_space<vmem>>
        %dma_wait3A_189 = tpu.memref_squeeze %dma_wait3A_188 : memref<1x128xi32, #tpu.memory_space<vmem>> -> memref<128xi32, #tpu.memory_space<vmem>>
        %dma_wait3A_190 = arith.constant 0 : i32
        %dma_wait3A_191 = arith.constant 0 : i32
        %dma_wait3A_192 = tpu.memref_slice %arg2[%dma_wait3A_190, %dma_wait3A_191] : memref<10240x128xf32, #tpu.memory_space<hbm>> -> memref<10240x128xf32, #tpu.memory_space<hbm>>
        tpu.wait_indirect_dma semaphore(%arg11 : memref<!tpu.dma_semaphore, #tpu.memory_space<semaphore_mem>>) src(%dma_wait3A_192 : memref<10240x128xf32, #tpu.memory_space<hbm>>) dst(%arg8 : memref<128x128xf32, #tpu.memory_space<vmem>>)
        %dma_start3A_193 = arith.constant 6 : i32
        %dma_start3A_194 = arith.constant 0 : i32
        %dma_start3A_195 = tpu.memref_slice %arg7[%dma_start3A_193, %dma_start3A_194] : memref<16x128xi32, #tpu.memory_space<vmem>> -> memref<1x128xi32, #tpu.memory_space<vmem>>
        %dma_start3A_196 = tpu.memref_squeeze %dma_start3A_195 : memref<1x128xi32, #tpu.memory_space<vmem>> -> memref<128xi32, #tpu.memory_space<vmem>>
        %dma_start3A_197 = arith.constant 0 : i32
        %dma_start3A_198 = arith.constant 0 : i32
        %dma_start3A_199 = tpu.memref_slice %arg2[%dma_start3A_197, %dma_start3A_198] : memref<10240x128xf32, #tpu.memory_space<hbm>> -> memref<10240x128xf32, #tpu.memory_space<hbm>>
        tpu.enqueue_indirect_dma source(%dma_start3A_199 : memref<10240x128xf32, #tpu.memory_space<hbm>>) target(%arg9 : memref<128x128xf32, #tpu.memory_space<vmem>>) offsets(%dma_start3A_196 : memref<128xi32, #tpu.memory_space<vmem>>) semaphore(%arg12 : memref<!tpu.dma_semaphore, #tpu.memory_space<semaphore_mem>>)
        %run_scoped3A_200 = arith.constant 5 : i32
        "tpu.region"() ({
          %run_scoped3A_269 = tpu.sem_alloc : memref<!tpu.dma_semaphore, #tpu.memory_space<semaphore_mem>>
          %dma_start3A_270 = arith.constant 0 : i32
          %dma_start3A_271 = tpu.memref_slice %arg7[%run_scoped3A_200, %dma_start3A_270] : memref<16x128xi32, #tpu.memory_space<vmem>> -> memref<1x128xi32, #tpu.memory_space<vmem>>
          %dma_start3A_272 = tpu.memref_squeeze %dma_start3A_271 : memref<1x128xi32, #tpu.memory_space<vmem>> -> memref<128xi32, #tpu.memory_space<vmem>>
          %dma_start3A_273 = arith.constant 0 : i32
          %dma_start3A_274 = arith.constant 0 : i32
          %dma_start3A_275 = tpu.memref_slice %arg10[%dma_start3A_273, %dma_start3A_274] : memref<10240x128xf32, #tpu.memory_space<vmem_shared>> -> memref<10240x128xf32, #tpu.memory_space<vmem_shared>>
          tpu.enqueue_indirect_dma source(%arg8 : memref<128x128xf32, #tpu.memory_space<vmem>>) target(%dma_start3A_275 : memref<10240x128xf32, #tpu.memory_space<vmem_shared>>) offsets(%dma_start3A_272 : memref<128xi32, #tpu.memory_space<vmem>>) semaphore(%run_scoped3A_269 : memref<!tpu.dma_semaphore, #tpu.memory_space<semaphore_mem>>) {add = true}
          %dma_wait3A_276 = arith.constant 0 : i32
          %dma_wait3A_277 = tpu.memref_slice %arg7[%run_scoped3A_200, %dma_wait3A_276] : memref<16x128xi32, #tpu.memory_space<vmem>> -> memref<1x128xi32, #tpu.memory_space<vmem>>
          %dma_wait3A_278 = tpu.memref_squeeze %dma_wait3A_277 : memref<1x128xi32, #tpu.memory_space<vmem>> -> memref<128xi32, #tpu.memory_space<vmem>>
          %dma_wait3A_279 = arith.constant 0 : i32
          %dma_wait3A_280 = arith.constant 0 : i32
          %dma_wait3A_281 = tpu.memref_slice %arg10[%dma_wait3A_279, %dma_wait3A_280] : memref<10240x128xf32, #tpu.memory_space<vmem_shared>> -> memref<10240x128xf32, #tpu.memory_space<vmem_shared>>
          tpu.wait_indirect_dma semaphore(%run_scoped3A_269 : memref<!tpu.dma_semaphore, #tpu.memory_space<semaphore_mem>>) src(%arg8 : memref<128x128xf32, #tpu.memory_space<vmem>>) dst(%dma_wait3A_281 : memref<10240x128xf32, #tpu.memory_space<vmem_shared>>)
          tpu.yield
        }) : () -> ()
        %dma_wait3A_201 = arith.constant 6 : i32
        %dma_wait3A_202 = arith.constant 0 : i32
        %dma_wait3A_203 = tpu.memref_slice %arg7[%dma_wait3A_201, %dma_wait3A_202] : memref<16x128xi32, #tpu.memory_space<vmem>> -> memref<1x128xi32, #tpu.memory_space<vmem>>
        %dma_wait3A_204 = tpu.memref_squeeze %dma_wait3A_203 : memref<1x128xi32, #tpu.memory_space<vmem>> -> memref<128xi32, #tpu.memory_space<vmem>>
        %dma_wait3A_205 = arith.constant 0 : i32
        %dma_wait3A_206 = arith.constant 0 : i32
        %dma_wait3A_207 = tpu.memref_slice %arg2[%dma_wait3A_205, %dma_wait3A_206] : memref<10240x128xf32, #tpu.memory_space<hbm>> -> memref<10240x128xf32, #tpu.memory_space<hbm>>
        tpu.wait_indirect_dma semaphore(%arg12 : memref<!tpu.dma_semaphore, #tpu.memory_space<semaphore_mem>>) src(%dma_wait3A_207 : memref<10240x128xf32, #tpu.memory_space<hbm>>) dst(%arg9 : memref<128x128xf32, #tpu.memory_space<vmem>>)
        %dma_start3A_208 = arith.constant 8 : i32
        %dma_start3A_209 = arith.constant 0 : i32
        %dma_start3A_210 = tpu.memref_slice %arg7[%dma_start3A_208, %dma_start3A_209] : memref<16x128xi32, #tpu.memory_space<vmem>> -> memref<1x128xi32, #tpu.memory_space<vmem>>
        %dma_start3A_211 = tpu.memref_squeeze %dma_start3A_210 : memref<1x128xi32, #tpu.memory_space<vmem>> -> memref<128xi32, #tpu.memory_space<vmem>>
        %dma_start3A_212 = arith.constant 0 : i32
        %dma_start3A_213 = arith.constant 0 : i32
        %dma_start3A_214 = tpu.memref_slice %arg2[%dma_start3A_212, %dma_start3A_213] : memref<10240x128xf32, #tpu.memory_space<hbm>> -> memref<10240x128xf32, #tpu.memory_space<hbm>>
        tpu.enqueue_indirect_dma source(%dma_start3A_214 : memref<10240x128xf32, #tpu.memory_space<hbm>>) target(%arg8 : memref<128x128xf32, #tpu.memory_space<vmem>>) offsets(%dma_start3A_211 : memref<128xi32, #tpu.memory_space<vmem>>) semaphore(%arg11 : memref<!tpu.dma_semaphore, #tpu.memory_space<semaphore_mem>>)
        %run_scoped3A_215 = arith.constant 7 : i32
        "tpu.region"() ({
          %run_scoped3A_269 = tpu.sem_alloc : memref<!tpu.dma_semaphore, #tpu.memory_space<semaphore_mem>>
          %dma_start3A_270 = arith.constant 0 : i32
          %dma_start3A_271 = tpu.memref_slice %arg7[%run_scoped3A_215, %dma_start3A_270] : memref<16x128xi32, #tpu.memory_space<vmem>> -> memref<1x128xi32, #tpu.memory_space<vmem>>
          %dma_start3A_272 = tpu.memref_squeeze %dma_start3A_271 : memref<1x128xi32, #tpu.memory_space<vmem>> -> memref<128xi32, #tpu.memory_space<vmem>>
          %dma_start3A_273 = arith.constant 0 : i32
          %dma_start3A_274 = arith.constant 0 : i32
          %dma_start3A_275 = tpu.memref_slice %arg10[%dma_start3A_273, %dma_start3A_274] : memref<10240x128xf32, #tpu.memory_space<vmem_shared>> -> memref<10240x128xf32, #tpu.memory_space<vmem_shared>>
          tpu.enqueue_indirect_dma source(%arg9 : memref<128x128xf32, #tpu.memory_space<vmem>>) target(%dma_start3A_275 : memref<10240x128xf32, #tpu.memory_space<vmem_shared>>) offsets(%dma_start3A_272 : memref<128xi32, #tpu.memory_space<vmem>>) semaphore(%run_scoped3A_269 : memref<!tpu.dma_semaphore, #tpu.memory_space<semaphore_mem>>) {add = true}
          %dma_wait3A_276 = arith.constant 0 : i32
          %dma_wait3A_277 = tpu.memref_slice %arg7[%run_scoped3A_215, %dma_wait3A_276] : memref<16x128xi32, #tpu.memory_space<vmem>> -> memref<1x128xi32, #tpu.memory_space<vmem>>
          %dma_wait3A_278 = tpu.memref_squeeze %dma_wait3A_277 : memref<1x128xi32, #tpu.memory_space<vmem>> -> memref<128xi32, #tpu.memory_space<vmem>>
          %dma_wait3A_279 = arith.constant 0 : i32
          %dma_wait3A_280 = arith.constant 0 : i32
          %dma_wait3A_281 = tpu.memref_slice %arg10[%dma_wait3A_279, %dma_wait3A_280] : memref<10240x128xf32, #tpu.memory_space<vmem_shared>> -> memref<10240x128xf32, #tpu.memory_space<vmem_shared>>
          tpu.wait_indirect_dma semaphore(%run_scoped3A_269 : memref<!tpu.dma_semaphore, #tpu.memory_space<semaphore_mem>>) src(%arg9 : memref<128x128xf32, #tpu.memory_space<vmem>>) dst(%dma_wait3A_281 : memref<10240x128xf32, #tpu.memory_space<vmem_shared>>)
          tpu.yield
        }) : () -> ()
        %dma_wait3A_216 = arith.constant 8 : i32
        %dma_wait3A_217 = arith.constant 0 : i32
        %dma_wait3A_218 = tpu.memref_slice %arg7[%dma_wait3A_216, %dma_wait3A_217] : memref<16x128xi32, #tpu.memory_space<vmem>> -> memref<1x128xi32, #tpu.memory_space<vmem>>
        %dma_wait3A_219 = tpu.memref_squeeze %dma_wait3A_218 : memref<1x128xi32, #tpu.memory_space<vmem>> -> memref<128xi32, #tpu.memory_space<vmem>>
        %dma_wait3A_220 = arith.constant 0 : i32
        %dma_wait3A_221 = arith.constant 0 : i32
        %dma_wait3A_222 = tpu.memref_slice %arg2[%dma_wait3A_220, %dma_wait3A_221] : memref<10240x128xf32, #tpu.memory_space<hbm>> -> memref<10240x128xf32, #tpu.memory_space<hbm>>
        tpu.wait_indirect_dma semaphore(%arg11 : memref<!tpu.dma_semaphore, #tpu.memory_space<semaphore_mem>>) src(%dma_wait3A_222 : memref<10240x128xf32, #tpu.memory_space<hbm>>) dst(%arg8 : memref<128x128xf32, #tpu.memory_space<vmem>>)
        %dma_start3A_223 = arith.constant 10 : i32
        %dma_start3A_224 = arith.constant 0 : i32
        %dma_start3A_225 = tpu.memref_slice %arg7[%dma_start3A_223, %dma_start3A_224] : memref<16x128xi32, #tpu.memory_space<vmem>> -> memref<1x128xi32, #tpu.memory_space<vmem>>
        %dma_start3A_226 = tpu.memref_squeeze %dma_start3A_225 : memref<1x128xi32, #tpu.memory_space<vmem>> -> memref<128xi32, #tpu.memory_space<vmem>>
        %dma_start3A_227 = arith.constant 0 : i32
        %dma_start3A_228 = arith.constant 0 : i32
        %dma_start3A_229 = tpu.memref_slice %arg2[%dma_start3A_227, %dma_start3A_228] : memref<10240x128xf32, #tpu.memory_space<hbm>> -> memref<10240x128xf32, #tpu.memory_space<hbm>>
        tpu.enqueue_indirect_dma source(%dma_start3A_229 : memref<10240x128xf32, #tpu.memory_space<hbm>>) target(%arg9 : memref<128x128xf32, #tpu.memory_space<vmem>>) offsets(%dma_start3A_226 : memref<128xi32, #tpu.memory_space<vmem>>) semaphore(%arg12 : memref<!tpu.dma_semaphore, #tpu.memory_space<semaphore_mem>>)
        %run_scoped3A_230 = arith.constant 9 : i32
        "tpu.region"() ({
          %run_scoped3A_269 = tpu.sem_alloc : memref<!tpu.dma_semaphore, #tpu.memory_space<semaphore_mem>>
          %dma_start3A_270 = arith.constant 0 : i32
          %dma_start3A_271 = tpu.memref_slice %arg7[%run_scoped3A_230, %dma_start3A_270] : memref<16x128xi32, #tpu.memory_space<vmem>> -> memref<1x128xi32, #tpu.memory_space<vmem>>
          %dma_start3A_272 = tpu.memref_squeeze %dma_start3A_271 : memref<1x128xi32, #tpu.memory_space<vmem>> -> memref<128xi32, #tpu.memory_space<vmem>>
          %dma_start3A_273 = arith.constant 0 : i32
          %dma_start3A_274 = arith.constant 0 : i32
          %dma_start3A_275 = tpu.memref_slice %arg10[%dma_start3A_273, %dma_start3A_274] : memref<10240x128xf32, #tpu.memory_space<vmem_shared>> -> memref<10240x128xf32, #tpu.memory_space<vmem_shared>>
          tpu.enqueue_indirect_dma source(%arg8 : memref<128x128xf32, #tpu.memory_space<vmem>>) target(%dma_start3A_275 : memref<10240x128xf32, #tpu.memory_space<vmem_shared>>) offsets(%dma_start3A_272 : memref<128xi32, #tpu.memory_space<vmem>>) semaphore(%run_scoped3A_269 : memref<!tpu.dma_semaphore, #tpu.memory_space<semaphore_mem>>) {add = true}
          %dma_wait3A_276 = arith.constant 0 : i32
          %dma_wait3A_277 = tpu.memref_slice %arg7[%run_scoped3A_230, %dma_wait3A_276] : memref<16x128xi32, #tpu.memory_space<vmem>> -> memref<1x128xi32, #tpu.memory_space<vmem>>
          %dma_wait3A_278 = tpu.memref_squeeze %dma_wait3A_277 : memref<1x128xi32, #tpu.memory_space<vmem>> -> memref<128xi32, #tpu.memory_space<vmem>>
          %dma_wait3A_279 = arith.constant 0 : i32
          %dma_wait3A_280 = arith.constant 0 : i32
          %dma_wait3A_281 = tpu.memref_slice %arg10[%dma_wait3A_279, %dma_wait3A_280] : memref<10240x128xf32, #tpu.memory_space<vmem_shared>> -> memref<10240x128xf32, #tpu.memory_space<vmem_shared>>
          tpu.wait_indirect_dma semaphore(%run_scoped3A_269 : memref<!tpu.dma_semaphore, #tpu.memory_space<semaphore_mem>>) src(%arg8 : memref<128x128xf32, #tpu.memory_space<vmem>>) dst(%dma_wait3A_281 : memref<10240x128xf32, #tpu.memory_space<vmem_shared>>)
          tpu.yield
        }) : () -> ()
        %dma_wait3A_231 = arith.constant 10 : i32
        %dma_wait3A_232 = arith.constant 0 : i32
        %dma_wait3A_233 = tpu.memref_slice %arg7[%dma_wait3A_231, %dma_wait3A_232] : memref<16x128xi32, #tpu.memory_space<vmem>> -> memref<1x128xi32, #tpu.memory_space<vmem>>
        %dma_wait3A_234 = tpu.memref_squeeze %dma_wait3A_233 : memref<1x128xi32, #tpu.memory_space<vmem>> -> memref<128xi32, #tpu.memory_space<vmem>>
        %dma_wait3A_235 = arith.constant 0 : i32
        %dma_wait3A_236 = arith.constant 0 : i32
        %dma_wait3A_237 = tpu.memref_slice %arg2[%dma_wait3A_235, %dma_wait3A_236] : memref<10240x128xf32, #tpu.memory_space<hbm>> -> memref<10240x128xf32, #tpu.memory_space<hbm>>
        tpu.wait_indirect_dma semaphore(%arg12 : memref<!tpu.dma_semaphore, #tpu.memory_space<semaphore_mem>>) src(%dma_wait3A_237 : memref<10240x128xf32, #tpu.memory_space<hbm>>) dst(%arg9 : memref<128x128xf32, #tpu.memory_space<vmem>>)
        %dma_start3A_238 = arith.constant 12 : i32
        %dma_start3A_239 = arith.constant 0 : i32
        %dma_start3A_240 = tpu.memref_slice %arg7[%dma_start3A_238, %dma_start3A_239] : memref<16x128xi32, #tpu.memory_space<vmem>> -> memref<1x128xi32, #tpu.memory_space<vmem>>
        %dma_start3A_241 = tpu.memref_squeeze %dma_start3A_240 : memref<1x128xi32, #tpu.memory_space<vmem>> -> memref<128xi32, #tpu.memory_space<vmem>>
        %dma_start3A_242 = arith.constant 0 : i32
        %dma_start3A_243 = arith.constant 0 : i32
        %dma_start3A_244 = tpu.memref_slice %arg2[%dma_start3A_242, %dma_start3A_243] : memref<10240x128xf32, #tpu.memory_space<hbm>> -> memref<10240x128xf32, #tpu.memory_space<hbm>>
        tpu.enqueue_indirect_dma source(%dma_start3A_244 : memref<10240x128xf32, #tpu.memory_space<hbm>>) target(%arg8 : memref<128x128xf32, #tpu.memory_space<vmem>>) offsets(%dma_start3A_241 : memref<128xi32, #tpu.memory_space<vmem>>) semaphore(%arg11 : memref<!tpu.dma_semaphore, #tpu.memory_space<semaphore_mem>>)
        %run_scoped3A_245 = arith.constant 11 : i32
        "tpu.region"() ({
          %run_scoped3A_269 = tpu.sem_alloc : memref<!tpu.dma_semaphore, #tpu.memory_space<semaphore_mem>>
          %dma_start3A_270 = arith.constant 0 : i32
          %dma_start3A_271 = tpu.memref_slice %arg7[%run_scoped3A_245, %dma_start3A_270] : memref<16x128xi32, #tpu.memory_space<vmem>> -> memref<1x128xi32, #tpu.memory_space<vmem>>
          %dma_start3A_272 = tpu.memref_squeeze %dma_start3A_271 : memref<1x128xi32, #tpu.memory_space<vmem>> -> memref<128xi32, #tpu.memory_space<vmem>>
          %dma_start3A_273 = arith.constant 0 : i32
          %dma_start3A_274 = arith.constant 0 : i32
          %dma_start3A_275 = tpu.memref_slice %arg10[%dma_start3A_273, %dma_start3A_274] : memref<10240x128xf32, #tpu.memory_space<vmem_shared>> -> memref<10240x128xf32, #tpu.memory_space<vmem_shared>>
          tpu.enqueue_indirect_dma source(%arg9 : memref<128x128xf32, #tpu.memory_space<vmem>>) target(%dma_start3A_275 : memref<10240x128xf32, #tpu.memory_space<vmem_shared>>) offsets(%dma_start3A_272 : memref<128xi32, #tpu.memory_space<vmem>>) semaphore(%run_scoped3A_269 : memref<!tpu.dma_semaphore, #tpu.memory_space<semaphore_mem>>) {add = true}
          %dma_wait3A_276 = arith.constant 0 : i32
          %dma_wait3A_277 = tpu.memref_slice %arg7[%run_scoped3A_245, %dma_wait3A_276] : memref<16x128xi32, #tpu.memory_space<vmem>> -> memref<1x128xi32, #tpu.memory_space<vmem>>
          %dma_wait3A_278 = tpu.memref_squeeze %dma_wait3A_277 : memref<1x128xi32, #tpu.memory_space<vmem>> -> memref<128xi32, #tpu.memory_space<vmem>>
          %dma_wait3A_279 = arith.constant 0 : i32
          %dma_wait3A_280 = arith.constant 0 : i32
          %dma_wait3A_281 = tpu.memref_slice %arg10[%dma_wait3A_279, %dma_wait3A_280] : memref<10240x128xf32, #tpu.memory_space<vmem_shared>> -> memref<10240x128xf32, #tpu.memory_space<vmem_shared>>
          tpu.wait_indirect_dma semaphore(%run_scoped3A_269 : memref<!tpu.dma_semaphore, #tpu.memory_space<semaphore_mem>>) src(%arg9 : memref<128x128xf32, #tpu.memory_space<vmem>>) dst(%dma_wait3A_281 : memref<10240x128xf32, #tpu.memory_space<vmem_shared>>)
          tpu.yield
        }) : () -> ()
        %dma_wait3A_246 = arith.constant 12 : i32
        %dma_wait3A_247 = arith.constant 0 : i32
        %dma_wait3A_248 = tpu.memref_slice %arg7[%dma_wait3A_246, %dma_wait3A_247] : memref<16x128xi32, #tpu.memory_space<vmem>> -> memref<1x128xi32, #tpu.memory_space<vmem>>
        %dma_wait3A_249 = tpu.memref_squeeze %dma_wait3A_248 : memref<1x128xi32, #tpu.memory_space<vmem>> -> memref<128xi32, #tpu.memory_space<vmem>>
        %dma_wait3A_250 = arith.constant 0 : i32
        %dma_wait3A_251 = arith.constant 0 : i32
        %dma_wait3A_252 = tpu.memref_slice %arg2[%dma_wait3A_250, %dma_wait3A_251] : memref<10240x128xf32, #tpu.memory_space<hbm>> -> memref<10240x128xf32, #tpu.memory_space<hbm>>
        tpu.wait_indirect_dma semaphore(%arg11 : memref<!tpu.dma_semaphore, #tpu.memory_space<semaphore_mem>>) src(%dma_wait3A_252 : memref<10240x128xf32, #tpu.memory_space<hbm>>) dst(%arg8 : memref<128x128xf32, #tpu.memory_space<vmem>>)
        %dma_start3A_253 = arith.constant 14 : i32
        %dma_start3A_254 = arith.constant 0 : i32
        %dma_start3A_255 = tpu.memref_slice %arg7[%dma_start3A_253, %dma_start3A_254] : memref<16x128xi32, #tpu.memory_space<vmem>> -> memref<1x128xi32, #tpu.memory_space<vmem>>
        %dma_start3A_256 = tpu.memref_squeeze %dma_start3A_255 : memref<1x128xi32, #tpu.memory_space<vmem>> -> memref<128xi32, #tpu.memory_space<vmem>>
        %dma_start3A_257 = arith.constant 0 : i32
        %dma_start3A_258 = arith.constant 0 : i32
        %dma_start3A_259 = tpu.memref_slice %arg2[%dma_start3A_257, %dma_start3A_258] : memref<10240x128xf32, #tpu.memory_space<hbm>> -> memref<10240x128xf32, #tpu.memory_space<hbm>>
        tpu.enqueue_indirect_dma source(%dma_start3A_259 : memref<10240x128xf32, #tpu.memory_space<hbm>>) target(%arg9 : memref<128x128xf32, #tpu.memory_space<vmem>>) offsets(%dma_start3A_256 : memref<128xi32, #tpu.memory_space<vmem>>) semaphore(%arg12 : memref<!tpu.dma_semaphore, #tpu.memory_space<semaphore_mem>>)
        %run_scoped3A_260 = arith.constant 13 : i32
        "tpu.region"() ({
          %run_scoped3A_269 = tpu.sem_alloc : memref<!tpu.dma_semaphore, #tpu.memory_space<semaphore_mem>>
          %dma_start3A_270 = arith.constant 0 : i32
          %dma_start3A_271 = tpu.memref_slice %arg7[%run_scoped3A_260, %dma_start3A_270] : memref<16x128xi32, #tpu.memory_space<vmem>> -> memref<1x128xi32, #tpu.memory_space<vmem>>
          %dma_start3A_272 = tpu.memref_squeeze %dma_start3A_271 : memref<1x128xi32, #tpu.memory_space<vmem>> -> memref<128xi32, #tpu.memory_space<vmem>>
          %dma_start3A_273 = arith.constant 0 : i32
          %dma_start3A_274 = arith.constant 0 : i32
          %dma_start3A_275 = tpu.memref_slice %arg10[%dma_start3A_273, %dma_start3A_274] : memref<10240x128xf32, #tpu.memory_space<vmem_shared>> -> memref<10240x128xf32, #tpu.memory_space<vmem_shared>>
          tpu.enqueue_indirect_dma source(%arg8 : memref<128x128xf32, #tpu.memory_space<vmem>>) target(%dma_start3A_275 : memref<10240x128xf32, #tpu.memory_space<vmem_shared>>) offsets(%dma_start3A_272 : memref<128xi32, #tpu.memory_space<vmem>>) semaphore(%run_scoped3A_269 : memref<!tpu.dma_semaphore, #tpu.memory_space<semaphore_mem>>) {add = true}
          %dma_wait3A_276 = arith.constant 0 : i32
          %dma_wait3A_277 = tpu.memref_slice %arg7[%run_scoped3A_260, %dma_wait3A_276] : memref<16x128xi32, #tpu.memory_space<vmem>> -> memref<1x128xi32, #tpu.memory_space<vmem>>
          %dma_wait3A_278 = tpu.memref_squeeze %dma_wait3A_277 : memref<1x128xi32, #tpu.memory_space<vmem>> -> memref<128xi32, #tpu.memory_space<vmem>>
          %dma_wait3A_279 = arith.constant 0 : i32
          %dma_wait3A_280 = arith.constant 0 : i32
          %dma_wait3A_281 = tpu.memref_slice %arg10[%dma_wait3A_279, %dma_wait3A_280] : memref<10240x128xf32, #tpu.memory_space<vmem_shared>> -> memref<10240x128xf32, #tpu.memory_space<vmem_shared>>
          tpu.wait_indirect_dma semaphore(%run_scoped3A_269 : memref<!tpu.dma_semaphore, #tpu.memory_space<semaphore_mem>>) src(%arg8 : memref<128x128xf32, #tpu.memory_space<vmem>>) dst(%dma_wait3A_281 : memref<10240x128xf32, #tpu.memory_space<vmem_shared>>)
          tpu.yield
        }) : () -> ()
        %dma_wait3A_261 = arith.constant 14 : i32
        %dma_wait3A_262 = arith.constant 0 : i32
        %dma_wait3A_263 = tpu.memref_slice %arg7[%dma_wait3A_261, %dma_wait3A_262] : memref<16x128xi32, #tpu.memory_space<vmem>> -> memref<1x128xi32, #tpu.memory_space<vmem>>
        %dma_wait3A_264 = tpu.memref_squeeze %dma_wait3A_263 : memref<1x128xi32, #tpu.memory_space<vmem>> -> memref<128xi32, #tpu.memory_space<vmem>>
        %dma_wait3A_265 = arith.constant 0 : i32
        %dma_wait3A_266 = arith.constant 0 : i32
        %dma_wait3A_267 = tpu.memref_slice %arg2[%dma_wait3A_265, %dma_wait3A_266] : memref<10240x128xf32, #tpu.memory_space<hbm>> -> memref<10240x128xf32, #tpu.memory_space<hbm>>
        tpu.wait_indirect_dma semaphore(%arg12 : memref<!tpu.dma_semaphore, #tpu.memory_space<semaphore_mem>>) src(%dma_wait3A_267 : memref<10240x128xf32, #tpu.memory_space<hbm>>) dst(%arg9 : memref<128x128xf32, #tpu.memory_space<vmem>>)
        %run_scoped3A_268 = arith.constant 15 : i32
        "tpu.region"() ({
          %run_scoped3A_269 = tpu.sem_alloc : memref<!tpu.dma_semaphore, #tpu.memory_space<semaphore_mem>>
          %dma_start3A_270 = arith.constant 0 : i32
          %dma_start3A_271 = tpu.memref_slice %arg7[%run_scoped3A_268, %dma_start3A_270] : memref<16x128xi32, #tpu.memory_space<vmem>> -> memref<1x128xi32, #tpu.memory_space<vmem>>
          %dma_start3A_272 = tpu.memref_squeeze %dma_start3A_271 : memref<1x128xi32, #tpu.memory_space<vmem>> -> memref<128xi32, #tpu.memory_space<vmem>>
          %dma_start3A_273 = arith.constant 0 : i32
          %dma_start3A_274 = arith.constant 0 : i32
          %dma_start3A_275 = tpu.memref_slice %arg10[%dma_start3A_273, %dma_start3A_274] : memref<10240x128xf32, #tpu.memory_space<vmem_shared>> -> memref<10240x128xf32, #tpu.memory_space<vmem_shared>>
          tpu.enqueue_indirect_dma source(%arg9 : memref<128x128xf32, #tpu.memory_space<vmem>>) target(%dma_start3A_275 : memref<10240x128xf32, #tpu.memory_space<vmem_shared>>) offsets(%dma_start3A_272 : memref<128xi32, #tpu.memory_space<vmem>>) semaphore(%run_scoped3A_269 : memref<!tpu.dma_semaphore, #tpu.memory_space<semaphore_mem>>) {add = true}
          %dma_wait3A_276 = arith.constant 0 : i32
          %dma_wait3A_277 = tpu.memref_slice %arg7[%run_scoped3A_268, %dma_wait3A_276] : memref<16x128xi32, #tpu.memory_space<vmem>> -> memref<1x128xi32, #tpu.memory_space<vmem>>
          %dma_wait3A_278 = tpu.memref_squeeze %dma_wait3A_277 : memref<1x128xi32, #tpu.memory_space<vmem>> -> memref<128xi32, #tpu.memory_space<vmem>>
          %dma_wait3A_279 = arith.constant 0 : i32
          %dma_wait3A_280 = arith.constant 0 : i32
          %dma_wait3A_281 = tpu.memref_slice %arg10[%dma_wait3A_279, %dma_wait3A_280] : memref<10240x128xf32, #tpu.memory_space<vmem_shared>> -> memref<10240x128xf32, #tpu.memory_space<vmem_shared>>
          tpu.wait_indirect_dma semaphore(%run_scoped3A_269 : memref<!tpu.dma_semaphore, #tpu.memory_space<semaphore_mem>>) src(%arg9 : memref<128x128xf32, #tpu.memory_space<vmem>>) dst(%dma_wait3A_281 : memref<10240x128xf32, #tpu.memory_space<vmem_shared>>)
          tpu.yield
        }) : () -> ()
      } else {
      }
    }
    %scan3A_123 = arith.constant 18 : i32
    %barrier3A_124 = arith.constant 0 : index
    tpu.barrier barrier_id(%barrier3A_124)
    %mul3A_125 = arith.constant 640 : i32
    %mul3A_126 = arith.muli %arg1, %mul3A_125 : i32
    %add3A_127 = arith.constant 0 : i32
    %add3A_128 = arith.addi %mul3A_126, %add3A_127 : i32
    "tpu.region"() ({
      %run_scoped3A = tpu.sem_alloc : memref<!tpu.dma_semaphore, #tpu.memory_space<semaphore_mem>>
      %dma_start3A = arith.constant 0 : i32
      %dma_start3A_145 = tpu.memref_slice %arg5[%arg0, %add3A_128, %dma_start3A] : memref<2x10240x128xf32, #tpu.memory_space<hbm>> -> memref<1x128x128xf32, #tpu.memory_space<hbm>>
      %dma_start3A_146 = tpu.memref_squeeze %dma_start3A_145 : memref<1x128x128xf32, #tpu.memory_space<hbm>> -> memref<128x128xf32, #tpu.memory_space<hbm>>
      %dma_start3A_147 = arith.constant 0 : i32
      %dma_start3A_148 = tpu.memref_slice %arg10[%add3A_128, %dma_start3A_147] : memref<10240x128xf32, #tpu.memory_space<vmem_shared>> -> memref<128x128xf32, #tpu.memory_space<vmem_shared>>
      tpu.enqueue_dma source(%dma_start3A_148 : memref<128x128xf32, #tpu.memory_space<vmem_shared>>) target(%dma_start3A_146 : memref<128x128xf32, #tpu.memory_space<hbm>>) target_semaphore(%run_scoped3A : memref<!tpu.dma_semaphore, #tpu.memory_space<semaphore_mem>>)
      %dma_wait3A = arith.constant 0 : i32
      %dma_wait3A_149 = tpu.memref_slice %arg5[%arg0, %add3A_128, %dma_wait3A] : memref<2x10240x128xf32, #tpu.memory_space<hbm>> -> memref<1x128x128xf32, #tpu.memory_space<hbm>>
      %dma_wait3A_150 = tpu.memref_squeeze %dma_wait3A_149 : memref<1x128x128xf32, #tpu.memory_space<hbm>> -> memref<128x128xf32, #tpu.memory_space<hbm>>
      %dma_wait3A_151 = arith.constant 0 : i32
      %dma_wait3A_152 = tpu.memref_slice %arg10[%add3A_128, %dma_wait3A_151] : memref<10240x128xf32, #tpu.memory_space<vmem_shared>> -> memref<128x128xf32, #tpu.memory_space<vmem_shared>>
      tpu.wait_dma2 semaphore(%run_scoped3A : memref<!tpu.dma_semaphore, #tpu.memory_space<semaphore_mem>>) src(%dma_wait3A_152 : memref<128x128xf32, #tpu.memory_space<vmem_shared>>) dst(%dma_wait3A_150 : memref<128x128xf32, #tpu.memory_space<hbm>>)
      tpu.yield
    }) : () -> ()
    %mul3A_129 = arith.constant 640 : i32
    %mul3A_130 = arith.muli %arg1, %mul3A_129 : i32
    %add3A_131 = arith.constant 128 : i32
    %add3A_132 = arith.addi %mul3A_130, %add3A_131 : i32
    "tpu.region"() ({
      %run_scoped3A = tpu.sem_alloc : memref<!tpu.dma_semaphore, #tpu.memory_space<semaphore_mem>>
      %dma_start3A = arith.constant 0 : i32
      %dma_start3A_145 = tpu.memref_slice %arg5[%arg0, %add3A_132, %dma_start3A] : memref<2x10240x128xf32, #tpu.memory_space<hbm>> -> memref<1x128x128xf32, #tpu.memory_space<hbm>>
      %dma_start3A_146 = tpu.memref_squeeze %dma_start3A_145 : memref<1x128x128xf32, #tpu.memory_space<hbm>> -> memref<128x128xf32, #tpu.memory_space<hbm>>
      %dma_start3A_147 = arith.constant 0 : i32
      %dma_start3A_148 = tpu.memref_slice %arg10[%add3A_132, %dma_start3A_147] : memref<10240x128xf32, #tpu.memory_space<vmem_shared>> -> memref<128x128xf32, #tpu.memory_space<vmem_shared>>
      tpu.enqueue_dma source(%dma_start3A_148 : memref<128x128xf32, #tpu.memory_space<vmem_shared>>) target(%dma_start3A_146 : memref<128x128xf32, #tpu.memory_space<hbm>>) target_semaphore(%run_scoped3A : memref<!tpu.dma_semaphore, #tpu.memory_space<semaphore_mem>>)
      %dma_wait3A = arith.constant 0 : i32
      %dma_wait3A_149 = tpu.memref_slice %arg5[%arg0, %add3A_132, %dma_wait3A] : memref<2x10240x128xf32, #tpu.memory_space<hbm>> -> memref<1x128x128xf32, #tpu.memory_space<hbm>>
      %dma_wait3A_150 = tpu.memref_squeeze %dma_wait3A_149 : memref<1x128x128xf32, #tpu.memory_space<hbm>> -> memref<128x128xf32, #tpu.memory_space<hbm>>
      %dma_wait3A_151 = arith.constant 0 : i32
      %dma_wait3A_152 = tpu.memref_slice %arg10[%add3A_132, %dma_wait3A_151] : memref<10240x128xf32, #tpu.memory_space<vmem_shared>> -> memref<128x128xf32, #tpu.memory_space<vmem_shared>>
      tpu.wait_dma2 semaphore(%run_scoped3A : memref<!tpu.dma_semaphore, #tpu.memory_space<semaphore_mem>>) src(%dma_wait3A_152 : memref<128x128xf32, #tpu.memory_space<vmem_shared>>) dst(%dma_wait3A_150 : memref<128x128xf32, #tpu.memory_space<hbm>>)
      tpu.yield
    }) : () -> ()
    %mul3A_133 = arith.constant 640 : i32
    %mul3A_134 = arith.muli %arg1, %mul3A_133 : i32
    %add3A_135 = arith.constant 256 : i32
    %add3A_136 = arith.addi %mul3A_134, %add3A_135 : i32
    "tpu.region"() ({
      %run_scoped3A = tpu.sem_alloc : memref<!tpu.dma_semaphore, #tpu.memory_space<semaphore_mem>>
      %dma_start3A = arith.constant 0 : i32
      %dma_start3A_145 = tpu.memref_slice %arg5[%arg0, %add3A_136, %dma_start3A] : memref<2x10240x128xf32, #tpu.memory_space<hbm>> -> memref<1x128x128xf32, #tpu.memory_space<hbm>>
      %dma_start3A_146 = tpu.memref_squeeze %dma_start3A_145 : memref<1x128x128xf32, #tpu.memory_space<hbm>> -> memref<128x128xf32, #tpu.memory_space<hbm>>
      %dma_start3A_147 = arith.constant 0 : i32
      %dma_start3A_148 = tpu.memref_slice %arg10[%add3A_136, %dma_start3A_147] : memref<10240x128xf32, #tpu.memory_space<vmem_shared>> -> memref<128x128xf32, #tpu.memory_space<vmem_shared>>
      tpu.enqueue_dma source(%dma_start3A_148 : memref<128x128xf32, #tpu.memory_space<vmem_shared>>) target(%dma_start3A_146 : memref<128x128xf32, #tpu.memory_space<hbm>>) target_semaphore(%run_scoped3A : memref<!tpu.dma_semaphore, #tpu.memory_space<semaphore_mem>>)
      %dma_wait3A = arith.constant 0 : i32
      %dma_wait3A_149 = tpu.memref_slice %arg5[%arg0, %add3A_136, %dma_wait3A] : memref<2x10240x128xf32, #tpu.memory_space<hbm>> -> memref<1x128x128xf32, #tpu.memory_space<hbm>>
      %dma_wait3A_150 = tpu.memref_squeeze %dma_wait3A_149 : memref<1x128x128xf32, #tpu.memory_space<hbm>> -> memref<128x128xf32, #tpu.memory_space<hbm>>
      %dma_wait3A_151 = arith.constant 0 : i32
      %dma_wait3A_152 = tpu.memref_slice %arg10[%add3A_136, %dma_wait3A_151] : memref<10240x128xf32, #tpu.memory_space<vmem_shared>> -> memref<128x128xf32, #tpu.memory_space<vmem_shared>>
      tpu.wait_dma2 semaphore(%run_scoped3A : memref<!tpu.dma_semaphore, #tpu.memory_space<semaphore_mem>>) src(%dma_wait3A_152 : memref<128x128xf32, #tpu.memory_space<vmem_shared>>) dst(%dma_wait3A_150 : memref<128x128xf32, #tpu.memory_space<hbm>>)
      tpu.yield
    }) : () -> ()
    %mul3A_137 = arith.constant 640 : i32
    %mul3A_138 = arith.muli %arg1, %mul3A_137 : i32
    %add3A_139 = arith.constant 384 : i32
    %add3A_140 = arith.addi %mul3A_138, %add3A_139 : i32
    "tpu.region"() ({
      %run_scoped3A = tpu.sem_alloc : memref<!tpu.dma_semaphore, #tpu.memory_space<semaphore_mem>>
      %dma_start3A = arith.constant 0 : i32
      %dma_start3A_145 = tpu.memref_slice %arg5[%arg0, %add3A_140, %dma_start3A] : memref<2x10240x128xf32, #tpu.memory_space<hbm>> -> memref<1x128x128xf32, #tpu.memory_space<hbm>>
      %dma_start3A_146 = tpu.memref_squeeze %dma_start3A_145 : memref<1x128x128xf32, #tpu.memory_space<hbm>> -> memref<128x128xf32, #tpu.memory_space<hbm>>
      %dma_start3A_147 = arith.constant 0 : i32
      %dma_start3A_148 = tpu.memref_slice %arg10[%add3A_140, %dma_start3A_147] : memref<10240x128xf32, #tpu.memory_space<vmem_shared>> -> memref<128x128xf32, #tpu.memory_space<vmem_shared>>
      tpu.enqueue_dma source(%dma_start3A_148 : memref<128x128xf32, #tpu.memory_space<vmem_shared>>) target(%dma_start3A_146 : memref<128x128xf32, #tpu.memory_space<hbm>>) target_semaphore(%run_scoped3A : memref<!tpu.dma_semaphore, #tpu.memory_space<semaphore_mem>>)
      %dma_wait3A = arith.constant 0 : i32
      %dma_wait3A_149 = tpu.memref_slice %arg5[%arg0, %add3A_140, %dma_wait3A] : memref<2x10240x128xf32, #tpu.memory_space<hbm>> -> memref<1x128x128xf32, #tpu.memory_space<hbm>>
      %dma_wait3A_150 = tpu.memref_squeeze %dma_wait3A_149 : memref<1x128x128xf32, #tpu.memory_space<hbm>> -> memref<128x128xf32, #tpu.memory_space<hbm>>
      %dma_wait3A_151 = arith.constant 0 : i32
      %dma_wait3A_152 = tpu.memref_slice %arg10[%add3A_140, %dma_wait3A_151] : memref<10240x128xf32, #tpu.memory_space<vmem_shared>> -> memref<128x128xf32, #tpu.memory_space<vmem_shared>>
      tpu.wait_dma2 semaphore(%run_scoped3A : memref<!tpu.dma_semaphore, #tpu.memory_space<semaphore_mem>>) src(%dma_wait3A_152 : memref<128x128xf32, #tpu.memory_space<vmem_shared>>) dst(%dma_wait3A_150 : memref<128x128xf32, #tpu.memory_space<hbm>>)
      tpu.yield
    }) : () -> ()
    %mul3A_141 = arith.constant 640 : i32
    %mul3A_142 = arith.muli %arg1, %mul3A_141 : i32
    %add3A_143 = arith.constant 512 : i32
    %add3A_144 = arith.addi %mul3A_142, %add3A_143 : i32
    "tpu.region"() ({
      %run_scoped3A = tpu.sem_alloc : memref<!tpu.dma_semaphore, #tpu.memory_space<semaphore_mem>>
      %dma_start3A = arith.constant 0 : i32
      %dma_start3A_145 = tpu.memref_slice %arg5[%arg0, %add3A_144, %dma_start3A] : memref<2x10240x128xf32, #tpu.memory_space<hbm>> -> memref<1x128x128xf32, #tpu.memory_space<hbm>>
      %dma_start3A_146 = tpu.memref_squeeze %dma_start3A_145 : memref<1x128x128xf32, #tpu.memory_space<hbm>> -> memref<128x128xf32, #tpu.memory_space<hbm>>
      %dma_start3A_147 = arith.constant 0 : i32
      %dma_start3A_148 = tpu.memref_slice %arg10[%add3A_144, %dma_start3A_147] : memref<10240x128xf32, #tpu.memory_space<vmem_shared>> -> memref<128x128xf32, #tpu.memory_space<vmem_shared>>
      tpu.enqueue_dma source(%dma_start3A_148 : memref<128x128xf32, #tpu.memory_space<vmem_shared>>) target(%dma_start3A_146 : memref<128x128xf32, #tpu.memory_space<hbm>>) target_semaphore(%run_scoped3A : memref<!tpu.dma_semaphore, #tpu.memory_space<semaphore_mem>>)
      %dma_wait3A = arith.constant 0 : i32
      %dma_wait3A_149 = tpu.memref_slice %arg5[%arg0, %add3A_144, %dma_wait3A] : memref<2x10240x128xf32, #tpu.memory_space<hbm>> -> memref<1x128x128xf32, #tpu.memory_space<hbm>>
      %dma_wait3A_150 = tpu.memref_squeeze %dma_wait3A_149 : memref<1x128x128xf32, #tpu.memory_space<hbm>> -> memref<128x128xf32, #tpu.memory_space<hbm>>
      %dma_wait3A_151 = arith.constant 0 : i32
      %dma_wait3A_152 = tpu.memref_slice %arg10[%add3A_144, %dma_wait3A_151] : memref<10240x128xf32, #tpu.memory_space<vmem_shared>> -> memref<128x128xf32, #tpu.memory_space<vmem_shared>>
      tpu.wait_dma2 semaphore(%run_scoped3A : memref<!tpu.dma_semaphore, #tpu.memory_space<semaphore_mem>>) src(%dma_wait3A_152 : memref<128x128xf32, #tpu.memory_space<vmem_shared>>) dst(%dma_wait3A_150 : memref<128x128xf32, #tpu.memory_space<hbm>>)
      tpu.yield
    }) : () -> ()
    return
  }
}

module attributes {stable_mosaic.version = 14 : i64} {
  func.func @_tc1_body(%arg0: i32, %arg1: memref<512x128xf32, #tpu.memory_space<vmem>>, %arg2: memref<128x128xf32, #tpu.memory_space<vmem>>, %arg3: memref<128x128xf32, #tpu.memory_space<vmem>>, %arg4: memref<1x128xf32, #tpu.memory_space<vmem>>, %arg5: memref<512x128xf32, #tpu.memory_space<vmem>>, %arg6: memref<512x128xf32, #tpu.memory_space<vmem>>) attributes {dimension_semantics = [#tpu.dimension_semantics<arbitrary>], iteration_bounds = array<i64: 20>, scalar_prefetch = 0 : i64, scratch_operands = 0 : i64, tpu.core_type = #tpu.core_type<tc>, window_params = [{transform_indices = @transform_0, window_bounds = array<i64: 512, 128>}, {pipeline_mode = #tpu.pipeline_mode<synchronous>, transform_indices = @transform_1, window_bounds = array<i64: 128, 128>}, {pipeline_mode = #tpu.pipeline_mode<synchronous>, transform_indices = @transform_2, window_bounds = array<i64: 128, 128>}, {pipeline_mode = #tpu.pipeline_mode<synchronous>, transform_indices = @transform_3, window_bounds = array<i64: 1, 128>}, {transform_indices = @transform_4, window_bounds = array<i64: 512, 128>}, {transform_indices = @transform_5, window_bounds = array<i64: 512, 128>}]} {
    %get3A = arith.constant 0 : index
    %get3A_0 = arith.constant 0 : index
    %get3A_1 = vector.load %arg1[%get3A, %get3A_0] : memref<512x128xf32, #tpu.memory_space<vmem>>, vector<512x128xf32>
    %get3A_2 = arith.constant 0 : index
    %get3A_3 = arith.constant 0 : index
    %get3A_4 = vector.load %arg2[%get3A_2, %get3A_3] : memref<128x128xf32, #tpu.memory_space<vmem>>, vector<128x128xf32>
    %dot_general3A = arith.constant dense<0.000000e+00> : vector<512x128xf32>
    %dot_general3A_5 = tpu.matmul %get3A_1, %get3A_4, %dot_general3A {dimension_numbers = #tpu.dot_dimension_numbers<[1], [0], [0], [1], [0, 0, 1, 1], [], []>, transpose_lhs_hint = false} : vector<512x128xf32>, vector<128x128xf32>, vector<512x128xf32> -> vector<512x128xf32>
    %swap3A = arith.constant 0 : index
    %swap3A_6 = arith.constant 0 : index
    %swap3A_7 = vector.load %arg5[%swap3A, %swap3A_6] : memref<512x128xf32, #tpu.memory_space<vmem>>, vector<512x128xf32>
    tpu.vector_store %arg5[%swap3A, %swap3A_6], %dot_general3A_5 {strides = array<i32>} : memref<512x128xf32, #tpu.memory_space<vmem>>, vector<512x128xf32>,
    %get3A_8 = arith.constant 0 : index
    %get3A_9 = arith.constant 0 : index
    %get3A_10 = vector.load %arg3[%get3A_8, %get3A_9] : memref<128x128xf32, #tpu.memory_space<vmem>>, vector<128x128xf32>
    %dot_general3A_11 = arith.constant dense<0.000000e+00> : vector<512x128xf32>
    %dot_general3A_12 = tpu.matmul %get3A_1, %get3A_10, %dot_general3A_11 {dimension_numbers = #tpu.dot_dimension_numbers<[1], [0], [0], [1], [0, 0, 1, 1], [], []>, transpose_lhs_hint = false} : vector<512x128xf32>, vector<128x128xf32>, vector<512x128xf32> -> vector<512x128xf32>
    %get3A_13 = arith.constant 0 : index
    %get3A_14 = arith.constant 0 : index
    %get3A_15 = vector.load %arg4[%get3A_13, %get3A_14] : memref<1x128xf32, #tpu.memory_space<vmem>>, vector<1x128xf32>
    %add3A = vector.broadcast %get3A_15 : vector<1x128xf32> to vector<512x128xf32>
    %add3A_16 = arith.addf %dot_general3A_12, %add3A : vector<512x128xf32>
    %swap3A_17 = arith.constant 0 : index
    %swap3A_18 = arith.constant 0 : index
    %swap3A_19 = vector.load %arg6[%swap3A_17, %swap3A_18] : memref<512x128xf32, #tpu.memory_space<vmem>>, vector<512x128xf32>
    tpu.vector_store %arg6[%swap3A_17, %swap3A_18], %add3A_16 {strides = array<i32>} : memref<512x128xf32, #tpu.memory_space<vmem>>, vector<512x128xf32>,
    return
  }
  func.func @transform_0(%arg0: i32) -> (i32, i32) {
    %c0_i32 = arith.constant 0 : i32
    %c0_i32_0 = arith.constant 0 : i32
    return %arg0, %c0_i32 : i32, i32
  }
  func.func @transform_1(%arg0: i32) -> (i32, i32) {
    %c0_i32 = arith.constant 0 : i32
    %c0_i32_0 = arith.constant 0 : i32
    %c0_i32_1 = arith.constant 0 : i32
    return %c0_i32, %c0_i32_0 : i32, i32
  }
  func.func @transform_2(%arg0: i32) -> (i32, i32) {
    %c0_i32 = arith.constant 0 : i32
    %c0_i32_0 = arith.constant 0 : i32
    %c0_i32_1 = arith.constant 0 : i32
    return %c0_i32, %c0_i32_0 : i32, i32
  }
  func.func @transform_3(%arg0: i32) -> (i32, i32) {
    %c0_i32 = arith.constant 0 : i32
    %c0_i32_0 = arith.constant 0 : i32
    %c0_i32_1 = arith.constant 0 : i32
    return %c0_i32, %c0_i32_0 : i32, i32
  }
  func.func @transform_4(%arg0: i32) -> (i32, i32) {
    %c0_i32 = arith.constant 0 : i32
    %c0_i32_0 = arith.constant 0 : i32
    return %arg0, %c0_i32 : i32, i32
  }
  func.func @transform_5(%arg0: i32) -> (i32, i32) {
    %c0_i32 = arith.constant 0 : i32
    %c0_i32_0 = arith.constant 0 : i32
    return %arg0, %c0_i32 : i32, i32
  }
}

module attributes {stable_mosaic.version = 14 : i64} {
  func.func @_tc2_body(%arg0: i32, %arg1: memref<512x128xf32, #tpu.memory_space<vmem>>, %arg2: memref<512x128xf32, #tpu.memory_space<vmem>>, %arg3: memref<512x128xf32, #tpu.memory_space<vmem>>, %arg4: memref<512x128xf32, #tpu.memory_space<vmem>>, %arg5: memref<512x128xf32, #tpu.memory_space<vmem>>, %arg6: memref<512x1xf32, #tpu.memory_space<vmem>>, %arg7: memref<128x128xf32, #tpu.memory_space<vmem>>, %arg8: memref<128x128xf32, #tpu.memory_space<vmem>>, %arg9: memref<1x128xf32, #tpu.memory_space<vmem>>, %arg10: memref<512x128xf32, #tpu.memory_space<vmem>>, %arg11: memref<512x128xf32, #tpu.memory_space<vmem>>) attributes {dimension_semantics = [#tpu.dimension_semantics<arbitrary>], iteration_bounds = array<i64: 20>, scalar_prefetch = 0 : i64, scratch_operands = 0 : i64, tpu.core_type = #tpu.core_type<tc>, window_params = [{transform_indices = @transform_0, window_bounds = array<i64: 512, 128>}, {transform_indices = @transform_1, window_bounds = array<i64: 512, 128>}, {transform_indices = @transform_2, window_bounds = array<i64: 512, 128>}, {transform_indices = @transform_3, window_bounds = array<i64: 512, 128>}, {transform_indices = @transform_4, window_bounds = array<i64: 512, 128>}, {transform_indices = @transform_5, window_bounds = array<i64: 512, 1>}, {pipeline_mode = #tpu.pipeline_mode<synchronous>, transform_indices = @transform_6, window_bounds = array<i64: 128, 128>}, {pipeline_mode = #tpu.pipeline_mode<synchronous>, transform_indices = @transform_7, window_bounds = array<i64: 128, 128>}, {pipeline_mode = #tpu.pipeline_mode<synchronous>, transform_indices = @transform_8, window_bounds = array<i64: 1, 128>}, {transform_indices = @transform_9, window_bounds = array<i64: 512, 128>}, {transform_indices = @transform_10, window_bounds = array<i64: 512, 128>}]} {
    %get3A = arith.constant 0 : index
    %get3A_0 = arith.constant 0 : index
    %get3A_1 = vector.load %arg3[%get3A, %get3A_0] : memref<512x128xf32, #tpu.memory_space<vmem>>, vector<512x128xf32>
    %slice3A = vector.extract_strided_slice %get3A_1 {offsets = [0, 0], sizes = [512, 1], strides = [1, 1]} : vector<512x128xf32> to vector<512x1xf32>
    %get3A_2 = arith.constant 0 : index
    %get3A_3 = arith.constant 0 : index
    %get3A_4 = vector.load %arg4[%get3A_2, %get3A_3] : memref<512x128xf32, #tpu.memory_space<vmem>>, vector<512x128xf32>
    %slice3A_5 = vector.extract_strided_slice %get3A_4 {offsets = [0, 0], sizes = [512, 1], strides = [1, 1]} : vector<512x128xf32> to vector<512x1xf32>
    %add3A = arith.addf %slice3A, %slice3A_5 : vector<512x1xf32>
    %max3A = arith.constant 1.000000e+00 : f32
    %max3A_6 = vector.broadcast %max3A : f32 to vector<512x1xf32>
    %max3A_7 = arith.maximumf %add3A, %max3A_6 : vector<512x1xf32>
    %div3A = arith.constant 1.000000e+00 : f32
    %div3A_8 = vector.broadcast %div3A : f32 to vector<512x1xf32>
    %div3A_9 = arith.divf %div3A_8, %max3A_7 : vector<512x1xf32>
    %get3A_10 = arith.constant 0 : index
    %get3A_11 = arith.constant 0 : index
    %get3A_12 = vector.load %arg1[%get3A_10, %get3A_11] : memref<512x128xf32, #tpu.memory_space<vmem>>, vector<512x128xf32>
    %get3A_13 = arith.constant 0 : index
    %get3A_14 = arith.constant 0 : index
    %get3A_15 = vector.load %arg2[%get3A_13, %get3A_14] : memref<512x128xf32, #tpu.memory_space<vmem>>, vector<512x128xf32>
    %add3A_16 = arith.addf %get3A_12, %get3A_15 : vector<512x128xf32>
    %mul3A = vector.broadcast %div3A_9 : vector<512x1xf32> to vector<512x128xf32>
    %mul3A_17 = arith.mulf %add3A_16, %mul3A : vector<512x128xf32>
    %get3A_18 = arith.constant 0 : index
    %get3A_19 = arith.constant 0 : index
    %get3A_20 = vector.load %arg5[%get3A_18, %get3A_19] : memref<512x128xf32, #tpu.memory_space<vmem>>, vector<512x128xf32>
    %add3A_21 = arith.addf %mul3A_17, %get3A_20 : vector<512x128xf32>
    %max3A_22 = arith.constant 0.000000e+00 : f32
    %max3A_23 = vector.broadcast %max3A_22 : f32 to vector<512x128xf32>
    %max3A_24 = arith.maximumf %add3A_21, %max3A_23 : vector<512x128xf32>
    %get3A_25 = arith.constant 0 : index
    %get3A_26 = arith.constant 0 : index
    %get3A_27 = vector.load %arg6[%get3A_25, %get3A_26] : memref<512x1xf32, #tpu.memory_space<vmem>>, vector<512x1xf32>
    %mul3A_28 = vector.broadcast %get3A_27 : vector<512x1xf32> to vector<512x128xf32>
    %mul3A_29 = arith.mulf %max3A_24, %mul3A_28 : vector<512x128xf32>
    %get3A_30 = arith.constant 0 : index
    %get3A_31 = arith.constant 0 : index
    %get3A_32 = vector.load %arg7[%get3A_30, %get3A_31] : memref<128x128xf32, #tpu.memory_space<vmem>>, vector<128x128xf32>
    %dot_general3A = arith.constant dense<0.000000e+00> : vector<512x128xf32>
    %dot_general3A_33 = tpu.matmul %mul3A_29, %get3A_32, %dot_general3A {dimension_numbers = #tpu.dot_dimension_numbers<[1], [0], [0], [1], [0, 0, 1, 1], [], []>, transpose_lhs_hint = false} : vector<512x128xf32>, vector<128x128xf32>, vector<512x128xf32> -> vector<512x128xf32>
    %swap3A = arith.constant 0 : index
    %swap3A_34 = arith.constant 0 : index
    %swap3A_35 = vector.load %arg10[%swap3A, %swap3A_34] : memref<512x128xf32, #tpu.memory_space<vmem>>, vector<512x128xf32>
    tpu.vector_store %arg10[%swap3A, %swap3A_34], %dot_general3A_33 {strides = array<i32>} : memref<512x128xf32, #tpu.memory_space<vmem>>, vector<512x128xf32>,
    %get3A_36 = arith.constant 0 : index
    %get3A_37 = arith.constant 0 : index
    %get3A_38 = vector.load %arg8[%get3A_36, %get3A_37] : memref<128x128xf32, #tpu.memory_space<vmem>>, vector<128x128xf32>
    %dot_general3A_39 = arith.constant dense<0.000000e+00> : vector<512x128xf32>
    %dot_general3A_40 = tpu.matmul %mul3A_29, %get3A_38, %dot_general3A_39 {dimension_numbers = #tpu.dot_dimension_numbers<[1], [0], [0], [1], [0, 0, 1, 1], [], []>, transpose_lhs_hint = false} : vector<512x128xf32>, vector<128x128xf32>, vector<512x128xf32> -> vector<512x128xf32>
    %get3A_41 = arith.constant 0 : index
    %get3A_42 = arith.constant 0 : index
    %get3A_43 = vector.load %arg9[%get3A_41, %get3A_42] : memref<1x128xf32, #tpu.memory_space<vmem>>, vector<1x128xf32>
    %add3A_44 = vector.broadcast %get3A_43 : vector<1x128xf32> to vector<512x128xf32>
    %add3A_45 = arith.addf %dot_general3A_40, %add3A_44 : vector<512x128xf32>
    %swap3A_46 = arith.constant 0 : index
    %swap3A_47 = arith.constant 0 : index
    %swap3A_48 = vector.load %arg11[%swap3A_46, %swap3A_47] : memref<512x128xf32, #tpu.memory_space<vmem>>, vector<512x128xf32>
    tpu.vector_store %arg11[%swap3A_46, %swap3A_47], %add3A_45 {strides = array<i32>} : memref<512x128xf32, #tpu.memory_space<vmem>>, vector<512x128xf32>,
    return
  }
  func.func @transform_0(%arg0: i32) -> (i32, i32) {
    %c0_i32 = arith.constant 0 : i32
    %c0_i32_0 = arith.constant 0 : i32
    return %arg0, %c0_i32 : i32, i32
  }
  func.func @transform_1(%arg0: i32) -> (i32, i32) {
    %c0_i32 = arith.constant 0 : i32
    %c0_i32_0 = arith.constant 0 : i32
    return %arg0, %c0_i32 : i32, i32
  }
  func.func @transform_2(%arg0: i32) -> (i32, i32) {
    %c0_i32 = arith.constant 0 : i32
    %c0_i32_0 = arith.constant 0 : i32
    return %arg0, %c0_i32 : i32, i32
  }
  func.func @transform_3(%arg0: i32) -> (i32, i32) {
    %c0_i32 = arith.constant 0 : i32
    %c0_i32_0 = arith.constant 0 : i32
    return %arg0, %c0_i32 : i32, i32
  }
  func.func @transform_4(%arg0: i32) -> (i32, i32) {
    %c0_i32 = arith.constant 0 : i32
    %c0_i32_0 = arith.constant 0 : i32
    return %arg0, %c0_i32 : i32, i32
  }
  func.func @transform_5(%arg0: i32) -> (i32, i32) {
    %c0_i32 = arith.constant 0 : i32
    %c0_i32_0 = arith.constant 0 : i32
    return %arg0, %c0_i32 : i32, i32
  }
  func.func @transform_6(%arg0: i32) -> (i32, i32) {
    %c0_i32 = arith.constant 0 : i32
    %c0_i32_0 = arith.constant 0 : i32
    %c0_i32_1 = arith.constant 0 : i32
    return %c0_i32, %c0_i32_0 : i32, i32
  }
  func.func @transform_7(%arg0: i32) -> (i32, i32) {
    %c0_i32 = arith.constant 0 : i32
    %c0_i32_0 = arith.constant 0 : i32
    %c0_i32_1 = arith.constant 0 : i32
    return %c0_i32, %c0_i32_0 : i32, i32
  }
  func.func @transform_8(%arg0: i32) -> (i32, i32) {
    %c0_i32 = arith.constant 0 : i32
    %c0_i32_0 = arith.constant 0 : i32
    %c0_i32_1 = arith.constant 0 : i32
    return %c0_i32, %c0_i32_0 : i32, i32
  }
  func.func @transform_9(%arg0: i32) -> (i32, i32) {
    %c0_i32 = arith.constant 0 : i32
    %c0_i32_0 = arith.constant 0 : i32
    return %arg0, %c0_i32 : i32, i32
  }
  func.func @transform_10(%arg0: i32) -> (i32, i32) {
    %c0_i32 = arith.constant 0 : i32
    %c0_i32_0 = arith.constant 0 : i32
    return %arg0, %c0_i32 : i32, i32
  }
}

module attributes {stable_mosaic.version = 14 : i64} {
  func.func @_tc3_body(%arg0: i32, %arg1: memref<512x128xf32, #tpu.memory_space<vmem>>, %arg2: memref<512x128xf32, #tpu.memory_space<vmem>>, %arg3: memref<512x128xf32, #tpu.memory_space<vmem>>, %arg4: memref<512x128xf32, #tpu.memory_space<vmem>>, %arg5: memref<512x128xf32, #tpu.memory_space<vmem>>, %arg6: memref<512x1xf32, #tpu.memory_space<vmem>>, %arg7: memref<1x1x512xi32, #tpu.memory_space<vmem>>, %arg8: memref<256x1xi32, #tpu.memory_space<vmem>>, %arg9: memref<128x128xf32, #tpu.memory_space<vmem>>, %arg10: memref<128x128xf32, #tpu.memory_space<vmem>>, %arg11: memref<1x128xf32, #tpu.memory_space<vmem>>, %arg12: memref<256x128xf32, #tpu.memory_space<vmem>>, %arg13: memref<256x128xf32, #tpu.memory_space<vmem>>, %arg14: memref<256x128xf32, #tpu.memory_space<vmem>>, %arg15: memref<256x1xf32, #tpu.memory_space<vmem>>) attributes {dimension_semantics = [#tpu.dimension_semantics<arbitrary>], iteration_bounds = array<i64: 20>, scalar_prefetch = 0 : i64, scratch_operands = 3 : i64, tpu.core_type = #tpu.core_type<tc>, window_params = [{transform_indices = @transform_0, window_bounds = array<i64: 512, 128>}, {transform_indices = @transform_1, window_bounds = array<i64: 512, 128>}, {transform_indices = @transform_2, window_bounds = array<i64: 512, 128>}, {transform_indices = @transform_3, window_bounds = array<i64: 512, 128>}, {transform_indices = @transform_4, window_bounds = array<i64: 512, 128>}, {transform_indices = @transform_5, window_bounds = array<i64: 512, 1>}, {transform_indices = @transform_6, window_bounds = array<i64: 1, 1, 512>}, {pipeline_mode = #tpu.pipeline_mode<synchronous>, transform_indices = @transform_7, window_bounds = array<i64: 256, 1>}, {pipeline_mode = #tpu.pipeline_mode<synchronous>, transform_indices = @transform_8, window_bounds = array<i64: 128, 128>}, {pipeline_mode = #tpu.pipeline_mode<synchronous>, transform_indices = @transform_9, window_bounds = array<i64: 128, 128>}, {pipeline_mode = #tpu.pipeline_mode<synchronous>, transform_indices = @transform_10, window_bounds = array<i64: 1, 128>}, {pipeline_mode = #tpu.pipeline_mode<synchronous>, transform_indices = @transform_11, window_bounds = array<i64: 256, 128>}]} {
    %eq3A = arith.constant 0 : i32
    %eq3A_0 = arith.cmpi eq, %arg0, %eq3A : i32
    %convert_element_type3A = arith.extui %eq3A_0 : i1 to i32
    %cond3A = arith.constant 0 : i32
    %cond3A_1 = arith.cmpi ne, %convert_element_type3A, %cond3A : i32
    scf.if %cond3A_1 {
      %broadcast_in_dim3A_83 = arith.constant 0.000000e+00 : f32
      %broadcast_in_dim3A_84 = vector.broadcast %broadcast_in_dim3A_83 : f32 to vector<256x128xf32>
      %swap3A_85 = arith.constant 0 : index
      %swap3A_86 = arith.constant 0 : index
      %swap3A_87 = vector.load %arg13[%swap3A_85, %swap3A_86] : memref<256x128xf32, #tpu.memory_space<vmem>>, vector<256x128xf32>
      tpu.vector_store %arg13[%swap3A_85, %swap3A_86], %broadcast_in_dim3A_84 {strides = array<i32>} : memref<256x128xf32, #tpu.memory_space<vmem>>, vector<256x128xf32>,
      %broadcast_in_dim3A_88 = arith.constant 0.000000e+00 : f32
      %broadcast_in_dim3A_89 = vector.broadcast %broadcast_in_dim3A_88 : f32 to vector<256x128xf32>
      %swap3A_90 = arith.constant 0 : index
      %swap3A_91 = arith.constant 0 : index
      %swap3A_92 = vector.load %arg14[%swap3A_90, %swap3A_91] : memref<256x128xf32, #tpu.memory_space<vmem>>, vector<256x128xf32>
      tpu.vector_store %arg14[%swap3A_90, %swap3A_91], %broadcast_in_dim3A_89 {strides = array<i32>} : memref<256x128xf32, #tpu.memory_space<vmem>>, vector<256x128xf32>,
      %broadcast_in_dim3A_93 = arith.constant 0.000000e+00 : f32
      %broadcast_in_dim3A_94 = vector.broadcast %broadcast_in_dim3A_93 : f32 to vector<256x1xf32>
      %swap3A_95 = arith.constant 0 : index
      %swap3A_96 = arith.constant 0 : index
      %swap3A_97 = vector.load %arg15[%swap3A_95, %swap3A_96] : memref<256x1xf32, #tpu.memory_space<vmem>>, vector<256x1xf32>
      tpu.vector_store %arg15[%swap3A_95, %swap3A_96], %broadcast_in_dim3A_94 {strides = array<i32>} : memref<256x1xf32, #tpu.memory_space<vmem>>, vector<256x1xf32>,
    } else {
    }
    %get3A = arith.constant 0 : index
    %get3A_2 = arith.constant 0 : index
    %get3A_3 = vector.load %arg3[%get3A, %get3A_2] : memref<512x128xf32, #tpu.memory_space<vmem>>, vector<512x128xf32>
    %slice3A = vector.extract_strided_slice %get3A_3 {offsets = [0, 0], sizes = [512, 1], strides = [1, 1]} : vector<512x128xf32> to vector<512x1xf32>
    %get3A_4 = arith.constant 0 : index
    %get3A_5 = arith.constant 0 : index
    %get3A_6 = vector.load %arg4[%get3A_4, %get3A_5] : memref<512x128xf32, #tpu.memory_space<vmem>>, vector<512x128xf32>
    %slice3A_7 = vector.extract_strided_slice %get3A_6 {offsets = [0, 0], sizes = [512, 1], strides = [1, 1]} : vector<512x128xf32> to vector<512x1xf32>
    %add3A = arith.addf %slice3A, %slice3A_7 : vector<512x1xf32>
    %max3A = arith.constant 1.000000e+00 : f32
    %max3A_8 = vector.broadcast %max3A : f32 to vector<512x1xf32>
    %max3A_9 = arith.maximumf %add3A, %max3A_8 : vector<512x1xf32>
    %div3A = arith.constant 1.000000e+00 : f32
    %div3A_10 = vector.broadcast %div3A : f32 to vector<512x1xf32>
    %div3A_11 = arith.divf %div3A_10, %max3A_9 : vector<512x1xf32>
    %get3A_12 = arith.constant 0 : index
    %get3A_13 = arith.constant 0 : index
    %get3A_14 = vector.load %arg1[%get3A_12, %get3A_13] : memref<512x128xf32, #tpu.memory_space<vmem>>, vector<512x128xf32>
    %get3A_15 = arith.constant 0 : index
    %get3A_16 = arith.constant 0 : index
    %get3A_17 = vector.load %arg2[%get3A_15, %get3A_16] : memref<512x128xf32, #tpu.memory_space<vmem>>, vector<512x128xf32>
    %add3A_18 = arith.addf %get3A_14, %get3A_17 : vector<512x128xf32>
    %mul3A = vector.broadcast %div3A_11 : vector<512x1xf32> to vector<512x128xf32>
    %mul3A_19 = arith.mulf %add3A_18, %mul3A : vector<512x128xf32>
    %get3A_20 = arith.constant 0 : index
    %get3A_21 = arith.constant 0 : index
    %get3A_22 = vector.load %arg5[%get3A_20, %get3A_21] : memref<512x128xf32, #tpu.memory_space<vmem>>, vector<512x128xf32>
    %add3A_23 = arith.addf %mul3A_19, %get3A_22 : vector<512x128xf32>
    %max3A_24 = arith.constant 0.000000e+00 : f32
    %max3A_25 = vector.broadcast %max3A_24 : f32 to vector<512x128xf32>
    %max3A_26 = arith.maximumf %add3A_23, %max3A_25 : vector<512x128xf32>
    %get3A_27 = arith.constant 0 : index
    %get3A_28 = arith.constant 0 : index
    %get3A_29 = vector.load %arg6[%get3A_27, %get3A_28] : memref<512x1xf32, #tpu.memory_space<vmem>>, vector<512x1xf32>
    %mul3A_30 = vector.broadcast %get3A_29 : vector<512x1xf32> to vector<512x128xf32>
    %mul3A_31 = arith.mulf %max3A_26, %mul3A_30 : vector<512x128xf32>
    %mul3A_32 = arith.constant 512 : i32
    %mul3A_33 = arith.muli %arg0, %mul3A_32 : i32
    %iota3A = tpu.iota {dimensions = array<i32: 1>} : vector<1x512xi32>
    %add3A_34 = vector.broadcast %mul3A_33 : i32 to vector<1x512xi32>
    %add3A_35 = arith.addi %add3A_34, %iota3A : vector<1x512xi32>
    %get3A_36 = arith.constant 0 : index
    %get3A_37 = arith.constant 0 : index
    %get3A_38 = vector.load %arg8[%get3A_36, %get3A_37] : memref<256x1xi32, #tpu.memory_space<vmem>>, vector<256x1xi32>
    %eq3A_39 = vector.broadcast %get3A_38 : vector<256x1xi32> to vector<256x512xi32>
    %eq3A_40 = vector.broadcast %add3A_35 : vector<1x512xi32> to vector<256x512xi32>
    %eq3A_41 = arith.cmpi eq, %eq3A_39, %eq3A_40 : vector<256x512xi32>
    %convert_element_type3A_42 = arith.extui %eq3A_41 : vector<256x512xi1> to vector<256x512xi32>
    %convert_element_type3A_43 = arith.sitofp %convert_element_type3A_42 : vector<256x512xi32> to vector<256x512xf32>
    %get3A_44 = arith.constant 0 : index
    %get3A_45 = arith.constant 0 : index
    %get3A_46 = vector.load %arg13[%get3A_44, %get3A_45] : memref<256x128xf32, #tpu.memory_space<vmem>>, vector<256x128xf32>
    %dot_general3A = arith.constant dense<0.000000e+00> : vector<256x128xf32>
    %dot_general3A_47 = tpu.matmul %convert_element_type3A_43, %max3A_26, %dot_general3A {dimension_numbers = #tpu.dot_dimension_numbers<[1], [0], [0], [1], [0, 0, 1, 1], [], []>, transpose_lhs_hint = false} : vector<256x512xf32>, vector<512x128xf32>, vector<256x128xf32> -> vector<256x128xf32>
    %add3A_48 = arith.addf %get3A_46, %dot_general3A_47 : vector<256x128xf32>
    %swap3A = arith.constant 0 : index
    %swap3A_49 = arith.constant 0 : index
    %swap3A_50 = vector.load %arg13[%swap3A, %swap3A_49] : memref<256x128xf32, #tpu.memory_space<vmem>>, vector<256x128xf32>
    tpu.vector_store %arg13[%swap3A, %swap3A_49], %add3A_48 {strides = array<i32>} : memref<256x128xf32, #tpu.memory_space<vmem>>, vector<256x128xf32>,
    %iota3A_51 = tpu.iota {dimensions = array<i32: 0>} : vector<256x1xi32>
    %get3A_52 = arith.constant 0 : index
    %get3A_53 = arith.constant 0 : index
    %get3A_54 = arith.constant 0 : index
    %get3A_55 = vector.load %arg7[%get3A_52, %get3A_53, %get3A_54] : memref<1x1x512xi32, #tpu.memory_space<vmem>>, vector<1x1x512xi32>
    %reshape3A = vector.shape_cast %get3A_55 : vector<1x1x512xi32> to vector<1x512xi32>
    %eq3A_56 = vector.broadcast %reshape3A : vector<1x512xi32> to vector<256x512xi32>
    %eq3A_57 = vector.broadcast %iota3A_51 : vector<256x1xi32> to vector<256x512xi32>
    %eq3A_58 = arith.cmpi eq, %eq3A_56, %eq3A_57 : vector<256x512xi32>
    %convert_element_type3A_59 = arith.extui %eq3A_58 : vector<256x512xi1> to vector<256x512xi32>
    %convert_element_type3A_60 = arith.sitofp %convert_element_type3A_59 : vector<256x512xi32> to vector<256x512xf32>
    %get3A_61 = arith.constant 0 : index
    %get3A_62 = arith.constant 0 : index
    %get3A_63 = vector.load %arg14[%get3A_61, %get3A_62] : memref<256x128xf32, #tpu.memory_space<vmem>>, vector<256x128xf32>
    %dot_general3A_64 = arith.constant dense<0.000000e+00> : vector<256x128xf32>
    %dot_general3A_65 = tpu.matmul %convert_element_type3A_60, %mul3A_31, %dot_general3A_64 {dimension_numbers = #tpu.dot_dimension_numbers<[1], [0], [0], [1], [0, 0, 1, 1], [], []>, transpose_lhs_hint = false} : vector<256x512xf32>, vector<512x128xf32>, vector<256x128xf32> -> vector<256x128xf32>
    %add3A_66 = arith.addf %get3A_63, %dot_general3A_65 : vector<256x128xf32>
    %swap3A_67 = arith.constant 0 : index
    %swap3A_68 = arith.constant 0 : index
    %swap3A_69 = vector.load %arg14[%swap3A_67, %swap3A_68] : memref<256x128xf32, #tpu.memory_space<vmem>>, vector<256x128xf32>
    tpu.vector_store %arg14[%swap3A_67, %swap3A_68], %add3A_66 {strides = array<i32>} : memref<256x128xf32, #tpu.memory_space<vmem>>, vector<256x128xf32>,
    %get3A_70 = arith.constant 0 : index
    %get3A_71 = arith.constant 0 : index
    %get3A_72 = vector.load %arg15[%get3A_70, %get3A_71] : memref<256x1xf32, #tpu.memory_space<vmem>>, vector<256x1xf32>
    %reduce_sum3A = arith.constant dense<0.000000e+00> : vector<256xf32>
    %reduce_sum3A_73 = vector.multi_reduction <add>, %convert_element_type3A_60, %reduce_sum3A [1] : vector<256x512xf32> to vector<256xf32>
    %broadcast_in_dim3A = vector.shape_cast %reduce_sum3A_73 : vector<256xf32> to vector<256x1xf32>
    %add3A_74 = arith.addf %get3A_72, %broadcast_in_dim3A : vector<256x1xf32>
    %swap3A_75 = arith.constant 0 : index
    %swap3A_76 = arith.constant 0 : index
    %swap3A_77 = vector.load %arg15[%swap3A_75, %swap3A_76] : memref<256x1xf32, #tpu.memory_space<vmem>>, vector<256x1xf32>
    tpu.vector_store %arg15[%swap3A_75, %swap3A_76], %add3A_74 {strides = array<i32>} : memref<256x1xf32, #tpu.memory_space<vmem>>, vector<256x1xf32>,
    %eq3A_78 = arith.constant 19 : i32
    %eq3A_79 = arith.cmpi eq, %arg0, %eq3A_78 : i32
    %convert_element_type3A_80 = arith.extui %eq3A_79 : i1 to i32
    %cond3A_81 = arith.constant 0 : i32
    %cond3A_82 = arith.cmpi ne, %convert_element_type3A_80, %cond3A_81 : i32
    scf.if %cond3A_82 {
      %get3A_83 = arith.constant 0 : index
      %get3A_84 = arith.constant 0 : index
      %get3A_85 = vector.load %arg14[%get3A_83, %get3A_84] : memref<256x128xf32, #tpu.memory_space<vmem>>, vector<256x128xf32>
      %get3A_86 = arith.constant 0 : index
      %get3A_87 = arith.constant 0 : index
      %get3A_88 = vector.load %arg15[%get3A_86, %get3A_87] : memref<256x1xf32, #tpu.memory_space<vmem>>, vector<256x1xf32>
      %max3A_89 = arith.constant 1.000000e+00 : f32
      %max3A_90 = vector.broadcast %max3A_89 : f32 to vector<256x1xf32>
      %max3A_91 = arith.maximumf %get3A_88, %max3A_90 : vector<256x1xf32>
      %div3A_92 = vector.broadcast %max3A_91 : vector<256x1xf32> to vector<256x128xf32>
      %div3A_93 = arith.divf %get3A_85, %div3A_92 : vector<256x128xf32>
      %get3A_94 = arith.constant 0 : index
      %get3A_95 = arith.constant 0 : index
      %get3A_96 = vector.load %arg13[%get3A_94, %get3A_95] : memref<256x128xf32, #tpu.memory_space<vmem>>, vector<256x128xf32>
      %get3A_97 = arith.constant 0 : index
      %get3A_98 = arith.constant 0 : index
      %get3A_99 = vector.load %arg9[%get3A_97, %get3A_98] : memref<128x128xf32, #tpu.memory_space<vmem>>, vector<128x128xf32>
      %dot_general3A_100 = arith.constant dense<0.000000e+00> : vector<256x128xf32>
      %dot_general3A_101 = tpu.matmul %get3A_96, %get3A_99, %dot_general3A_100 {dimension_numbers = #tpu.dot_dimension_numbers<[1], [0], [0], [1], [0, 0, 1, 1], [], []>, transpose_lhs_hint = false} : vector<256x128xf32>, vector<128x128xf32>, vector<256x128xf32> -> vector<256x128xf32>
      %get3A_102 = arith.constant 0 : index
      %get3A_103 = arith.constant 0 : index
      %get3A_104 = vector.load %arg10[%get3A_102, %get3A_103] : memref<128x128xf32, #tpu.memory_space<vmem>>, vector<128x128xf32>
      %dot_general3A_105 = arith.constant dense<0.000000e+00> : vector<256x128xf32>
      %dot_general3A_106 = tpu.matmul %div3A_93, %get3A_104, %dot_general3A_105 {dimension_numbers = #tpu.dot_dimension_numbers<[1], [0], [0], [1], [0, 0, 1, 1], [], []>, transpose_lhs_hint = false} : vector<256x128xf32>, vector<128x128xf32>, vector<256x128xf32> -> vector<256x128xf32>
      %add3A_107 = arith.addf %dot_general3A_101, %dot_general3A_106 : vector<256x128xf32>
      %get3A_108 = arith.constant 0 : index
      %get3A_109 = arith.constant 0 : index
      %get3A_110 = vector.load %arg11[%get3A_108, %get3A_109] : memref<1x128xf32, #tpu.memory_space<vmem>>, vector<1x128xf32>
      %add3A_111 = vector.broadcast %get3A_110 : vector<1x128xf32> to vector<256x128xf32>
      %add3A_112 = arith.addf %add3A_107, %add3A_111 : vector<256x128xf32>
      %swap3A_113 = arith.constant 0 : index
      %swap3A_114 = arith.constant 0 : index
      %swap3A_115 = vector.load %arg12[%swap3A_113, %swap3A_114] : memref<256x128xf32, #tpu.memory_space<vmem>>, vector<256x128xf32>
      tpu.vector_store %arg12[%swap3A_113, %swap3A_114], %add3A_112 {strides = array<i32>} : memref<256x128xf32, #tpu.memory_space<vmem>>, vector<256x128xf32>,
    } else {
    }
    return
  }
  func.func @transform_0(%arg0: i32) -> (i32, i32) {
    %c0_i32 = arith.constant 0 : i32
    %c0_i32_0 = arith.constant 0 : i32
    return %arg0, %c0_i32 : i32, i32
  }
  func.func @transform_1(%arg0: i32) -> (i32, i32) {
    %c0_i32 = arith.constant 0 : i32
    %c0_i32_0 = arith.constant 0 : i32
    return %arg0, %c0_i32 : i32, i32
  }
  func.func @transform_2(%arg0: i32) -> (i32, i32) {
    %c0_i32 = arith.constant 0 : i32
    %c0_i32_0 = arith.constant 0 : i32
    return %arg0, %c0_i32 : i32, i32
  }
  func.func @transform_3(%arg0: i32) -> (i32, i32) {
    %c0_i32 = arith.constant 0 : i32
    %c0_i32_0 = arith.constant 0 : i32
    return %arg0, %c0_i32 : i32, i32
  }
  func.func @transform_4(%arg0: i32) -> (i32, i32) {
    %c0_i32 = arith.constant 0 : i32
    %c0_i32_0 = arith.constant 0 : i32
    return %arg0, %c0_i32 : i32, i32
  }
  func.func @transform_5(%arg0: i32) -> (i32, i32) {
    %c0_i32 = arith.constant 0 : i32
    %c0_i32_0 = arith.constant 0 : i32
    return %arg0, %c0_i32 : i32, i32
  }
  func.func @transform_6(%arg0: i32) -> (i32, i32, i32) {
    %c0_i32 = arith.constant 0 : i32
    %c0_i32_0 = arith.constant 0 : i32
    %c0_i32_1 = arith.constant 0 : i32
    return %arg0, %c0_i32, %c0_i32_0 : i32, i32, i32
  }
  func.func @transform_7(%arg0: i32) -> (i32, i32) {
    %c0_i32 = arith.constant 0 : i32
    %c0_i32_0 = arith.constant 0 : i32
    %c0_i32_1 = arith.constant 0 : i32
    return %c0_i32, %c0_i32_0 : i32, i32
  }
  func.func @transform_8(%arg0: i32) -> (i32, i32) {
    %c0_i32 = arith.constant 0 : i32
    %c0_i32_0 = arith.constant 0 : i32
    %c0_i32_1 = arith.constant 0 : i32
    return %c0_i32, %c0_i32_0 : i32, i32
  }
  func.func @transform_9(%arg0: i32) -> (i32, i32) {
    %c0_i32 = arith.constant 0 : i32
    %c0_i32_0 = arith.constant 0 : i32
    %c0_i32_1 = arith.constant 0 : i32
    return %c0_i32, %c0_i32_0 : i32, i32
  }
  func.func @transform_10(%arg0: i32) -> (i32, i32) {
    %c0_i32 = arith.constant 0 : i32
    %c0_i32_0 = arith.constant 0 : i32
    %c0_i32_1 = arith.constant 0 : i32
    return %c0_i32, %c0_i32_0 : i32, i32
  }
  func.func @transform_11(%arg0: i32) -> (i32, i32) {
    %c0_i32 = arith.constant 0 : i32
    %c0_i32_0 = arith.constant 0 : i32
    %c0_i32_1 = arith.constant 0 : i32
    return %c0_i32, %c0_i32_0 : i32, i32
  }
}

</mosaic_0001>

<sc_bundles>
// kernel: kernel.10.cloned.1.call-start
scs
__scs_entry_jumppad:
0x0: {  	(pc) =	sbr.rel $0x88, $3  }
0x1: {  	(tag) =	ssettag $0x0;
	lr =	simm.s32 $0x1  }
0x2: {  	[smem:$0x3F94] =	sst lr;
	_ =	strace $0xD0000000  }
0x3: {  	_ = 	snop  }
0x4: {  	_ = 	snop  }
0x5: {  	_ = 	snop  }
0x6: {  	_ = 	snop  }
0x7: {  	_ = 	snop  }
__scs_overlays_trampoline_lowered:
0x8: {  	[smem:$0x3FA3] =	sst s0  }
0x9: {  	[smem:$0x3FA4] =	sst s1  }
0xa: {  	[smem:$0x3FA5] =	sst s2  }
0xb: {  	[smem:$0x3FA6] =	sst s3  }
0xc: {  	[smem:$0x3FA7] =	sst s4  }
0xd: {  	[smem:$0x3FA8] =	sst s5  }
0xe: {  	[smem:$0x3FA9] =	sst s6  }
0xf: {  	[smem:$0x3FAA] =	sst s7  }
0x10: {  	[smem:$0x3FAB] =	sst s8  }
0x11: {  	[smem:$0x3FAC] =	sst s9;
	s0 =	simm.s32 @!p0 $0x0  }
0x12: {  	s1 =	sld [smem:$0x3F92];
	s0 =	simm.s32 @p0 $0x1  }
0x13: {  	[smem:$0x3FAD] =	sst s0;
	s0 =	simm.s32 @!p1 $0x0  }
0x14: {  	s2 =	sld [smem:$0x3F91];
	s0 =	simm.s32 @p1 $0x1  }
0x15: {  	[smem:$0x3FAE] =	sst s0;
	s0 =	simm.s32 @!p2 $0x0  }
0x16: {  	s3 =	sld [smem:$0x3FDB];
	s0 =	simm.s32 @p2 $0x1  }
0x17: {  	s4 =	simm.s32 $0x1BF5;
	[smem:$0x3FB0] =	sst s0  }
0x18: {  	s0 =	sld [smem:$0x3F93];
	_ =	swait.ge [sflag:s4], $0x0  }
0x19: {  	s7 =	sld [smem:$0x3F94]  }
0x1a: {  	s8 =	sadd.s32 $0xFFFFE003, lr  }
0x1b: {  	s9 =	sadd.s32 $0xFFFFFEF7, lr;
	s5 =	simm.s32 $0xFFFFFFFF;
	p2 =	slt.u32 s8, $0xFFFFF086  }
0x1c: {  	p1 =	slt.u32 s9, $0xF7A;
	s5 =	simm.s32 @!p2 $0x0  }
0x1d: {  	s5 =	simm.s32 @p1 $0x1;
	p0 =	seq.s32 s7, s2  }
0x1e: {  	s7 =	smul.u32 @!p0 $0xF7A, s2;
	p2 =	seq.s32 @!p0 s5, $0x0  }
0x1f: {  	s9 =	smul.u32 $0xF7A, s1;
	s8 =	simm.s32 @!p0 $0x1BF5;
	p2 =	por !p2, p0  }
0x20: {  	[sflag:s8] =	ssyncset.s32 @!p0 $0xFFFFF086;
	s6 =	sadd.s32 @!p0 s3, s7;
	s7 =	simm.s32 @!p0 $0x108  }
0x21: {  	s3 =	sadd.s32 s3, s9;
	s6 =	sadd.s32 @!p0 $0x88, s6;
	s7 =	simm.s32 @p2 $0x1082  }
0x22: {  	[simem:s7], [sflag:s8] =	dma.local @!p0 [hbm:s6], $0xF7A  }
0x23: {  	s9 =	sor.u32 $0xD0000000, s2;
	s6 =	simm.s32 $0x108;
	_ =	swait.ge @!p0 [sflag:s8], $0x0  }
0x24: {  	s3 =	sadd.s32 $0x88, s3;
	s6 =	simm.s32 @!p1 $0x1082;
	[sflag:s4] =	ssyncset.s32 $0xFFFFF086  }
0x25: {  	[simem:s6], [sflag:s4] =	dma.local [hbm:s3], $0xF7A  }
0x26: {  	[smem:$0x3F94] =	sst s1;
	(tag) =	ssettag s2;
	_ =	strace s9  }
0x27: {  	s1 =	sld [smem:$0x3FA4]  }
0x28: {  	s2 =	sld [smem:$0x3FA5]  }
0x29: {  	s4 =	sld [smem:$0x3FA7]  }
0x2a: {  	p0 =	seq.s32 s5, $0x0;
	s5 =	sld [smem:$0x3FA8]  }
0x2b: {  	s6 =	sld [smem:$0x3FA9]  }
0x2c: {  	s7 =	sld [smem:$0x3FAA]  }
0x2d: {  	s3 =	simm.s32 $0x108;
	s8 =	sld [smem:$0x3FAB]  }
0x2e: {  	s3 =	simm.s32 @!p0 $0x1082;
	s9 =	sld [smem:$0x3FAC]  }
0x2f: {  	lr =	sadd.s32 s0, s3;
	s0 =	sld [smem:$0x3FA3]  }
0x30: {  	s3 =	sld [smem:$0x3FA6]  }
0x31: {  	[smem:$0x3FAF] =	sst s10  }
0x32: {  	s10 =	sld [smem:$0x3FAD];
	_ =	sdelay $0x3  }
0x33: {  	p0 =	seq.s32 s10, $0x1;
	s10 =	sld [smem:$0x3FAF];
	_ =	sdelay $0x3  }
0x34: {  	[smem:$0x3FAF] =	sst s10  }
0x35: {  	s10 =	sld [smem:$0x3FAE];
	_ =	sdelay $0x3  }
0x36: {  	p1 =	seq.s32 s10, $0x1;
	s10 =	sld [smem:$0x3FAF];
	_ =	sdelay $0x3  }
0x37: {  	[smem:$0x3FAF] =	sst s10  }
0x38: {  	s10 =	sld [smem:$0x3FB0]  }
0x39: {  	_ = 	snop;
	(pc) =	sbr.ind lr, $3  }
0x3a: {  	_ = 	snop  }
0x3b: {  	_ = 	snop  }
0x3c: {  	p2 =	seq.s32 s10, $0x1;
	s10 =	sld [smem:$0x3FAF]  }
0x3d: {  	_ =	shalt  }
0x3e: {  	_ =	shalt  }
0x3f: {  	_ =	shalt  }
0x40: {  	_ =	shalt  }
0x41: {  	_ =	shalt  }
0x42: {  	_ =	shalt  }
0x43: {  	_ =	shalt  }
0x44: {  	_ =	shalt  }
0x45: {  	_ =	shalt  }
0x46: {  	_ =	shalt  }
0x47: {  	_ =	shalt  }
0x48: {  	_ =	shalt  }
0x49: {  	_ =	shalt  }
0x4a: {  	_ =	shalt  }
0x4b: {  	_ =	shalt  }
0x4c: {  	_ =	shalt  }
0x4d: {  	_ =	shalt  }
0x4e: {  	_ =	shalt  }
0x4f: {  	_ =	shalt  }
0x50: {  	_ =	shalt  }
0x51: {  	_ =	shalt  }
0x52: {  	_ =	shalt  }
0x53: {  	_ =	shalt  }
0x54: {  	_ =	shalt  }
0x55: {  	_ =	shalt  }
0x56: {  	_ =	shalt  }
0x57: {  	_ =	shalt  }
0x58: {  	_ =	shalt  }
0x59: {  	_ =	shalt  }
0x5a: {  	_ =	shalt  }
0x5b: {  	_ =	shalt  }
0x5c: {  	_ =	shalt  }
0x5d: {  	_ =	shalt  }
0x5e: {  	_ =	shalt  }
0x5f: {  	_ =	shalt  }
0x60: {  	_ =	shalt  }
0x61: {  	_ =	shalt  }
0x62: {  	_ =	shalt  }
0x63: {  	_ =	shalt  }
0x64: {  	_ =	shalt  }
0x65: {  	_ =	shalt  }
0x66: {  	_ =	shalt  }
0x67: {  	_ =	shalt  }
0x68: {  	_ =	shalt  }
0x69: {  	_ =	shalt  }
0x6a: {  	_ =	shalt  }
0x6b: {  	_ =	shalt  }
0x6c: {  	_ =	shalt  }
0x6d: {  	_ =	shalt  }
0x6e: {  	_ =	shalt  }
0x6f: {  	_ =	shalt  }
0x70: {  	_ =	shalt  }
0x71: {  	_ =	shalt  }
0x72: {  	_ =	shalt  }
0x73: {  	_ =	shalt  }
0x74: {  	_ =	shalt  }
0x75: {  	_ =	shalt  }
0x76: {  	_ =	shalt  }
0x77: {  	_ =	shalt  }
0x78: {  	_ =	shalt  }
0x79: {  	_ =	shalt  }
0x7a: {  	_ =	shalt  }
0x7b: {  	_ =	shalt  }
0x7c: {  	_ =	shalt  }
0x7d: {  	_ =	shalt  }
0x7e: {  	_ =	shalt  }
0x7f: {  	_ =	shalt  }
0x80: {  	_ =	shalt  }
0x81: {  	_ =	shalt  }
0x82: {  	_ =	shalt  }
0x83: {  	_ =	shalt  }
0x84: {  	_ =	shalt  }
0x85: {  	_ =	shalt  }
0x86: {  	_ =	shalt  }
0x87: {  	_ =	shalt  }
.Lfunc_end0:
.L_simem_size_0:
called_computation.1_lowered:
.L_overlay_start_0:
0x88: {  	s2 =	sld [smem:$0x3FD9]  }
0x89: {  	s3 =	sld [smem:$0x3FFE];
	_ =	sdelay $0x1  }
0x8a: {  	s1 =	srdreg.scid  }
0x8b: {  	s0 =	sand.u32 $0x1, s1  }
0x8c: {  	s16 =	sshll.u32 s0, $0xA;
	s2 =	sadd.s32 s3, s2  }
0x8d: {  	s2 =	sadd.s32 s2, s16  }
0x8e: {  	[smem:$0x3FBB] =	sst s2  }
0x8f: {  	_ = 	snop  }
0x90: {  	(tm) =	ssettm $0x1  }
0x91: {  	s17 =	sld [smem:$0x3FFB];
	_ =	sdelay $0x3  }
0x92: {  	_ =	strace s17  }
0x93: {  	s2 =	sld [smem:$0x3FFC];
	_ =	sdelay $0x3  }
0x94: {  	_ =	strace s2  }
0x95: {  	s2 =	sld [smem:$0x3FFD];
	_ =	sdelay $0x3  }
0x96: {  	_ =	strace s2  }
0x97: {  	_ =	strace $0x8FFFFFFF  }
0x98: {  	s18 =	sld [smem:$0x3FDB];
	_ =	sdelay $0x1  }
0x99: {  	s19 =	simm.s32 $_scs_section_size  }
0x9a: {  	s4 =	simm.s32 $_size__tile_overlayer_lowered;
	s5 =	simm.s32 $_tile_overlayer_lowered  }
0x9b: {  	s22 =	simm.s32 $0x1BFF;
	s21 =	sshll.u32 s5, $0x1;
	s2 =	sadd.s32 s19, s18  }
0x9c: {  	s6 =	simm.s32 $0x0;
	s20 =	sshll.u32 s4, $0x1;
	s4 =	sadd.s32 s21, s2  }
0x9d: {  	[timem:s6], [sflag:s22] =	dma.local [hbm:s4], s20  }
0x9e: {  	_ =	swait.ge [sflag:s22], s20  }
0x9f: {  	s3 =	ssub.s32 $0x0, s20;
	[sflag:s22] =	ssyncset.done $0x0  }
0xa0: {  	[sflag:s22] =	ssyncadd.s32 s3;
	_ =	sdelay $0x1  }
0xa1: {  	s23 =	simm.s32 $0x1B8B  }
0xa2: {  	_ =	swait.ge [sflag:s23], $0x1  }
0xa3: {  	[sflag:s23] =	ssyncset.done $0x0  }
0xa4: {  	s25 =	simm.s32 $0x1B8E;
	s24 =	sld [smem:$0x3FFE];
	[sflag:s23] =	ssyncadd.s32 $0xFFFFFFFF  }
0xa5: {  	s26 =	simm.s32 $execute0_lowered;
	[smem:$0x3FD2] =	sst s25  }
0xa6: {  	s4 =	sshll.u32 s26, $0x1;
	_ =	strace $0x80000049;
	[dreg:$0x1] =	wrdreg $0xFFFFFFFF  }
0xa7: {  	s28 =	simm.s32 $_size_execute0_lowered;
	s2 =	sadd.s32 s2, s4;
	[dreg:$0x0] =	wrdreg $0x0  }
0xa8: {  	s4 =	sshll.u32 s28, $0x1;
	[dreg:$0x2] =	wrdreg s2  }
0xa9: {  	[dreg:$0x3] =	wrdreg s4  }
0xaa: {  	[dreg:$0x4] =	wrdreg $0xC0  }
0xab: {  	_ =	task [dreg:s6], $0x5FFFF  }
0xac: {  	[dreg:$0x1] =	wrdreg $0xFFFFFFFF  }
0xad: {  	[dreg:$0x0] =	wrdreg $0x60  }
0xae: {  	[dreg:$0x2] =	wrdreg s24  }
0xaf: {  	[dreg:$0x3] =	wrdreg $0x88000  }
0xb0: {  	[dreg:$0x4] =	wrdreg $0x9  }
0xb1: {  	_ =	task.clear_ibuf [dreg:s6], $0x5FFFF;
	_ =	strace $0x90000049  }
0xb2: {  	s29 =	simm.s32 $0x9;
	_ =	strace $0x8000004B  }
0xb3: {  	_ =	swait.ge [sflag:s29], $0x1  }
0xb4: {  	[sflag:s29] =	ssyncadd.s32 $0xFFFFFFFF  }
0xb5: {  	_ =	strace $0x9000004B  }
0xb6: {  	_ =	sfence  }
0xb7: {  	s30 =	sld [smem:$0x0];
	_ =	sdelay $0x2  }
0xb8: {  	s31 =	sshll.u32 s1, $0xD;
	s1 =	sshrl.u32 s1, $0x2  }
0xb9: {  	s3 =	sand.u32 $0x4000, s31;
	s1 =	sadd.s32 s1, s30  }
0xba: {  	s0 =	sor.u32 s3, s0;
	s1 =	sshll.u32 s1, $0x11  }
0xbb: {  	s0 =	sor.u32 s1, s0  }
0xbc: {  	s0 =	sadd.s32 $0x8F2B, s0  }
0xbd: {  	[sflag:s0] =	ssyncadd.remote.s32 $0x1  }
0xbe: {  	_ =	sfence.sel $0xFFFF  }
0xbf: {  	[dreg:$0x0] =	wrdreg $0xFFFFFFFF;
	(pc) =	sbr.abs _section_cstart, $3  }
0xc0: {  	[dreg:$0x1] =	wrdreg $0xFFFFFFFF  }
0xc1: {  	_ =	task.clear_ibuf [dreg:s6], $0x2FFFF;
	_ =	strace $0x9FFFFFFF  }
0xc2: {  	(tm) =	ssettm $0x7FFFFFFF  }
0xc3: {  	_ =	shalt  }
tec
execute0_lowered:
.L_overlay_start_1:
0x0: {  	(tag) =	ssettag $0x1  }
0x1: {  	s0 =	rddreg [dreg:$0x0]  }
0x2: {  	s2 =	rddreg [dreg:$0x1];
	s3 =	simm.s32 $0x0;
	s1 =	srdreg.scid  }
0x3: {  	s7 =	stileid.u32;
	s28 =	simm.s32 $0x180;
	s29 =	simm.s32 $0x300  }
0x4: {  	s30 =	simm.s32 $0x280;
	s31 =	simm.s32 $0x400;
	s16 =	simm.s32 $0x780  }
0x5: {  	s17 =	simm.s32 $0x0;
	s1 =	sand.u32 $0x1, s1;
	s4 =	smul.u32 $0x90, s7  }
0x6: {  	s5 =	sshll.u32 s7, $0x4;
	[smem:$0x7FF] =	sst s3;
	s6 =	smul.u32 $0x50000, s7  }
0x7: {  	s10 =	smul.u32 $0x14000, s7;
	p0 =	seq.s32 s1, $0x0;
	s5 =	sor.u32 $0x900, s5  }
0x8: {  	_ =	strace $0x8000004A;
	s18 =	ssub.s32 $0x2, s1;
	s1 =	smul.u32 $0x140000, s1  }
0x9: {  	s5 =	smov.u32 @p0 s4;
	s4 =	sadd.s32 $0x4A600, s0;
	s8 =	sshrl.u32 s18, $0x1  }
0xa: {  	s6 =	sshrl.u32 s6, $0x2;
	s11 =	sadd.s32 $0x4000, s10;
	s20 =	sadd.s32 $0x8000, s10  }
0xb: {  	s13 =	sadd.s32 $0xC000, s10;
	s14 =	sadd.s32 $0x10000, s10;
	s5 =	sshll.u32 s5, $0x5  }
0xc: {  	s12 =	ssub.s32 s18, s8;
	s6 =	sadd.s32 s6, s2;
	s19 =	sadd.s32 s11, s2  }
0xd: {  	s7 =	sadd.s32 s20, s2;
	s21 =	sadd.s32 s13, s2;
	s9 =	sadd.s32 s14, s2  }
0xe: {  	s15 =	sadd.s32 s10, s1;
	s11 =	sadd.s32 s1, s11;
	s10 =	simm.s32 $0x12  }
0xf: {  	s23 =	sadd.s32 s1, s13;
	s18 =	simm.s32 $0x800;
	[dreg:$0x3] =	wrdreg s6  }
0x10: {  	s13 =	simm.s32 $0x580;
	s5 =	sadd.s32 s5, s0;
	[dreg:$0x4] =	wrdreg s19  }
0x11: {  	s0 =	sadd.s32 $0x9A600, s0;
	[dreg:$0x6] =	wrdreg s21;
	s15 =	sshrl.u32 s15, $0x3  }
0x12: {  	s11 =	sshrl.u32 s11, $0x3;
	s10 =	simm.s32 @!p0 $0x2;
	s6 =	sadd.s32 s1, s20  }
0x13: {  	s1 =	sadd.s32 s1, s14;
	s25 =	smax.u32 s12, $0x1;
	s19 =	simm.s32 $0x3  }
0x14: {  	s20 =	simm.s32 $0x4;
	s21 =	simm.s32 $0x80;
	s12 =	simm.s32 $0x600  }
0x15: {  	s14 =	simm.s32 $0x700;
	s15 =	sadd.s32 s0, s15;
	s22 =	sadd.s32 s0, s11  }
0x16: {  	s6 =	sshrl.u32 s6, $0x3;
	s11 =	sshrl.u32 s23, $0x3;
	[dreg:$0xb] =	wrdreg s25  }
0x17: {  	s1 =	sshrl.u32 s1, $0x3;
	s26 =	sadd.s32 $0xE600, s5;
	[dreg:$0x5] =	wrdreg s15  }
0x18: {  	s23 =	simm.s32 $0x100;
	s25 =	simm.s32 $0x2;
	[dreg:$0x7] =	wrdreg s22  }
.Ltmp0:
0x19: {  	s6 =	sadd.s32 s0, s6;
	s24 =	sadd.s32 s0, s11;
	(pc) =	sbr.rel .LBB2_1-.Ltmp0, $4  }
0x1a: {  	s0 =	sadd.s32 s0, s1;
	[dreg:$0xc] =	wrdreg s26;
	s22 =	simm.s32 $0x1  }
0x1b: {  	s26 =	simm.s32 $0x200;
	s1 =	simm.s32 $0x500;
	[dreg:$0x8] =	wrdreg s6  }
0x1c: {  	s11 =	simm.s32 $0x480;
	s15 =	simm.s32 $0x680;
	[dreg:$0x9] =	wrdreg s24  }
0x1d: {  	v0 =	vimm.f32 $0.0e+00;
	[dreg:$0xa] =	wrdreg s0;
	s24 =	simm.s32 $0x4800;
	s0 =	simm.s32 $0x380  }
.LBB2_7:
0x1e: {  	s5 =	stileid.u32;
	[bflag:$0x0] =	sbarrier.arrive $0xFFFF  }
0x1f: {  	s5 =	sshll.u32 s5, $0x6;
	s6 =	rddreg [dreg:$0x3]  }
0x20: {  	s7 =	rddreg [dreg:$0x5];
	s5 =	sor.u32 $0x1C03, s5;
	s6 =	sshrl.u32 s6, $0x3  }
0x21: {  	[hbm:s7], [sflag:s5] =	dma.local [spmem:s6], $0x800  }
0x22: {  	_ =	swait.ge [sflag:s19], $0x800  }
0x23: {  	[sflag:s19] =	ssyncset.done $0x0;
	s7 =	rddreg [dreg:$0x4]  }
0x24: {  	[sflag:s19] =	ssyncadd.s32 $0xFFFFF800;
	s6 =	sshrl.u32 s7, $0x3;
	s7 =	rddreg [dreg:$0x7]  }
0x25: {  	[hbm:s7], [sflag:s5] =	dma.local [spmem:s6], $0x800  }
0x26: {  	_ =	swait.ge [sflag:s19], $0x800  }
0x27: {  	s7 =	smov.u32 s8;
	[sflag:s19] =	ssyncset.done $0x0  }
0x28: {  	s6 =	sshrl.u32 s8, $0x3;
	s8 =	rddreg [dreg:$0x8];
	[sflag:s19] =	ssyncadd.s32 $0xFFFFF800  }
0x29: {  	[hbm:s8], [sflag:s5] =	dma.local [spmem:s6], $0x800  }
0x2a: {  	_ =	swait.ge [sflag:s19], $0x800  }
0x2b: {  	[sflag:s19] =	ssyncset.done $0x0;
	s8 =	rddreg [dreg:$0x6]  }
0x2c: {  	[sflag:s19] =	ssyncadd.s32 $0xFFFFF800;
	s6 =	sshrl.u32 s8, $0x3;
	s8 =	rddreg [dreg:$0x9]  }
0x2d: {  	[hbm:s8], [sflag:s5] =	dma.local [spmem:s6], $0x800  }
0x2e: {  	_ =	swait.ge [sflag:s19], $0x800  }
0x2f: {  	[sflag:s19] =	ssyncset.done $0x0  }
0x30: {  	s6 =	sshrl.u32 s9, $0x3;
	s8 =	rddreg [dreg:$0xa];
	[sflag:s19] =	ssyncadd.s32 $0xFFFFF800  }
0x31: {  	[hbm:s8], [sflag:s5] =	dma.local [spmem:s6], $0x800  }
0x32: {  	_ =	swait.ge [sflag:s19], $0x800  }
0x33: {  	s17 =	sadd.s32 $0x1, s17;
	s8 =	rddreg [dreg:$0xb]  }
0x34: {  	p0 =	sne.s32 s17, s8  }
.Ltmp1:
0x35: {  	_ = 	snop;
	(pc) =	sbr.rel @!p0 .LBB2_8-.Ltmp1, $3  }
0x36: {  	_ =	sdelay $0x1  }
0x37: {  	[sflag:s19] =	ssyncset.done $0x0  }
0x38: {  	[sflag:s19] =	ssyncadd.s32 $0xFFFFF800  }
.LBB2_1:
0x39: {  	s5 =	simm.s32 $0x0;
	s6 =	simm.s32 $0x200  }
.LBB2_2:
0x3a: {  	p0 =	sne.s32 s6, $0xFE00;
	[tilespmem:s5+$0x870] =	vst v0  }
0x3b: {  	[tilespmem:s5+$0x800] =	vst v0  }
0x3c: {  	[tilespmem:s5+$0x810] =	vst v0  }
.Ltmp2:
0x3d: {  	[tilespmem:s5+$0x820] =	vst v0;
	(pc) =	sbr.rel @p0 .LBB2_2-.Ltmp2, $4  }
0x3e: {  	[tilespmem:s5+$0x830] =	vst v0  }
0x3f: {  	[tilespmem:s5+$0x840] =	vst v0  }
0x40: {  	[tilespmem:s5+$0x850] =	vst v0  }
0x41: {  	[tilespmem:s5+$0x860] =	vst v0;
	s5 =	sshra.s32 s6, $0x2;
	s6 =	sadd.s32 $0x200, s6  }
0x42: {  	[tilespmem:s5+$0x870] =	vst v0  }
0x43: {  	[tilespmem:s5+$0x800] =	vst v0  }
0x44: {  	[tilespmem:s5+$0x810] =	vst v0  }
0x45: {  	[tilespmem:s5+$0x820] =	vst v0  }
0x46: {  	[tilespmem:s5+$0x830] =	vst v0  }
0x47: {  	[tilespmem:s5+$0x840] =	vst v0  }
0x48: {  	[tilespmem:s5+$0x850] =	vst v0  }
0x49: {  	[tilespmem:s5+$0x860] =	vst v0;
	s8 =	rddreg [dreg:$0x3]  }
0x4a: {  	[spmem:s8] =	stream.linear.scatter [tilespmem:s18], [sflag:$0x3], $0x4000, $0x38;
	[tilespmem:$0x1C800] =	vst v63  }
0x4b: {  	_ =	swait.ge [sflag:s19], $0x4000  }
0x4c: {  	[sflag:s19] =	ssyncset.done $0x0  }
0x4d: {  	s6 =	rddreg [dreg:$0x4];
	[sflag:s19] =	ssyncadd.s32 $0xFFFFC000  }
0x4e: {  	[spmem:s6] =	stream.linear.scatter [tilespmem:s18], [sflag:$0x3], $0x4000, $0x38;
	[tilespmem:$0x1C800] =	vst v63  }
0x4f: {  	_ =	swait.ge [sflag:s19], $0x4000  }
0x50: {  	[sflag:s19] =	ssyncset.done $0x0  }
0x51: {  	[sflag:s19] =	ssyncadd.s32 $0xFFFFC000  }
0x52: {  	[spmem:s7] =	stream.linear.scatter [tilespmem:s18], [sflag:$0x3], $0x4000, $0x38;
	[tilespmem:$0x1C800] =	vst v63  }
0x53: {  	_ =	swait.ge [sflag:s19], $0x4000  }
0x54: {  	[sflag:s19] =	ssyncset.done $0x0  }
0x55: {  	s8 =	smov.u32 s7;
	s7 =	rddreg [dreg:$0x6];
	[sflag:s19] =	ssyncadd.s32 $0xFFFFC000  }
0x56: {  	[spmem:s7] =	stream.linear.scatter [tilespmem:s18], [sflag:$0x3], $0x4000, $0x38;
	[tilespmem:$0x1C800] =	vst v63  }
0x57: {  	_ =	swait.ge [sflag:s19], $0x4000  }
0x58: {  	[sflag:s19] =	ssyncset.done $0x0  }
0x59: {  	[sflag:s19] =	ssyncadd.s32 $0xFFFFC000  }
0x5a: {  	[spmem:s9] =	stream.linear.scatter [tilespmem:s18], [sflag:$0x3], $0x4000, $0x38;
	[tilespmem:$0x1C800] =	vst v63  }
.Ltmp3:
0x5b: {  	_ =	swait.ge [sflag:s19], $0x4000;
	(pc) =	sbr.rel .LBB2_4-.Ltmp3, $4  }
0x5c: {  	[sflag:s19] =	ssyncset.done $0x0  }
0x5d: {  	[sflag:s19] =	ssyncadd.s32 $0xFFFFC000  }
0x5e: {  	[bflag:$0x0] =	sbarrier.arrive $0xFFFF  }
0x5f: {  	s5 =	simm.s32 $0x0;
	s6 =	rddreg [dreg:$0xc]  }
.LBB2_6:
0x60: {  	s5 =	sadd.s32 $0x1, s5  }
0x61: {  	p0 =	sne.s32 s5, $0x12  }
.Ltmp4:
0x62: {  	_ = 	snop;
	(pc) =	sbr.rel @!p0 .LBB2_7-.Ltmp4, $2  }
0x63: {  	_ =	sdelay $0x2  }
0x64: {  	s6 =	sadd.s32 $0x100, s6  }
.LBB2_4:
0x65: {  	p0 =	sge.u32 s5, s10  }
.Ltmp5:
0x66: {  	_ = 	snop;
	(pc) =	sbr.rel @p0 .LBB2_6-.Ltmp5, $1  }
0x67: {  	_ =	sdelay $0x3  }
0x68: {  	[tilespmem:s3], [sflag:$0x4] =	stream.linear.gather [hbm4b:s6+s3], $0x800, $0x38;
	[tilespmem:$0x1C800] =	vst v63  }
0x69: {  	_ =	swait.ge [sflag:s20], $0x800  }
0x6a: {  	[sflag:s20] =	ssyncset.done $0x0  }
0x6b: {  	[sflag:s20] =	ssyncadd.s32 $0xFFFFF800  }
0x6c: {  	[tilespmem:s18], [sflag:$0x1] =	stream.indirect.gather [hbm4b:s4+s21], $0x80, s3, s21, $0xb8;
	[tilespmem:$0x1C800] =	vst v63  }
0x6d: {  	_ =	swait.ge [sflag:s22], $0x4000  }
0x6e: {  	[sflag:s22] =	ssyncset.done $0x0  }
0x6f: {  	[sflag:s22] =	ssyncadd.s32 $0xFFFFC000  }
0x70: {  	[tilespmem:s24], [sflag:$0x2] =	stream.indirect.gather [hbm4b:s4+s21], $0x80, s23, s21, $0xb8;
	[tilespmem:$0x1C800] =	vst v63  }
0x71: {  	_ = 	snop  }
0x72: {  	[spmem:s2] =	stream.indirect.scatter.add.f32 [tilespmem:s18], [sflag:$0x4], $0x80, s21, s21, $0xb8;
	[tilespmem:$0x1C800] =	vst v63  }
0x73: {  	_ =	swait.ge [sflag:s20], $0x4000  }
0x74: {  	[sflag:s20] =	ssyncset.done $0x0  }
0x75: {  	[sflag:s20] =	ssyncadd.s32 $0xFFFFC000  }
0x76: {  	_ =	swait.ge [sflag:s25], $0x4000  }
0x77: {  	[sflag:s25] =	ssyncset.done $0x0  }
0x78: {  	[sflag:s25] =	ssyncadd.s32 $0xFFFFC000  }
0x79: {  	[tilespmem:s18], [sflag:$0x1] =	stream.indirect.gather [hbm4b:s4+s21], $0x80, s26, s21, $0xb8;
	[tilespmem:$0x1C800] =	vst v63  }
0x7a: {  	_ = 	snop  }
0x7b: {  	[spmem:s2] =	stream.indirect.scatter.add.f32 [tilespmem:s24], [sflag:$0x4], $0x80, s28, s21, $0xb8;
	[tilespmem:$0x1C800] =	vst v63  }
0x7c: {  	_ =	swait.ge [sflag:s20], $0x4000  }
0x7d: {  	[sflag:s20] =	ssyncset.done $0x0  }
0x7e: {  	[sflag:s20] =	ssyncadd.s32 $0xFFFFC000  }
0x7f: {  	_ =	swait.ge [sflag:s22], $0x4000  }
0x80: {  	[sflag:s22] =	ssyncset.done $0x0  }
0x81: {  	[sflag:s22] =	ssyncadd.s32 $0xFFFFC000  }
0x82: {  	[tilespmem:s24], [sflag:$0x2] =	stream.indirect.gather [hbm4b:s4+s21], $0x80, s29, s21, $0xb8;
	[tilespmem:$0x1C800] =	vst v63  }
0x83: {  	_ = 	snop  }
0x84: {  	[spmem:s2] =	stream.indirect.scatter.add.f32 [tilespmem:s18], [sflag:$0x4], $0x80, s30, s21, $0xb8;
	[tilespmem:$0x1C800] =	vst v63  }
0x85: {  	_ =	swait.ge [sflag:s20], $0x4000  }
0x86: {  	[sflag:s20] =	ssyncset.done $0x0  }
0x87: {  	[sflag:s20] =	ssyncadd.s32 $0xFFFFC000  }
0x88: {  	_ =	swait.ge [sflag:s25], $0x4000  }
0x89: {  	[sflag:s25] =	ssyncset.done $0x0  }
0x8a: {  	[sflag:s25] =	ssyncadd.s32 $0xFFFFC000  }
0x8b: {  	[tilespmem:s18], [sflag:$0x1] =	stream.indirect.gather [hbm4b:s4+s21], $0x80, s31, s21, $0xb8;
	[tilespmem:$0x1C800] =	vst v63  }
0x8c: {  	_ = 	snop  }
0x8d: {  	[spmem:s2] =	stream.indirect.scatter.add.f32 [tilespmem:s24], [sflag:$0x4], $0x80, s0, s21, $0xb8;
	[tilespmem:$0x1C800] =	vst v63  }
0x8e: {  	_ =	swait.ge [sflag:s20], $0x4000  }
0x8f: {  	[sflag:s20] =	ssyncset.done $0x0  }
0x90: {  	[sflag:s20] =	ssyncadd.s32 $0xFFFFC000  }
0x91: {  	_ =	swait.ge [sflag:s22], $0x4000  }
0x92: {  	[sflag:s22] =	ssyncset.done $0x0  }
0x93: {  	[sflag:s22] =	ssyncadd.s32 $0xFFFFC000  }
0x94: {  	[tilespmem:s24], [sflag:$0x2] =	stream.indirect.gather [hbm4b:s4+s21], $0x80, s1, s21, $0xb8;
	[tilespmem:$0x1C800] =	vst v63  }
0x95: {  	_ = 	snop  }
0x96: {  	[spmem:s2] =	stream.indirect.scatter.add.f32 [tilespmem:s18], [sflag:$0x4], $0x80, s11, s21, $0xb8;
	[tilespmem:$0x1C800] =	vst v63  }
0x97: {  	_ =	swait.ge [sflag:s20], $0x4000  }
0x98: {  	[sflag:s20] =	ssyncset.done $0x0  }
0x99: {  	[sflag:s20] =	ssyncadd.s32 $0xFFFFC000  }
0x9a: {  	_ =	swait.ge [sflag:s25], $0x4000  }
0x9b: {  	[sflag:s25] =	ssyncset.done $0x0  }
0x9c: {  	[sflag:s25] =	ssyncadd.s32 $0xFFFFC000  }
0x9d: {  	[tilespmem:s18], [sflag:$0x1] =	stream.indirect.gather [hbm4b:s4+s21], $0x80, s12, s21, $0xb8;
	[tilespmem:$0x1C800] =	vst v63  }
0x9e: {  	_ = 	snop  }
0x9f: {  	[spmem:s2] =	stream.indirect.scatter.add.f32 [tilespmem:s24], [sflag:$0x4], $0x80, s13, s21, $0xb8;
	[tilespmem:$0x1C800] =	vst v63  }
0xa0: {  	_ =	swait.ge [sflag:s20], $0x4000  }
0xa1: {  	[sflag:s20] =	ssyncset.done $0x0  }
0xa2: {  	[sflag:s20] =	ssyncadd.s32 $0xFFFFC000  }
0xa3: {  	_ =	swait.ge [sflag:s22], $0x4000  }
0xa4: {  	[sflag:s22] =	ssyncset.done $0x0  }
0xa5: {  	[sflag:s22] =	ssyncadd.s32 $0xFFFFC000  }
0xa6: {  	[tilespmem:s24], [sflag:$0x2] =	stream.indirect.gather [hbm4b:s4+s21], $0x80, s14, s21, $0xb8;
	[tilespmem:$0x1C800] =	vst v63  }
0xa7: {  	_ = 	snop  }
0xa8: {  	[spmem:s2] =	stream.indirect.scatter.add.f32 [tilespmem:s18], [sflag:$0x4], $0x80, s15, s21, $0xb8;
	[tilespmem:$0x1C800] =	vst v63  }
0xa9: {  	_ =	swait.ge [sflag:s20], $0x4000  }
0xaa: {  	[sflag:s20] =	ssyncset.done $0x0  }
0xab: {  	[sflag:s20] =	ssyncadd.s32 $0xFFFFC000  }
0xac: {  	_ =	swait.ge [sflag:s25], $0x4000  }
0xad: {  	[sflag:s25] =	ssyncset.done $0x0  }
.Ltmp6:
0xae: {  	[sflag:s25] =	ssyncadd.s32 $0xFFFFC000;
	(pc) =	sbr.rel .LBB2_6-.Ltmp6, $4  }
0xaf: {  	[spmem:s2] =	stream.indirect.scatter.add.f32 [tilespmem:s24], [sflag:$0x3], $0x80, s16, s21, $0xb8;
	[tilespmem:$0x1C800] =	vst v63  }
0xb0: {  	_ =	swait.ge [sflag:s19], $0x4000  }
0xb1: {  	[sflag:s19] =	ssyncset.done $0x0  }
0xb2: {  	[sflag:s19] =	ssyncadd.s32 $0xFFFFC000  }
.LBB2_8:
0xb3: {  	_ =	sfence.sel $0x180000  }
0xb4: {  	[bflag:$0x0] =	sbarrier.arrive $0xFFFF  }
0xb5: {  	_ =	strace $0x9000004A  }
0xb6: {  	s0 =	stileid.u32;
	[bflag:$0x2] =	sbarrier.arrive $0xFFFF  }
0xb7: {  	p0 =	sne.s32 s0, $0x0;
	s0 =	rddreg [dreg:$0x2]  }
0xb8: {  	s0 =	sadd.s32 @!p0 $0x100000, s0  }
0xb9: {  	[sflag:s0] =	ssyncadd.tile.s32 @!p0 $0x1;
	_ =	shalt  }
.Lfunc_end2:
_tile_overlayer_lowered:
.L_overlay_start_2:
0xba: {  	(tag) =	ssettag $0x2  }
0xbb: {  	s0 =	rddreg [dreg:$0x0];
	s2 =	stileid.u32  }
0xbc: {  	s1 =	rddreg [dreg:$0x1];
	p0 =	sne.s32 s2, $0x0  }
0xbd: {  	s3 =	rddreg [dreg:$0x2];
	[bflag:$0x3] =	sbarrier.arrive $0xFFFF;
	s2 =	simm.s32 @!p0 $0x1C03  }
0xbe: {  	[timem:s3], [sflag:s2] =	dma.local @!p0 [hbm:s0], s1  }
0xbf: {  	s0 =	simm.s32 @!p0 $0x3  }
0xc0: {  	_ =	swait.ge @!p0 [sflag:s0], s1  }
0xc1: {  	s1 =	ssub.s32 @!p0 $0x0, s1;
	[sflag:s0] =	ssyncset.done @!p0 $0x0  }
0xc2: {  	[sflag:s0] =	ssyncadd.s32 @!p0 s1  }
0xc3: {  	[bflag:$0x3] =	sbarrier.arrive $0xFFFF  }
0xc4: {  	_ =	shalt  }

// kernel: kernel.7.cloned.1.call-start
scs
__scs_entry_jumppad:
0x0: {  	(pc) =	sbr.rel $0x88, $3  }
0x1: {  	(tag) =	ssettag $0x0;
	lr =	simm.s32 $0x1  }
0x2: {  	[smem:$0x3F94] =	sst lr;
	_ =	strace $0xD0000000  }
0x3: {  	_ = 	snop  }
0x4: {  	_ = 	snop  }
0x5: {  	_ = 	snop  }
0x6: {  	_ = 	snop  }
0x7: {  	_ = 	snop  }
__scs_overlays_trampoline_lowered:
0x8: {  	[smem:$0x3FA3] =	sst s0  }
0x9: {  	[smem:$0x3FA4] =	sst s1  }
0xa: {  	[smem:$0x3FA5] =	sst s2  }
0xb: {  	[smem:$0x3FA6] =	sst s3  }
0xc: {  	[smem:$0x3FA7] =	sst s4  }
0xd: {  	[smem:$0x3FA8] =	sst s5  }
0xe: {  	[smem:$0x3FA9] =	sst s6  }
0xf: {  	[smem:$0x3FAA] =	sst s7  }
0x10: {  	[smem:$0x3FAB] =	sst s8  }
0x11: {  	[smem:$0x3FAC] =	sst s9;
	s0 =	simm.s32 @!p0 $0x0  }
0x12: {  	s1 =	sld [smem:$0x3F92];
	s0 =	simm.s32 @p0 $0x1  }
0x13: {  	[smem:$0x3FAD] =	sst s0;
	s0 =	simm.s32 @!p1 $0x0  }
0x14: {  	s2 =	sld [smem:$0x3F91];
	s0 =	simm.s32 @p1 $0x1  }
0x15: {  	[smem:$0x3FAE] =	sst s0;
	s0 =	simm.s32 @!p2 $0x0  }
0x16: {  	s3 =	sld [smem:$0x3FDB];
	s0 =	simm.s32 @p2 $0x1  }
0x17: {  	s4 =	simm.s32 $0x1BF5;
	[smem:$0x3FB0] =	sst s0  }
0x18: {  	s0 =	sld [smem:$0x3F93];
	_ =	swait.ge [sflag:s4], $0x0  }
0x19: {  	s7 =	sld [smem:$0x3F94]  }
0x1a: {  	s8 =	sadd.s32 $0xFFFFE003, lr  }
0x1b: {  	s9 =	sadd.s32 $0xFFFFFEF7, lr;
	s5 =	simm.s32 $0xFFFFFFFF;
	p2 =	slt.u32 s8, $0xFFFFF086  }
0x1c: {  	p1 =	slt.u32 s9, $0xF7A;
	s5 =	simm.s32 @!p2 $0x0  }
0x1d: {  	s5 =	simm.s32 @p1 $0x1;
	p0 =	seq.s32 s7, s2  }
0x1e: {  	s7 =	smul.u32 @!p0 $0xF7A, s2;
	p2 =	seq.s32 @!p0 s5, $0x0  }
0x1f: {  	s9 =	smul.u32 $0xF7A, s1;
	s8 =	simm.s32 @!p0 $0x1BF5;
	p2 =	por !p2, p0  }
0x20: {  	[sflag:s8] =	ssyncset.s32 @!p0 $0xFFFFF086;
	s6 =	sadd.s32 @!p0 s3, s7;
	s7 =	simm.s32 @!p0 $0x108  }
0x21: {  	s3 =	sadd.s32 s3, s9;
	s6 =	sadd.s32 @!p0 $0x88, s6;
	s7 =	simm.s32 @p2 $0x1082  }
0x22: {  	[simem:s7], [sflag:s8] =	dma.local @!p0 [hbm:s6], $0xF7A  }
0x23: {  	s9 =	sor.u32 $0xD0000000, s2;
	s6 =	simm.s32 $0x108;
	_ =	swait.ge @!p0 [sflag:s8], $0x0  }
0x24: {  	s3 =	sadd.s32 $0x88, s3;
	s6 =	simm.s32 @!p1 $0x1082;
	[sflag:s4] =	ssyncset.s32 $0xFFFFF086  }
0x25: {  	[simem:s6], [sflag:s4] =	dma.local [hbm:s3], $0xF7A  }
0x26: {  	[smem:$0x3F94] =	sst s1;
	(tag) =	ssettag s2;
	_ =	strace s9  }
0x27: {  	s1 =	sld [smem:$0x3FA4]  }
0x28: {  	s2 =	sld [smem:$0x3FA5]  }
0x29: {  	s4 =	sld [smem:$0x3FA7]  }
0x2a: {  	p0 =	seq.s32 s5, $0x0;
	s5 =	sld [smem:$0x3FA8]  }
0x2b: {  	s6 =	sld [smem:$0x3FA9]  }
0x2c: {  	s7 =	sld [smem:$0x3FAA]  }
0x2d: {  	s3 =	simm.s32 $0x108;
	s8 =	sld [smem:$0x3FAB]  }
0x2e: {  	s3 =	simm.s32 @!p0 $0x1082;
	s9 =	sld [smem:$0x3FAC]  }
0x2f: {  	lr =	sadd.s32 s0, s3;
	s0 =	sld [smem:$0x3FA3]  }
0x30: {  	s3 =	sld [smem:$0x3FA6]  }
0x31: {  	[smem:$0x3FAF] =	sst s10  }
0x32: {  	s10 =	sld [smem:$0x3FAD];
	_ =	sdelay $0x3  }
0x33: {  	p0 =	seq.s32 s10, $0x1;
	s10 =	sld [smem:$0x3FAF];
	_ =	sdelay $0x3  }
0x34: {  	[smem:$0x3FAF] =	sst s10  }
0x35: {  	s10 =	sld [smem:$0x3FAE];
	_ =	sdelay $0x3  }
0x36: {  	p1 =	seq.s32 s10, $0x1;
	s10 =	sld [smem:$0x3FAF];
	_ =	sdelay $0x3  }
0x37: {  	[smem:$0x3FAF] =	sst s10  }
0x38: {  	s10 =	sld [smem:$0x3FB0]  }
0x39: {  	_ = 	snop;
	(pc) =	sbr.ind lr, $3  }
0x3a: {  	_ = 	snop  }
0x3b: {  	_ = 	snop  }
0x3c: {  	p2 =	seq.s32 s10, $0x1;
	s10 =	sld [smem:$0x3FAF]  }
0x3d: {  	_ =	shalt  }
0x3e: {  	_ =	shalt  }
0x3f: {  	_ =	shalt  }
0x40: {  	_ =	shalt  }
0x41: {  	_ =	shalt  }
0x42: {  	_ =	shalt  }
0x43: {  	_ =	shalt  }
0x44: {  	_ =	shalt  }
0x45: {  	_ =	shalt  }
0x46: {  	_ =	shalt  }
0x47: {  	_ =	shalt  }
0x48: {  	_ =	shalt  }
0x49: {  	_ =	shalt  }
0x4a: {  	_ =	shalt  }
0x4b: {  	_ =	shalt  }
0x4c: {  	_ =	shalt  }
0x4d: {  	_ =	shalt  }
0x4e: {  	_ =	shalt  }
0x4f: {  	_ =	shalt  }
0x50: {  	_ =	shalt  }
0x51: {  	_ =	shalt  }
0x52: {  	_ =	shalt  }
0x53: {  	_ =	shalt  }
0x54: {  	_ =	shalt  }
0x55: {  	_ =	shalt  }
0x56: {  	_ =	shalt  }
0x57: {  	_ =	shalt  }
0x58: {  	_ =	shalt  }
0x59: {  	_ =	shalt  }
0x5a: {  	_ =	shalt  }
0x5b: {  	_ =	shalt  }
0x5c: {  	_ =	shalt  }
0x5d: {  	_ =	shalt  }
0x5e: {  	_ =	shalt  }
0x5f: {  	_ =	shalt  }
0x60: {  	_ =	shalt  }
0x61: {  	_ =	shalt  }
0x62: {  	_ =	shalt  }
0x63: {  	_ =	shalt  }
0x64: {  	_ =	shalt  }
0x65: {  	_ =	shalt  }
0x66: {  	_ =	shalt  }
0x67: {  	_ =	shalt  }
0x68: {  	_ =	shalt  }
0x69: {  	_ =	shalt  }
0x6a: {  	_ =	shalt  }
0x6b: {  	_ =	shalt  }
0x6c: {  	_ =	shalt  }
0x6d: {  	_ =	shalt  }
0x6e: {  	_ =	shalt  }
0x6f: {  	_ =	shalt  }
0x70: {  	_ =	shalt  }
0x71: {  	_ =	shalt  }
0x72: {  	_ =	shalt  }
0x73: {  	_ =	shalt  }
0x74: {  	_ =	shalt  }
0x75: {  	_ =	shalt  }
0x76: {  	_ =	shalt  }
0x77: {  	_ =	shalt  }
0x78: {  	_ =	shalt  }
0x79: {  	_ =	shalt  }
0x7a: {  	_ =	shalt  }
0x7b: {  	_ =	shalt  }
0x7c: {  	_ =	shalt  }
0x7d: {  	_ =	shalt  }
0x7e: {  	_ =	shalt  }
0x7f: {  	_ =	shalt  }
0x80: {  	_ =	shalt  }
0x81: {  	_ =	shalt  }
0x82: {  	_ =	shalt  }
0x83: {  	_ =	shalt  }
0x84: {  	_ =	shalt  }
0x85: {  	_ =	shalt  }
0x86: {  	_ =	shalt  }
0x87: {  	_ =	shalt  }
.Lfunc_end0:
.L_simem_size_0:
called_computation_lowered:
.L_overlay_start_0:
0x88: {  	s2 =	sld [smem:$0x3FD9]  }
0x89: {  	s3 =	sld [smem:$0x3FFE];
	_ =	sdelay $0x1  }
0x8a: {  	s1 =	srdreg.scid  }
0x8b: {  	s0 =	sand.u32 $0x1, s1  }
0x8c: {  	s16 =	sshll.u32 s0, $0xA;
	s2 =	sadd.s32 s3, s2  }
0x8d: {  	s2 =	sadd.s32 s2, s16  }
0x8e: {  	[smem:$0x3FBB] =	sst s2  }
0x8f: {  	_ = 	snop  }
0x90: {  	(tm) =	ssettm $0x1  }
0x91: {  	s17 =	sld [smem:$0x3FFB];
	_ =	sdelay $0x3  }
0x92: {  	_ =	strace s17  }
0x93: {  	s2 =	sld [smem:$0x3FFC];
	_ =	sdelay $0x3  }
0x94: {  	_ =	strace s2  }
0x95: {  	s2 =	sld [smem:$0x3FFD];
	_ =	sdelay $0x3  }
0x96: {  	_ =	strace s2  }
0x97: {  	_ =	strace $0x8FFFFFFF  }
0x98: {  	s18 =	sld [smem:$0x3FDB];
	_ =	sdelay $0x1  }
0x99: {  	s19 =	simm.s32 $_scs_section_size  }
0x9a: {  	s4 =	simm.s32 $_size__tile_overlayer_lowered;
	s5 =	simm.s32 $_tile_overlayer_lowered  }
0x9b: {  	s22 =	simm.s32 $0x1BFF;
	s21 =	sshll.u32 s5, $0x1;
	s2 =	sadd.s32 s19, s18  }
0x9c: {  	s6 =	simm.s32 $0x0;
	s20 =	sshll.u32 s4, $0x1;
	s4 =	sadd.s32 s21, s2  }
0x9d: {  	[timem:s6], [sflag:s22] =	dma.local [hbm:s4], s20  }
0x9e: {  	_ =	swait.ge [sflag:s22], s20  }
0x9f: {  	s3 =	ssub.s32 $0x0, s20;
	[sflag:s22] =	ssyncset.done $0x0  }
0xa0: {  	[sflag:s22] =	ssyncadd.s32 s3;
	_ =	sdelay $0x1  }
0xa1: {  	s23 =	simm.s32 $0x1B8B  }
0xa2: {  	_ =	swait.ge [sflag:s23], $0x1  }
0xa3: {  	[sflag:s23] =	ssyncset.done $0x0  }
0xa4: {  	s25 =	simm.s32 $0x1B8E;
	s24 =	sld [smem:$0x3FFE];
	[sflag:s23] =	ssyncadd.s32 $0xFFFFFFFF  }
0xa5: {  	s26 =	simm.s32 $execute0_lowered;
	[smem:$0x3FD2] =	sst s25  }
0xa6: {  	s4 =	sshll.u32 s26, $0x1;
	_ =	strace $0x80000046;
	[dreg:$0x1] =	wrdreg $0xFFFFFFFF  }
0xa7: {  	s28 =	simm.s32 $_size_execute0_lowered;
	s2 =	sadd.s32 s2, s4;
	[dreg:$0x0] =	wrdreg $0x0  }
0xa8: {  	s4 =	sshll.u32 s28, $0x1;
	[dreg:$0x2] =	wrdreg s2  }
0xa9: {  	[dreg:$0x3] =	wrdreg s4  }
0xaa: {  	[dreg:$0x4] =	wrdreg $0xC0  }
0xab: {  	_ =	task [dreg:s6], $0x5FFFF  }
0xac: {  	[dreg:$0x1] =	wrdreg $0xFFFFFFFF  }
0xad: {  	[dreg:$0x0] =	wrdreg $0x60  }
0xae: {  	[dreg:$0x2] =	wrdreg s24  }
0xaf: {  	[dreg:$0x3] =	wrdreg $0x88000  }
0xb0: {  	[dreg:$0x4] =	wrdreg $0x9  }
0xb1: {  	_ =	task.clear_ibuf [dreg:s6], $0x5FFFF;
	_ =	strace $0x90000046  }
0xb2: {  	s29 =	simm.s32 $0x9;
	_ =	strace $0x80000048  }
0xb3: {  	_ =	swait.ge [sflag:s29], $0x1  }
0xb4: {  	[sflag:s29] =	ssyncadd.s32 $0xFFFFFFFF  }
0xb5: {  	_ =	strace $0x90000048  }
0xb6: {  	_ =	sfence  }
0xb7: {  	s30 =	sld [smem:$0x0];
	_ =	sdelay $0x2  }
0xb8: {  	s31 =	sshll.u32 s1, $0xD;
	s1 =	sshrl.u32 s1, $0x2  }
0xb9: {  	s3 =	sand.u32 $0x4000, s31;
	s1 =	sadd.s32 s1, s30  }
0xba: {  	s0 =	sor.u32 s3, s0;
	s1 =	sshll.u32 s1, $0x11  }
0xbb: {  	s0 =	sor.u32 s1, s0  }
0xbc: {  	s0 =	sadd.s32 $0x8F2B, s0  }
0xbd: {  	[sflag:s0] =	ssyncadd.remote.s32 $0x1  }
0xbe: {  	_ =	sfence.sel $0xFFFF  }
0xbf: {  	[dreg:$0x0] =	wrdreg $0xFFFFFFFF;
	(pc) =	sbr.abs _section_cstart, $3  }
0xc0: {  	[dreg:$0x1] =	wrdreg $0xFFFFFFFF  }
0xc1: {  	_ =	task.clear_ibuf [dreg:s6], $0x2FFFF;
	_ =	strace $0x9FFFFFFF  }
0xc2: {  	(tm) =	ssettm $0x7FFFFFFF  }
0xc3: {  	_ =	shalt  }
tec
execute0_lowered:
.L_overlay_start_1:
0x0: {  	(tag) =	ssettag $0x1  }
0x1: {  	s0 =	rddreg [dreg:$0x0]  }
0x2: {  	s2 =	rddreg [dreg:$0x1];
	s11 =	stileid.u32  }
0x3: {  	s3 =	simm.s32 $0x0;
	s1 =	srdreg.scid;
	s28 =	simm.s32 $0x100  }
0x4: {  	s29 =	simm.s32 $0x180;
	s30 =	simm.s32 $0x200;
	s4 =	smul.u32 $0x90, s11  }
0x5: {  	s31 =	simm.s32 $0x280;
	s1 =	sand.u32 $0x1, s1;
	s6 =	smul.u32 $0x50, s11  }
0x6: {  	s5 =	sshll.u32 s11, $0x4;
	[smem:$0x7FF] =	sst s3;
	s22 =	smul.u32 $0x50000, s11  }
0x7: {  	s8 =	sadd.s32 $0x72600, s0;
	s11 =	smul.u32 $0x14000, s11;
	p0 =	seq.s32 s1, $0x0  }
0x8: {  	s5 =	sor.u32 $0x900, s5;
	_ =	strace $0x80000047;
	s9 =	ssub.s32 $0x2, s1  }
0x9: {  	s1 =	smul.u32 $0x140000, s1;
	s5 =	smov.u32 @p0 s4;
	s7 =	sadd.s32 $0x500, s6  }
0xa: {  	s4 =	sadd.s32 $0x22600, s0;
	s10 =	sshrl.u32 s9, $0x1;
	s23 =	sadd.s32 $0x4000, s11  }
0xb: {  	s24 =	sadd.s32 $0x8000, s11;
	s26 =	sadd.s32 $0xC000, s11;
	s15 =	sadd.s32 $0x10000, s11  }
0xc: {  	s5 =	sshll.u32 s5, $0x5;
	s7 =	smov.u32 @p0 s6;
	s9 =	ssub.s32 s9, s10  }
0xd: {  	s12 =	sadd.s32 s23, s2;
	s25 =	sadd.s32 s24, s2;
	s13 =	sadd.s32 s26, s2  }
0xe: {  	s11 =	sadd.s32 s11, s1;
	s14 =	sadd.s32 s15, s2;
	[dreg:$0x4] =	wrdreg s12  }
0xf: {  	s10 =	sadd.s32 s1, s24;
	s5 =	sadd.s32 s5, s0;
	[dreg:$0x5] =	wrdreg s25  }
0x10: {  	s6 =	sshll.u32 s7, $0x4;
	s7 =	sshrl.u32 s22, $0x2;
	[dreg:$0x6] =	wrdreg s13  }
0x11: {  	[dreg:$0x7] =	wrdreg s14;
	s11 =	sshrl.u32 s11, $0x3;
	s10 =	sshrl.u32 s10, $0x3  }
0x12: {  	s12 =	sadd.s32 s1, s26;
	s14 =	simm.s32 $0x12;
	s25 =	smax.u32 s9, $0x1  }
0x13: {  	s13 =	simm.s32 $0x4800;
	s6 =	sadd.s32 s6, s0;
	s0 =	sadd.s32 $0xC2600, s0  }
0x14: {  	s7 =	sadd.s32 s7, s2;
	s12 =	sshrl.u32 s12, $0x3;
	s14 =	simm.s32 @!p0 $0x2  }
0x15: {  	s20 =	sadd.s32 s8, s11;
	s22 =	sadd.s32 s8, s10;
	[dreg:$0x12] =	wrdreg s25  }
0x16: {  	s26 =	sadd.s32 $0xE600, s5;
	s25 =	simm.s32 $0x4;
	s5 =	simm.s32 $0x780  }
0x17: {  	[dreg:$0x3] =	wrdreg s7;
	s7 =	sadd.s32 s1, s23;
	s16 =	sadd.s32 s0, s11  }
0x18: {  	s18 =	sadd.s32 s0, s10;
	s1 =	sadd.s32 s1, s15;
	[dreg:$0xd] =	wrdreg s20  }
0x19: {  	s19 =	sadd.s32 s0, s12;
	[dreg:$0xf] =	wrdreg s22;
	s23 =	sadd.s32 s8, s12  }
0x1a: {  	s22 =	sadd.s32 $0x4600, s6;
	[dreg:$0x13] =	wrdreg s26;
	s26 =	simm.s32 $0x80  }
0x1b: {  	s10 =	simm.s32 $0x3;
	s11 =	simm.s32 $0x5;
	[dreg:$0x8] =	wrdreg s16  }
0x1c: {  	s12 =	simm.s32 $0x1;
	s15 =	simm.s32 $0x2;
	[dreg:$0xa] =	wrdreg s18  }
0x1d: {  	s20 =	simm.s32 $0x580;
	s7 =	sshrl.u32 s7, $0x3;
	[dreg:$0xb] =	wrdreg s19  }
0x1e: {  	s1 =	sshrl.u32 s1, $0x3;
	[dreg:$0x10] =	wrdreg s23;
	s16 =	simm.s32 $0x400  }
0x1f: {  	s18 =	simm.s32 $0x480;
	s19 =	simm.s32 $0x600;
	s17 =	sadd.s32 s0, s7  }
.Ltmp0:
0x20: {  	s0 =	sadd.s32 s0, s1;
	[dreg:$0x9] =	wrdreg s17;
	(pc) =	sbr.rel .LBB2_1-.Ltmp0, $4  }
0x21: {  	s23 =	simm.s32 $0x680;
	s21 =	sadd.s32 s8, s7;
	[dreg:$0xc] =	wrdreg s0  }
0x22: {  	s24 =	sadd.s32 s8, s1;
	s1 =	simm.s32 $0x380;
	[dreg:$0xe] =	wrdreg s21  }
0x23: {  	s7 =	simm.s32 $0x0;
	[dreg:$0x11] =	wrdreg s24;
	s24 =	simm.s32 $0x800  }
0x24: {  	v0 =	vimm.f32 $0.0e+00;
	v1 =	vimm.f32 $1.000000000e+00;
	s0 =	simm.s32 $0x300;
	s17 =	simm.s32 $0x500;
	s21 =	simm.s32 $0x700  }
.LBB2_13:
0x25: {  	[bflag:$0x0] =	sbarrier.arrive $0xFFFF  }
0x26: {  	s6 =	rddreg [dreg:$0xd]  }
0x27: {  	s8 =	rddreg [dreg:$0x15]  }
0x28: {  	[hbm:s6], [sflag:s7] =	dma.local [spmem:s8], $0x800  }
0x29: {  	_ =	swait.ge [sflag:s25], $0x800  }
0x2a: {  	[sflag:s25] =	ssyncset.done $0x0;
	s6 =	rddreg [dreg:$0xe]  }
0x2b: {  	s8 =	rddreg [dreg:$0x16];
	[sflag:s25] =	ssyncadd.s32 $0xFFFFF800  }
0x2c: {  	[hbm:s6], [sflag:s7] =	dma.local [spmem:s8], $0x800  }
0x2d: {  	_ =	swait.ge [sflag:s25], $0x800  }
0x2e: {  	[sflag:s25] =	ssyncset.done $0x0;
	s6 =	rddreg [dreg:$0xf]  }
0x2f: {  	s8 =	rddreg [dreg:$0x17];
	[sflag:s25] =	ssyncadd.s32 $0xFFFFF800  }
0x30: {  	[hbm:s6], [sflag:s7] =	dma.local [spmem:s8], $0x800  }
0x31: {  	_ =	swait.ge [sflag:s25], $0x800  }
0x32: {  	[sflag:s25] =	ssyncset.done $0x0;
	s6 =	rddreg [dreg:$0x10]  }
0x33: {  	s8 =	rddreg [dreg:$0x18];
	[sflag:s25] =	ssyncadd.s32 $0xFFFFF800  }
0x34: {  	[hbm:s6], [sflag:s7] =	dma.local [spmem:s8], $0x800  }
0x35: {  	_ =	swait.ge [sflag:s25], $0x800  }
0x36: {  	[sflag:s25] =	ssyncset.done $0x0  }
0x37: {  	s8 =	rddreg [dreg:$0x11];
	[sflag:s25] =	ssyncadd.s32 $0xFFFFF800  }
0x38: {  	[hbm:s8], [sflag:s7] =	dma.local [spmem:s9], $0x800  }
0x39: {  	_ =	swait.ge [sflag:s25], $0x800  }
0x3a: {  	s8 =	rddreg [dreg:$0x14]  }
0x3b: {  	s9 =	rddreg [dreg:$0x12];
	s7 =	sadd.s32 $0x1, s8  }
0x3c: {  	p0 =	sne.s32 s7, s9  }
.Ltmp1:
0x3d: {  	_ = 	snop;
	(pc) =	sbr.rel @!p0 .LBB2_14-.Ltmp1, $3  }
0x3e: {  	_ =	sdelay $0x1  }
0x3f: {  	[sflag:s25] =	ssyncset.done $0x0  }
0x40: {  	[sflag:s25] =	ssyncadd.s32 $0xFFFFF800  }
.LBB2_1:
0x41: {  	[dreg:$0x14] =	wrdreg s7;
	s6 =	simm.s32 $0x0;
	s7 =	simm.s32 $0x200  }
.LBB2_2:
0x42: {  	p0 =	sne.s32 s7, $0xFE00;
	[tilespmem:s6+$0x870] =	vst v0  }
0x43: {  	[tilespmem:s6+$0x800] =	vst v0  }
0x44: {  	[tilespmem:s6+$0x810] =	vst v0  }
.Ltmp2:
0x45: {  	[tilespmem:s6+$0x820] =	vst v0;
	(pc) =	sbr.rel @p0 .LBB2_2-.Ltmp2, $4  }
0x46: {  	[tilespmem:s6+$0x830] =	vst v0  }
0x47: {  	[tilespmem:s6+$0x840] =	vst v0  }
0x48: {  	[tilespmem:s6+$0x850] =	vst v0  }
0x49: {  	[tilespmem:s6+$0x860] =	vst v0;
	s6 =	sshra.s32 s7, $0x2;
	s7 =	sadd.s32 $0x200, s7  }
0x4a: {  	[tilespmem:s6+$0x870] =	vst v0  }
0x4b: {  	[tilespmem:s6+$0x800] =	vst v0  }
0x4c: {  	[tilespmem:s6+$0x810] =	vst v0  }
0x4d: {  	[tilespmem:s6+$0x820] =	vst v0  }
0x4e: {  	[tilespmem:s6+$0x830] =	vst v0  }
0x4f: {  	[tilespmem:s6+$0x840] =	vst v0  }
0x50: {  	[tilespmem:s6+$0x850] =	vst v0  }
0x51: {  	[tilespmem:s6+$0x860] =	vst v0;
	s8 =	rddreg [dreg:$0x3]  }
0x52: {  	[spmem:s8] =	stream.linear.scatter [tilespmem:s24], [sflag:$0x4], $0x4000, $0x38;
	[tilespmem:$0x1C800] =	vst v63  }
0x53: {  	_ =	swait.ge [sflag:s25], $0x4000  }
0x54: {  	[sflag:s25] =	ssyncset.done $0x0  }
0x55: {  	s9 =	rddreg [dreg:$0x4];
	[sflag:s25] =	ssyncadd.s32 $0xFFFFC000  }
0x56: {  	[spmem:s9] =	stream.linear.scatter [tilespmem:s24], [sflag:$0x4], $0x4000, $0x38;
	[tilespmem:$0x1C800] =	vst v63  }
0x57: {  	_ =	swait.ge [sflag:s25], $0x4000  }
0x58: {  	[sflag:s25] =	ssyncset.done $0x0  }
0x59: {  	s7 =	rddreg [dreg:$0x5];
	[sflag:s25] =	ssyncadd.s32 $0xFFFFC000  }
0x5a: {  	[spmem:s7] =	stream.linear.scatter [tilespmem:s24], [sflag:$0x4], $0x4000, $0x38;
	[tilespmem:$0x1C800] =	vst v63  }
0x5b: {  	_ =	swait.ge [sflag:s25], $0x4000  }
0x5c: {  	[sflag:s25] =	ssyncset.done $0x0  }
0x5d: {  	s8 =	rddreg [dreg:$0x6];
	[sflag:s25] =	ssyncadd.s32 $0xFFFFC000  }
0x5e: {  	[spmem:s8] =	stream.linear.scatter [tilespmem:s24], [sflag:$0x4], $0x4000, $0x38;
	[tilespmem:$0x1C800] =	vst v63  }
0x5f: {  	_ =	swait.ge [sflag:s25], $0x4000  }
0x60: {  	[sflag:s25] =	ssyncset.done $0x0  }
0x61: {  	s9 =	rddreg [dreg:$0x7];
	[sflag:s25] =	ssyncadd.s32 $0xFFFFC000  }
0x62: {  	[spmem:s9] =	stream.linear.scatter [tilespmem:s24], [sflag:$0x4], $0x4000, $0x38;
	[tilespmem:$0x1C800] =	vst v63  }
0x63: {  	_ =	swait.ge [sflag:s25], $0x4000  }
0x64: {  	[sflag:s25] =	ssyncset.done $0x0  }
0x65: {  	s6 =	simm.s32 $0x0;
	s7 =	simm.s32 $0x200;
	[sflag:s25] =	ssyncadd.s32 $0xFFFFC000  }
.LBB2_4:
0x66: {  	p0 =	sne.s32 s7, $0xFE00;
	[tilespmem:s6+$0x870] =	vst v1  }
0x67: {  	[tilespmem:s6+$0x800] =	vst v1  }
0x68: {  	[tilespmem:s6+$0x810] =	vst v1  }
.Ltmp3:
0x69: {  	[tilespmem:s6+$0x820] =	vst v1;
	(pc) =	sbr.rel @p0 .LBB2_4-.Ltmp3, $4  }
0x6a: {  	[tilespmem:s6+$0x830] =	vst v1  }
0x6b: {  	[tilespmem:s6+$0x840] =	vst v1  }
0x6c: {  	[tilespmem:s6+$0x850] =	vst v1  }
0x6d: {  	[tilespmem:s6+$0x860] =	vst v1;
	s6 =	sshra.s32 s7, $0x2;
	s7 =	sadd.s32 $0x200, s7  }
0x6e: {  	[tilespmem:s6+$0x870] =	vst v1  }
0x6f: {  	[tilespmem:s6+$0x800] =	vst v1  }
0x70: {  	[tilespmem:s6+$0x810] =	vst v1  }
0x71: {  	[tilespmem:s6+$0x820] =	vst v1  }
0x72: {  	[tilespmem:s6+$0x830] =	vst v1  }
0x73: {  	[tilespmem:s6+$0x840] =	vst v1  }
0x74: {  	[tilespmem:s6+$0x850] =	vst v1  }
0x75: {  	[tilespmem:s6+$0x860] =	vst v1  }
0x76: {  	s9 =	sadd.s32 $0x0, s22;
	[bflag:$0x0] =	sbarrier.arrive $0xFFFF  }
0x77: {  	[tilespmem:s3], [sflag:$0x4] =	stream.linear.gather [hbm4b:s9+s3], $0x400, $0x38;
	[tilespmem:$0x1C800] =	vst v63  }
0x78: {  	_ =	swait.ge [sflag:s25], $0x400  }
0x79: {  	[sflag:s25] =	ssyncset.done $0x0  }
0x7a: {  	[sflag:s25] =	ssyncadd.s32 $0xFFFFFC00  }
0x7b: {  	[spmem:s2] =	stream.indirect.scatter.add.f32 [tilespmem:s24], [sflag:$0x3], $0x80, s3, s26, $0xb8;
	[tilespmem:$0x1C800] =	vst v63  }
0x7c: {  	_ = 	snop  }
0x7d: {  	[spmem:s2] =	stream.indirect.scatter.add.f32 [tilespmem:s24], [sflag:$0x3], $0x80, s26, s26, $0xb8;
	[tilespmem:$0x1C800] =	vst v63  }
0x7e: {  	_ = 	snop  }
0x7f: {  	[spmem:s2] =	stream.indirect.scatter.add.f32 [tilespmem:s24], [sflag:$0x3], $0x80, s28, s26, $0xb8;
	[tilespmem:$0x1C800] =	vst v63  }
0x80: {  	_ = 	snop  }
0x81: {  	[spmem:s2] =	stream.indirect.scatter.add.f32 [tilespmem:s24], [sflag:$0x3], $0x80, s29, s26, $0xb8;
	[tilespmem:$0x1C800] =	vst v63  }
0x82: {  	_ = 	snop  }
0x83: {  	[spmem:s2] =	stream.indirect.scatter.add.f32 [tilespmem:s24], [sflag:$0x3], $0x80, s30, s26, $0xb8;
	[tilespmem:$0x1C800] =	vst v63  }
0x84: {  	_ = 	snop  }
0x85: {  	[spmem:s2] =	stream.indirect.scatter.add.f32 [tilespmem:s24], [sflag:$0x3], $0x80, s31, s26, $0xb8;
	[tilespmem:$0x1C800] =	vst v63  }
0x86: {  	_ = 	snop  }
0x87: {  	[spmem:s2] =	stream.indirect.scatter.add.f32 [tilespmem:s24], [sflag:$0x3], $0x80, s0, s26, $0xb8;
	[tilespmem:$0x1C800] =	vst v63  }
0x88: {  	_ = 	snop  }
0x89: {  	[spmem:s2] =	stream.indirect.scatter.add.f32 [tilespmem:s24], [sflag:$0x3], $0x80, s1, s26, $0xb8;
	[tilespmem:$0x1C800] =	vst v63  }
0x8a: {  	_ =	swait.ge [sflag:s10], $0x4000  }
0x8b: {  	[sflag:s10] =	ssyncset.done $0x0  }
0x8c: {  	[sflag:s10] =	ssyncadd.s32 $0xFFFFC000  }
0x8d: {  	_ =	swait.ge [sflag:s10], $0x4000  }
0x8e: {  	[sflag:s10] =	ssyncset.done $0x0  }
0x8f: {  	[sflag:s10] =	ssyncadd.s32 $0xFFFFC000  }
0x90: {  	_ =	swait.ge [sflag:s10], $0x4000  }
0x91: {  	[sflag:s10] =	ssyncset.done $0x0  }
0x92: {  	[sflag:s10] =	ssyncadd.s32 $0xFFFFC000  }
0x93: {  	_ =	swait.ge [sflag:s10], $0x4000  }
0x94: {  	[sflag:s10] =	ssyncset.done $0x0  }
0x95: {  	[sflag:s10] =	ssyncadd.s32 $0xFFFFC000  }
0x96: {  	_ =	swait.ge [sflag:s10], $0x4000  }
0x97: {  	[sflag:s10] =	ssyncset.done $0x0  }
0x98: {  	[sflag:s10] =	ssyncadd.s32 $0xFFFFC000  }
0x99: {  	_ =	swait.ge [sflag:s10], $0x4000  }
0x9a: {  	[sflag:s10] =	ssyncset.done $0x0  }
0x9b: {  	[sflag:s10] =	ssyncadd.s32 $0xFFFFC000  }
0x9c: {  	_ =	swait.ge [sflag:s10], $0x4000  }
0x9d: {  	[sflag:s10] =	ssyncset.done $0x0  }
0x9e: {  	[sflag:s10] =	ssyncadd.s32 $0xFFFFC000  }
0x9f: {  	_ =	swait.ge [sflag:s10], $0x4000  }
0xa0: {  	s6 =	simm.s32 $0x80;
	s8 =	simm.s32 $0x100;
	[sflag:s10] =	ssyncset.done $0x0  }
.LBB2_6:
0xa1: {  	s9 =	sadd.s32 s6, s22  }
0xa2: {  	[sflag:s10] =	ssyncadd.s32 $0xFFFFC000;
	s6 =	smov.u32 s8;
	s7 =	sadd.s32 $0x80, s8  }
0xa3: {  	[tilespmem:s3], [sflag:$0x4] =	stream.linear.gather [hbm4b:s9+s3], $0x400, $0x38;
	[tilespmem:$0x1C800] =	vst v63  }
0xa4: {  	p0 =	sne.s32 s8, $0x480;
	_ =	swait.ge [sflag:s25], $0x400  }
0xa5: {  	[sflag:s25] =	ssyncset.done $0x0  }
0xa6: {  	[sflag:s25] =	ssyncadd.s32 $0xFFFFFC00  }
0xa7: {  	[spmem:s2] =	stream.indirect.scatter.add.f32 [tilespmem:s24], [sflag:$0x3], $0x80, s3, s26, $0xb8;
	[tilespmem:$0x1C800] =	vst v63  }
0xa8: {  	_ = 	snop  }
0xa9: {  	[spmem:s2] =	stream.indirect.scatter.add.f32 [tilespmem:s24], [sflag:$0x3], $0x80, s26, s26, $0xb8;
	[tilespmem:$0x1C800] =	vst v63  }
0xaa: {  	_ = 	snop  }
0xab: {  	[spmem:s2] =	stream.indirect.scatter.add.f32 [tilespmem:s24], [sflag:$0x3], $0x80, s28, s26, $0xb8;
	[tilespmem:$0x1C800] =	vst v63  }
0xac: {  	_ = 	snop  }
0xad: {  	[spmem:s2] =	stream.indirect.scatter.add.f32 [tilespmem:s24], [sflag:$0x3], $0x80, s29, s26, $0xb8;
	[tilespmem:$0x1C800] =	vst v63  }
0xae: {  	_ = 	snop  }
0xaf: {  	[spmem:s2] =	stream.indirect.scatter.add.f32 [tilespmem:s24], [sflag:$0x3], $0x80, s30, s26, $0xb8;
	[tilespmem:$0x1C800] =	vst v63  }
0xb0: {  	_ = 	snop  }
0xb1: {  	[spmem:s2] =	stream.indirect.scatter.add.f32 [tilespmem:s24], [sflag:$0x3], $0x80, s31, s26, $0xb8;
	[tilespmem:$0x1C800] =	vst v63  }
0xb2: {  	_ = 	snop  }
0xb3: {  	[spmem:s2] =	stream.indirect.scatter.add.f32 [tilespmem:s24], [sflag:$0x3], $0x80, s0, s26, $0xb8;
	[tilespmem:$0x1C800] =	vst v63  }
0xb4: {  	_ = 	snop  }
0xb5: {  	[spmem:s2] =	stream.indirect.scatter.add.f32 [tilespmem:s24], [sflag:$0x3], $0x80, s1, s26, $0xb8;
	[tilespmem:$0x1C800] =	vst v63  }
0xb6: {  	_ =	swait.ge [sflag:s10], $0x4000  }
0xb7: {  	[sflag:s10] =	ssyncset.done $0x0  }
0xb8: {  	[sflag:s10] =	ssyncadd.s32 $0xFFFFC000  }
0xb9: {  	_ =	swait.ge [sflag:s10], $0x4000  }
0xba: {  	[sflag:s10] =	ssyncset.done $0x0  }
0xbb: {  	[sflag:s10] =	ssyncadd.s32 $0xFFFFC000  }
0xbc: {  	_ =	swait.ge [sflag:s10], $0x4000  }
0xbd: {  	[sflag:s10] =	ssyncset.done $0x0  }
0xbe: {  	[sflag:s10] =	ssyncadd.s32 $0xFFFFC000  }
0xbf: {  	_ =	swait.ge [sflag:s10], $0x4000  }
0xc0: {  	[sflag:s10] =	ssyncset.done $0x0  }
0xc1: {  	[sflag:s10] =	ssyncadd.s32 $0xFFFFC000  }
0xc2: {  	_ =	swait.ge [sflag:s10], $0x4000  }
0xc3: {  	[sflag:s10] =	ssyncset.done $0x0  }
0xc4: {  	[sflag:s10] =	ssyncadd.s32 $0xFFFFC000  }
0xc5: {  	_ =	swait.ge [sflag:s10], $0x4000  }
0xc6: {  	[sflag:s10] =	ssyncset.done $0x0  }
0xc7: {  	[sflag:s10] =	ssyncadd.s32 $0xFFFFC000  }
.Ltmp4:
0xc8: {  	_ =	swait.ge [sflag:s10], $0x4000;
	(pc) =	sbr.rel @p0 .LBB2_6-.Ltmp4, $4  }
0xc9: {  	[sflag:s10] =	ssyncset.done $0x0  }
0xca: {  	[sflag:s10] =	ssyncadd.s32 $0xFFFFC000  }
0xcb: {  	_ =	swait.ge [sflag:s10], $0x4000  }
0xcc: {  	s8 =	smov.u32 s7;
	[sflag:s10] =	ssyncset.done $0x0  }
0xcd: {  	s6 =	sadd.s32 s6, s22;
	[sflag:s10] =	ssyncadd.s32 $0xFFFFC000  }
0xce: {  	[tilespmem:s3], [sflag:$0x4] =	stream.linear.gather [hbm4b:s6+s3], $0x400, $0x38;
	[tilespmem:$0x1C800] =	vst v63  }
0xcf: {  	_ =	swait.ge [sflag:s25], $0x400  }
0xd0: {  	[sflag:s25] =	ssyncset.done $0x0  }
0xd1: {  	[sflag:s25] =	ssyncadd.s32 $0xFFFFFC00  }
0xd2: {  	[spmem:s2] =	stream.indirect.scatter.add.f32 [tilespmem:s24], [sflag:$0x3], $0x80, s3, s26, $0xb8;
	[tilespmem:$0x1C800] =	vst v63  }
0xd3: {  	_ = 	snop  }
0xd4: {  	[spmem:s2] =	stream.indirect.scatter.add.f32 [tilespmem:s24], [sflag:$0x3], $0x80, s26, s26, $0xb8;
	[tilespmem:$0x1C800] =	vst v63  }
0xd5: {  	_ = 	snop  }
0xd6: {  	[spmem:s2] =	stream.indirect.scatter.add.f32 [tilespmem:s24], [sflag:$0x3], $0x80, s28, s26, $0xb8;
	[tilespmem:$0x1C800] =	vst v63  }
0xd7: {  	_ = 	snop  }
0xd8: {  	[spmem:s2] =	stream.indirect.scatter.add.f32 [tilespmem:s24], [sflag:$0x3], $0x80, s29, s26, $0xb8;
	[tilespmem:$0x1C800] =	vst v63  }
0xd9: {  	_ = 	snop  }
0xda: {  	[spmem:s2] =	stream.indirect.scatter.add.f32 [tilespmem:s24], [sflag:$0x3], $0x80, s30, s26, $0xb8;
	[tilespmem:$0x1C800] =	vst v63  }
0xdb: {  	_ = 	snop  }
0xdc: {  	[spmem:s2] =	stream.indirect.scatter.add.f32 [tilespmem:s24], [sflag:$0x3], $0x80, s31, s26, $0xb8;
	[tilespmem:$0x1C800] =	vst v63  }
0xdd: {  	_ = 	snop  }
0xde: {  	[spmem:s2] =	stream.indirect.scatter.add.f32 [tilespmem:s24], [sflag:$0x3], $0x80, s0, s26, $0xb8;
	[tilespmem:$0x1C800] =	vst v63  }
0xdf: {  	_ = 	snop  }
0xe0: {  	[spmem:s2] =	stream.indirect.scatter.add.f32 [tilespmem:s24], [sflag:$0x3], $0x80, s1, s26, $0xb8;
	[tilespmem:$0x1C800] =	vst v63  }
0xe1: {  	_ =	swait.ge [sflag:s10], $0x4000  }
0xe2: {  	[sflag:s10] =	ssyncset.done $0x0  }
0xe3: {  	[sflag:s10] =	ssyncadd.s32 $0xFFFFC000  }
0xe4: {  	_ =	swait.ge [sflag:s10], $0x4000  }
0xe5: {  	[sflag:s10] =	ssyncset.done $0x0  }
0xe6: {  	[sflag:s10] =	ssyncadd.s32 $0xFFFFC000  }
0xe7: {  	_ =	swait.ge [sflag:s10], $0x4000  }
0xe8: {  	[sflag:s10] =	ssyncset.done $0x0  }
0xe9: {  	[sflag:s10] =	ssyncadd.s32 $0xFFFFC000  }
0xea: {  	_ =	swait.ge [sflag:s10], $0x4000  }
0xeb: {  	[sflag:s10] =	ssyncset.done $0x0  }
0xec: {  	[sflag:s10] =	ssyncadd.s32 $0xFFFFC000  }
0xed: {  	_ =	swait.ge [sflag:s10], $0x4000  }
0xee: {  	[sflag:s10] =	ssyncset.done $0x0  }
0xef: {  	[sflag:s10] =	ssyncadd.s32 $0xFFFFC000  }
0xf0: {  	_ =	swait.ge [sflag:s10], $0x4000  }
0xf1: {  	[sflag:s10] =	ssyncset.done $0x0  }
0xf2: {  	[sflag:s10] =	ssyncadd.s32 $0xFFFFC000  }
0xf3: {  	_ =	swait.ge [sflag:s10], $0x4000  }
0xf4: {  	[sflag:s10] =	ssyncset.done $0x0  }
0xf5: {  	[sflag:s10] =	ssyncadd.s32 $0xFFFFC000  }
0xf6: {  	_ =	swait.ge [sflag:s10], $0x4000  }
0xf7: {  	[sflag:s10] =	ssyncset.done $0x0  }
0xf8: {  	[sflag:s10] =	ssyncadd.s32 $0xFFFFC000  }
0xf9: {  	[bflag:$0x0] =	sbarrier.arrive $0xFFFF  }
0xfa: {  	s7 =	stileid.u32;
	s8 =	rddreg [dreg:$0x3]  }
0xfb: {  	s6 =	sshll.u32 s7, $0x6;
	s9 =	rddreg [dreg:$0x8];
	s8 =	sshrl.u32 s8, $0x3  }
0xfc: {  	s7 =	sor.u32 $0x1C04, s6;
	[dreg:$0x15] =	wrdreg s8  }
0xfd: {  	[hbm:s9], [sflag:s7] =	dma.local [spmem:s8], $0x800  }
0xfe: {  	_ =	swait.ge [sflag:s25], $0x800  }
0xff: {  	s9 =	rddreg [dreg:$0x4]  }
0x100: {  	[sflag:s25] =	ssyncset.done $0x0;
	s6 =	sshrl.u32 s9, $0x3;
	s9 =	rddreg [dreg:$0x9]  }
0x101: {  	[sflag:s25] =	ssyncadd.s32 $0xFFFFF800;
	[dreg:$0x16] =	wrdreg s6  }
0x102: {  	[hbm:s9], [sflag:s7] =	dma.local [spmem:s6], $0x800  }
0x103: {  	_ =	swait.ge [sflag:s25], $0x800  }
0x104: {  	s9 =	rddreg [dreg:$0x5]  }
0x105: {  	[sflag:s25] =	ssyncset.done $0x0;
	s6 =	sshrl.u32 s9, $0x3;
	s9 =	rddreg [dreg:$0xa]  }
0x106: {  	[sflag:s25] =	ssyncadd.s32 $0xFFFFF800;
	[dreg:$0x17] =	wrdreg s6  }
0x107: {  	[hbm:s9], [sflag:s7] =	dma.local [spmem:s6], $0x800  }
0x108: {  	_ =	swait.ge [sflag:s25], $0x800  }
0x109: {  	s9 =	rddreg [dreg:$0x6]  }
0x10a: {  	[sflag:s25] =	ssyncset.done $0x0;
	s6 =	sshrl.u32 s9, $0x3;
	s9 =	rddreg [dreg:$0xb]  }
0x10b: {  	[sflag:s25] =	ssyncadd.s32 $0xFFFFF800;
	[dreg:$0x18] =	wrdreg s6  }
0x10c: {  	[hbm:s9], [sflag:s7] =	dma.local [spmem:s6], $0x800  }
0x10d: {  	_ =	swait.ge [sflag:s25], $0x800  }
0x10e: {  	[sflag:s25] =	ssyncset.done $0x0;
	s9 =	rddreg [dreg:$0x7]  }
0x10f: {  	s8 =	rddreg [dreg:$0xc];
	[sflag:s25] =	ssyncadd.s32 $0xFFFFF800;
	s9 =	sshrl.u32 s9, $0x3  }
0x110: {  	[hbm:s8], [sflag:s7] =	dma.local [spmem:s9], $0x800  }
0x111: {  	_ =	swait.ge [sflag:s25], $0x800  }
0x112: {  	[sflag:s25] =	ssyncset.done $0x0  }
0x113: {  	s6 =	simm.s32 $0x0;
	s8 =	simm.s32 $0x200;
	[sflag:s25] =	ssyncadd.s32 $0xFFFFF800  }
.LBB2_8:
0x114: {  	p0 =	sne.s32 s8, $0xFE00;
	[tilespmem:s6+$0x870] =	vst v0  }
0x115: {  	[tilespmem:s6+$0x800] =	vst v0  }
0x116: {  	[tilespmem:s6+$0x810] =	vst v0  }
.Ltmp5:
0x117: {  	[tilespmem:s6+$0x820] =	vst v0;
	(pc) =	sbr.rel @p0 .LBB2_8-.Ltmp5, $4  }
0x118: {  	[tilespmem:s6+$0x830] =	vst v0  }
0x119: {  	[tilespmem:s6+$0x840] =	vst v0  }
0x11a: {  	[tilespmem:s6+$0x850] =	vst v0  }
0x11b: {  	[tilespmem:s6+$0x860] =	vst v0;
	s6 =	sshra.s32 s8, $0x2;
	s8 =	sadd.s32 $0x200, s8  }
0x11c: {  	[tilespmem:s6+$0x870] =	vst v0  }
0x11d: {  	[tilespmem:s6+$0x800] =	vst v0  }
0x11e: {  	[tilespmem:s6+$0x810] =	vst v0  }
0x11f: {  	[tilespmem:s6+$0x820] =	vst v0  }
0x120: {  	[tilespmem:s6+$0x830] =	vst v0  }
0x121: {  	[tilespmem:s6+$0x840] =	vst v0  }
0x122: {  	[tilespmem:s6+$0x850] =	vst v0  }
0x123: {  	[tilespmem:s6+$0x860] =	vst v0;
	s8 =	rddreg [dreg:$0x3]  }
0x124: {  	[spmem:s8] =	stream.linear.scatter [tilespmem:s24], [sflag:$0x4], $0x4000, $0x38;
	[tilespmem:$0x1C800] =	vst v63  }
0x125: {  	_ =	swait.ge [sflag:s25], $0x4000  }
0x126: {  	[sflag:s25] =	ssyncset.done $0x0  }
0x127: {  	s8 =	rddreg [dreg:$0x4];
	[sflag:s25] =	ssyncadd.s32 $0xFFFFC000  }
0x128: {  	[spmem:s8] =	stream.linear.scatter [tilespmem:s24], [sflag:$0x4], $0x4000, $0x38;
	[tilespmem:$0x1C800] =	vst v63  }
0x129: {  	_ =	swait.ge [sflag:s25], $0x4000  }
0x12a: {  	[sflag:s25] =	ssyncset.done $0x0  }
0x12b: {  	s8 =	rddreg [dreg:$0x5];
	[sflag:s25] =	ssyncadd.s32 $0xFFFFC000  }
0x12c: {  	[spmem:s8] =	stream.linear.scatter [tilespmem:s24], [sflag:$0x4], $0x4000, $0x38;
	[tilespmem:$0x1C800] =	vst v63  }
0x12d: {  	_ =	swait.ge [sflag:s25], $0x4000  }
0x12e: {  	[sflag:s25] =	ssyncset.done $0x0  }
0x12f: {  	s8 =	rddreg [dreg:$0x6];
	[sflag:s25] =	ssyncadd.s32 $0xFFFFC000  }
0x130: {  	[spmem:s8] =	stream.linear.scatter [tilespmem:s24], [sflag:$0x4], $0x4000, $0x38;
	[tilespmem:$0x1C800] =	vst v63  }
0x131: {  	_ =	swait.ge [sflag:s25], $0x4000  }
0x132: {  	[sflag:s25] =	ssyncset.done $0x0  }
0x133: {  	s8 =	rddreg [dreg:$0x7];
	[sflag:s25] =	ssyncadd.s32 $0xFFFFC000  }
0x134: {  	[spmem:s8] =	stream.linear.scatter [tilespmem:s24], [sflag:$0x4], $0x4000, $0x38;
	[tilespmem:$0x1C800] =	vst v63  }
.Ltmp6:
0x135: {  	_ =	swait.ge [sflag:s25], $0x4000;
	(pc) =	sbr.rel .LBB2_10-.Ltmp6, $4  }
0x136: {  	[sflag:s25] =	ssyncset.done $0x0  }
0x137: {  	[sflag:s25] =	ssyncadd.s32 $0xFFFFC000  }
0x138: {  	[bflag:$0x0] =	sbarrier.arrive $0xFFFF  }
0x139: {  	s6 =	simm.s32 $0x0;
	s8 =	rddreg [dreg:$0x13]  }
.LBB2_12:
0x13a: {  	s6 =	sadd.s32 $0x1, s6  }
0x13b: {  	p0 =	sne.s32 s6, $0x12  }
.Ltmp7:
0x13c: {  	_ = 	snop;
	(pc) =	sbr.rel @!p0 .LBB2_13-.Ltmp7, $2  }
0x13d: {  	_ =	sdelay $0x2  }
0x13e: {  	s8 =	sadd.s32 $0x100, s8  }
.LBB2_10:
0x13f: {  	p0 =	sge.u32 s6, s14  }
.Ltmp8:
0x140: {  	_ = 	snop;
	(pc) =	sbr.rel @p0 .LBB2_12-.Ltmp8, $1  }
0x141: {  	_ =	sdelay $0x3  }
0x142: {  	[tilespmem:s3], [sflag:$0x5] =	stream.linear.gather [hbm4b:s8+s3], $0x800, $0x38;
	[tilespmem:$0x1C800] =	vst v63  }
0x143: {  	_ =	swait.ge [sflag:s11], $0x800  }
0x144: {  	[sflag:s11] =	ssyncset.done $0x0  }
0x145: {  	[sflag:s11] =	ssyncadd.s32 $0xFFFFF800  }
0x146: {  	[tilespmem:s24], [sflag:$0x1] =	stream.indirect.gather [hbm4b:s4+s26], $0x80, s3, s26, $0xb8;
	[tilespmem:$0x1C800] =	vst v63  }
0x147: {  	_ =	swait.ge [sflag:s12], $0x4000  }
0x148: {  	[sflag:s12] =	ssyncset.done $0x0  }
0x149: {  	[sflag:s12] =	ssyncadd.s32 $0xFFFFC000  }
0x14a: {  	[tilespmem:s13], [sflag:$0x2] =	stream.indirect.gather [hbm4b:s4+s26], $0x80, s28, s26, $0xb8;
	[tilespmem:$0x1C800] =	vst v63  }
0x14b: {  	_ = 	snop  }
0x14c: {  	[spmem:s2] =	stream.indirect.scatter.add.f32 [tilespmem:s24], [sflag:$0x5], $0x80, s26, s26, $0xb8;
	[tilespmem:$0x1C800] =	vst v63  }
0x14d: {  	_ =	swait.ge [sflag:s11], $0x4000  }
0x14e: {  	[sflag:s11] =	ssyncset.done $0x0  }
0x14f: {  	[sflag:s11] =	ssyncadd.s32 $0xFFFFC000  }
0x150: {  	_ =	swait.ge [sflag:s15], $0x4000  }
0x151: {  	[sflag:s15] =	ssyncset.done $0x0  }
0x152: {  	[sflag:s15] =	ssyncadd.s32 $0xFFFFC000  }
0x153: {  	[tilespmem:s24], [sflag:$0x1] =	stream.indirect.gather [hbm4b:s4+s26], $0x80, s30, s26, $0xb8;
	[tilespmem:$0x1C800] =	vst v63  }
0x154: {  	_ = 	snop  }
0x155: {  	[spmem:s2] =	stream.indirect.scatter.add.f32 [tilespmem:s13], [sflag:$0x5], $0x80, s29, s26, $0xb8;
	[tilespmem:$0x1C800] =	vst v63  }
0x156: {  	_ =	swait.ge [sflag:s11], $0x4000  }
0x157: {  	[sflag:s11] =	ssyncset.done $0x0  }
0x158: {  	[sflag:s11] =	ssyncadd.s32 $0xFFFFC000  }
0x159: {  	_ =	swait.ge [sflag:s12], $0x4000  }
0x15a: {  	[sflag:s12] =	ssyncset.done $0x0  }
0x15b: {  	[sflag:s12] =	ssyncadd.s32 $0xFFFFC000  }
0x15c: {  	[tilespmem:s13], [sflag:$0x2] =	stream.indirect.gather [hbm4b:s4+s26], $0x80, s0, s26, $0xb8;
	[tilespmem:$0x1C800] =	vst v63  }
0x15d: {  	_ = 	snop  }
0x15e: {  	[spmem:s2] =	stream.indirect.scatter.add.f32 [tilespmem:s24], [sflag:$0x5], $0x80, s31, s26, $0xb8;
	[tilespmem:$0x1C800] =	vst v63  }
0x15f: {  	_ =	swait.ge [sflag:s11], $0x4000  }
0x160: {  	[sflag:s11] =	ssyncset.done $0x0  }
0x161: {  	[sflag:s11] =	ssyncadd.s32 $0xFFFFC000  }
0x162: {  	_ =	swait.ge [sflag:s15], $0x4000  }
0x163: {  	[sflag:s15] =	ssyncset.done $0x0  }
0x164: {  	[sflag:s15] =	ssyncadd.s32 $0xFFFFC000  }
0x165: {  	[tilespmem:s24], [sflag:$0x1] =	stream.indirect.gather [hbm4b:s4+s26], $0x80, s16, s26, $0xb8;
	[tilespmem:$0x1C800] =	vst v63  }
0x166: {  	_ = 	snop  }
0x167: {  	[spmem:s2] =	stream.indirect.scatter.add.f32 [tilespmem:s13], [sflag:$0x5], $0x80, s1, s26, $0xb8;
	[tilespmem:$0x1C800] =	vst v63  }
0x168: {  	_ =	swait.ge [sflag:s11], $0x4000  }
0x169: {  	[sflag:s11] =	ssyncset.done $0x0  }
0x16a: {  	[sflag:s11] =	ssyncadd.s32 $0xFFFFC000  }
0x16b: {  	_ =	swait.ge [sflag:s12], $0x4000  }
0x16c: {  	[sflag:s12] =	ssyncset.done $0x0  }
0x16d: {  	[sflag:s12] =	ssyncadd.s32 $0xFFFFC000  }
0x16e: {  	[tilespmem:s13], [sflag:$0x2] =	stream.indirect.gather [hbm4b:s4+s26], $0x80, s17, s26, $0xb8;
	[tilespmem:$0x1C800] =	vst v63  }
0x16f: {  	_ = 	snop  }
0x170: {  	[spmem:s2] =	stream.indirect.scatter.add.f32 [tilespmem:s24], [sflag:$0x5], $0x80, s18, s26, $0xb8;
	[tilespmem:$0x1C800] =	vst v63  }
0x171: {  	_ =	swait.ge [sflag:s11], $0x4000  }
0x172: {  	[sflag:s11] =	ssyncset.done $0x0  }
0x173: {  	[sflag:s11] =	ssyncadd.s32 $0xFFFFC000  }
0x174: {  	_ =	swait.ge [sflag:s15], $0x4000  }
0x175: {  	[sflag:s15] =	ssyncset.done $0x0  }
0x176: {  	[sflag:s15] =	ssyncadd.s32 $0xFFFFC000  }
0x177: {  	[tilespmem:s24], [sflag:$0x1] =	stream.indirect.gather [hbm4b:s4+s26], $0x80, s19, s26, $0xb8;
	[tilespmem:$0x1C800] =	vst v63  }
0x178: {  	_ = 	snop  }
0x179: {  	[spmem:s2] =	stream.indirect.scatter.add.f32 [tilespmem:s13], [sflag:$0x5], $0x80, s20, s26, $0xb8;
	[tilespmem:$0x1C800] =	vst v63  }
0x17a: {  	_ =	swait.ge [sflag:s11], $0x4000  }
0x17b: {  	[sflag:s11] =	ssyncset.done $0x0  }
0x17c: {  	[sflag:s11] =	ssyncadd.s32 $0xFFFFC000  }
0x17d: {  	_ =	swait.ge [sflag:s12], $0x4000  }
0x17e: {  	[sflag:s12] =	ssyncset.done $0x0  }
0x17f: {  	[sflag:s12] =	ssyncadd.s32 $0xFFFFC000  }
0x180: {  	[tilespmem:s13], [sflag:$0x2] =	stream.indirect.gather [hbm4b:s4+s26], $0x80, s21, s26, $0xb8;
	[tilespmem:$0x1C800] =	vst v63  }
0x181: {  	_ = 	snop  }
0x182: {  	[spmem:s2] =	stream.indirect.scatter.add.f32 [tilespmem:s24], [sflag:$0x5], $0x80, s23, s26, $0xb8;
	[tilespmem:$0x1C800] =	vst v63  }
0x183: {  	_ =	swait.ge [sflag:s11], $0x4000  }
0x184: {  	[sflag:s11] =	ssyncset.done $0x0  }
0x185: {  	[sflag:s11] =	ssyncadd.s32 $0xFFFFC000  }
0x186: {  	_ =	swait.ge [sflag:s15], $0x4000  }
0x187: {  	[sflag:s15] =	ssyncset.done $0x0  }
.Ltmp9:
0x188: {  	[sflag:s15] =	ssyncadd.s32 $0xFFFFC000;
	(pc) =	sbr.rel .LBB2_12-.Ltmp9, $4  }
0x189: {  	[spmem:s2] =	stream.indirect.scatter.add.f32 [tilespmem:s13], [sflag:$0x4], $0x80, s5, s26, $0xb8;
	[tilespmem:$0x1C800] =	vst v63  }
0x18a: {  	_ =	swait.ge [sflag:s25], $0x4000  }
0x18b: {  	[sflag:s25] =	ssyncset.done $0x0  }
0x18c: {  	[sflag:s25] =	ssyncadd.s32 $0xFFFFC000  }
.LBB2_14:
0x18d: {  	_ =	sfence.sel $0x180000  }
0x18e: {  	[bflag:$0x0] =	sbarrier.arrive $0xFFFF  }
0x18f: {  	_ =	strace $0x90000047  }
0x190: {  	s0 =	stileid.u32;
	[bflag:$0x2] =	sbarrier.arrive $0xFFFF  }
0x191: {  	p0 =	sne.s32 s0, $0x0;
	s0 =	rddreg [dreg:$0x2]  }
0x192: {  	s0 =	sadd.s32 @!p0 $0x100000, s0  }
0x193: {  	[sflag:s0] =	ssyncadd.tile.s32 @!p0 $0x1;
	_ =	shalt  }
.Lfunc_end2:
_tile_overlayer_lowered:
.L_overlay_start_2:
0x194: {  	(tag) =	ssettag $0x2  }
0x195: {  	s0 =	rddreg [dreg:$0x0];
	s2 =	stileid.u32  }
0x196: {  	s1 =	rddreg [dreg:$0x1];
	p0 =	sne.s32 s2, $0x0  }
0x197: {  	s3 =	rddreg [dreg:$0x2];
	[bflag:$0x3] =	sbarrier.arrive $0xFFFF;
	s2 =	simm.s32 @!p0 $0x1C04  }
0x198: {  	[timem:s3], [sflag:s2] =	dma.local @!p0 [hbm:s0], s1  }
0x199: {  	s0 =	simm.s32 @!p0 $0x4  }
0x19a: {  	_ =	swait.ge @!p0 [sflag:s0], s1  }
0x19b: {  	s1 =	ssub.s32 @!p0 $0x0, s1;
	[sflag:s0] =	ssyncset.done @!p0 $0x0  }
0x19c: {  	[sflag:s0] =	ssyncadd.s32 @!p0 s1  }
0x19d: {  	[bflag:$0x3] =	sbarrier.arrive $0xFFFF  }
0x19e: {  	_ =	shalt  }

</sc_bundles>
